<compile_context>
chip_gen: v7x
topology: tpu7x:2x2x1
jax: 0.10.2.dev20260603
libtpu: 0.0.44.dev20260713+nightly
codegen_flags: <defaults>
</compile_context>

<pallas_src>
import jax
import jax.numpy as jnp
from jax import lax
from jax.experimental import pallas as pl
from jax.experimental.pallas import tpu as pltpu
from jax.experimental.pallas import tpu_sc as plsc

_B = 2
_T = 2048
_D = 1024
_M = 2
_V = 512
_TOPK = 4


def _ids_body(x_ref, wq_ref, wk_ref, wv_ref, out_ref):
    xb = x_ref[...]
    for w_i, w_ref in enumerate((wq_ref, wk_ref, wv_ref)):
        for m in range(_M):
            logits = lax.dot_general(
                xb, w_ref[m], (((1,), (1,)), ((), ())),
                preferred_element_type=jnp.float32,
            )
            mx = jnp.max(logits, axis=1, keepdims=True)
            iota = lax.broadcasted_iota(jnp.int32, logits.shape, 1)
            idx = jnp.min(jnp.where(logits == mx, iota, _V), axis=1)
            out_ref[0, 0, pl.ds((w_i * _M + m) * x_ref.shape[0], x_ref.shape[0])] = idx


def _compute_ids(x2, wq, wk, wv):
    n_w = 3 * _M
    n_tok = x2.shape[0]
    tile = 1024
    n_j = n_tok // tile
    wspec = pl.BlockSpec((_M, _V, _D), lambda j: (0, 0, 0))
    out = pl.pallas_call(
        _ids_body,
        grid=(n_j,),
        in_specs=[pl.BlockSpec((tile, _D), lambda j: (j, 0)), wspec, wspec, wspec],
        out_specs=pl.BlockSpec((1, 1, n_w * tile), lambda j: (j, 0, 0)),
        out_shape=jax.ShapeDtypeStruct((n_j, 1, n_w * tile), jnp.int32),
    )(x2, wq, wk, wv)
    return out.reshape(n_j, n_w, tile).transpose(1, 0, 2).reshape(n_w, n_tok)


def _rosa_body(kk_ref, kv_ref, vemb_ref, alpha_ref, out_ref,
               cur_ref, act_ref, ml_ref):
    c_row = kk_ref[0, 0]
    v_row = kv_ref[0, 0]
    lane = lax.broadcasted_iota(jnp.int32, (1, _T), 1)

    cur_ref[...] = jnp.where(lane == 0, -1, pltpu.roll(c_row, 1, 1))
    act_ref[...] = jnp.ones((1, _T), jnp.int32)
    ml_ref[...] = jnp.zeros((1, _T), jnp.int32)

    def body(state):
        i, _ = state
        cur = cur_ref[...]
        s = jnp.max(
            jnp.where(lane == (_T - 1) - i, c_row, -1), axis=1, keepdims=True
        )
        eq = jnp.where(cur == s, act_ref[...], 0)
        act_ref[...] = eq
        ml_ref[...] += eq
        cur_ref[...] = jnp.where(lane == 0, -1, pltpu.roll(cur, 1, 1))
        return (i + 1, jnp.sum(eq))

    lax.while_loop(lambda st: st[1] > 0, body, (jnp.int32(0), jnp.int32(1)))

    m_row = ml_ref[...]
    score = m_row * _T + ((_T - 1) - lane)
    x_col = lax.broadcasted_iota(jnp.int32, (_V, 1), 0)
    occ = c_row == x_col
    best = jnp.max(jnp.where(occ, score, -1), axis=1, keepdims=True)
    exists = best >= 0
    rpos = (_T - 1) - (best & (_T - 1))

    iota_row = lax.broadcasted_iota(jnp.int32, (1, _V + 1), 1)
    ohs = []
    for k in range(1, _TOPK + 1):
        p = rpos + k
        inb = exists & (p < _T)
        sel = lane == p
        cv = jnp.max(jnp.where(sel, c_row, 0), axis=1, keepdims=True)
        vv = jnp.max(jnp.where(sel, v_row, 0), axis=1, keepdims=True)
        keep = inb & (cv != x_col)
        vb = jnp.where(keep, cv, 0)
        va = jnp.where(keep, vv, 0)
        ohs.append((va == iota_row).astype(jnp.float32))
        ohs.append((vb == iota_row).astype(jnp.float32))
    oh_all = jnp.concatenate(ohs, axis=0)
    g_all = jnp.dot(oh_all, vemb_ref[0], preferred_element_type=jnp.float32)
    acc = jnp.zeros((_V, _D), jnp.float32)
    for k in range(_TOPK):
        acc = acc + g_all[2 * k * _V:(2 * k + 1) * _V] * \
            g_all[(2 * k + 1) * _V:(2 * k + 2) * _V]

    out_ref[0] = acc * alpha_ref[0, 0, 0]


def _build_tables(k_ids, v_ids, vemb, alpha):
    return pl.pallas_call(
        _rosa_body,
        grid=(_B, _M),
        in_specs=[
            pl.BlockSpec((1, 1, 1, _T), lambda b, m: (m, b, 0, 0)),
            pl.BlockSpec((1, 1, 1, _T), lambda b, m: (m, b, 0, 0)),
            pl.BlockSpec((1, _V + 1, _D), lambda b, m: (m, 0, 0)),
            pl.BlockSpec((1, 1, 1), lambda b, m: (m, 0, 0)),
        ],
        out_specs=pl.BlockSpec((1, _V, _D), lambda b, m: (2 * m + b, 0, 0)),
        out_shape=jax.ShapeDtypeStruct((_M * _B, _V, _D), jnp.float32),
        scratch_shapes=[
            pltpu.VMEM((1, _T), jnp.int32),
            pltpu.VMEM((1, _T), jnp.int32),
            pltpu.VMEM((1, _T), jnp.int32),
        ],
        compiler_params=pltpu.CompilerParams(
            dimension_semantics=("parallel", "arbitrary")
        ),
    )(k_ids, v_ids, vemb, alpha)


_CHUNK = 32


def _gather_out_body(r_hbm, q_hbm, out_hbm, idx0_v, idx1_v, rows0_v, rows1_v,
                     o_v, sem0, sem1):
    nc = 2
    wid = lax.axis_index("s") * nc + lax.axis_index("c")
    per_tile = (_B * _T) // 32
    base = wid * per_tile
    b = base // _T
    for ch in range(per_tile // _CHUNK):
        tok = base + ch * _CHUNK
        pltpu.sync_copy(q_hbm.at[0, pl.ds(tok, _CHUNK)], idx0_v)
        pltpu.sync_copy(q_hbm.at[1, pl.ds(tok, _CHUNK)], idx1_v)
        for g in range(_CHUNK // 16):
            sl = pl.ds(g * 16, 16)
            idx0_v[sl] = idx0_v[sl] + (0 * _B + b) * _V
            idx1_v[sl] = idx1_v[sl] + (2 * 1 + b) * _V
        cp0 = pltpu.async_copy(r_hbm.at[idx0_v], rows0_v, sem0)
        cp1 = pltpu.async_copy(r_hbm.at[idx1_v], rows1_v, sem1)
        cp0.wait()
        cp1.wait()

        def add_body(i, _):
            row = i // (_D // 16)
            sl = pl.ds((i % (_D // 16)) * 16, 16)
            o_v[row, sl] = rows0_v[row, sl] + rows1_v[row, sl]
            return 0

        lax.fori_loop(0, (_CHUNK * _D) // 16, add_body, 0, unroll=8)
        pltpu.sync_copy(o_v, out_hbm.at[pl.ds(tok, _CHUNK)])


def _gather_out(r_flat, q_flat):
    mesh = plsc.VectorSubcoreMesh(core_axis_name="c", subcore_axis_name="s")
    f = pl.kernel(
        _gather_out_body,
        out_type=jax.ShapeDtypeStruct((_B * _T, _D), jnp.float32),
        mesh=mesh,
        scratch_types=[
            pltpu.VMEM((_CHUNK,), jnp.int32),
            pltpu.VMEM((_CHUNK,), jnp.int32),
            pltpu.VMEM((_CHUNK, _D), jnp.float32),
            pltpu.VMEM((_CHUNK, _D), jnp.float32),
            pltpu.VMEM((_CHUNK, _D), jnp.float32),
            pltpu.SemaphoreType.DMA,
            pltpu.SemaphoreType.DMA,
        ],
    )
    return f(r_flat, q_flat)


def kernel(x, Wq, Wk, Wv, Vemb, alpha):
    x2 = x.reshape(_B * _T, _D)
    ids = _compute_ids(x2, Wq, Wk, Wv).reshape(3, _M, _B, _T)
    q_ids, k_ids, v_ids = ids[0], ids[1], ids[2]
    r_tab = _build_tables(
        k_ids.reshape(_M, _B, 1, _T),
        v_ids.reshape(_M, _B, 1, _T),
        Vemb,
        alpha.reshape(_M, 1, 1),
    )
    out = _gather_out(r_tab.reshape(_M * _B * _V, _D),
                      q_ids.reshape(_M, _B * _T))
    return out.reshape(_B, _T, _D)

# --- scband reference (transcript-rebuilt; emitter-appended) ---
"""Pipeline reference for scband-multi-route-rosa-layer-32796370272645 (READ-ONLY COPY).

The authoritative reference and input builder live on the scoring server;
editing this copy changes nothing except your own understanding.
"""

import jax, jax.numpy as jnp
import numpy as np

B, T, D = 2, 2048, 1024
NUM_ROUTES = 2
QK_VOCAB = 512
V_VOCAB = 512
TOPK = 4


def _build_sam(s, K, max_states):
    nxt = np.full((max_states, K), -1, dtype=np.int64)
    link = np.full((max_states,), -1, dtype=np.int64)
    length = np.zeros((max_states,), dtype=np.int64)
    e = np.full((max_states,), -1, dtype=np.int64)
    size = 1
    last = 0
    for i in range(len(s)):
        ch = int(s[i])
        cur = size; size += 1
        length[cur] = length[last] + 1
        e[cur] = i
        p = last
        while p != -1 and nxt[p, ch] == -1:
            nxt[p, ch] = cur
            p = link[p]
        if p == -1:
            link[cur] = 0
        else:
            q = nxt[p, ch]
            if length[p] + 1 == length[q]:
                link[cur] = q
            else:
                clone = size; size += 1
                length[clone] = length[p] + 1
                nxt[clone, :] = nxt[q, :]
                link[clone] = link[q]
                e[clone] = e[q]
                while p != -1 and nxt[p, ch] == q:
                    nxt[p, ch] = clone
                    p = link[p]
                link[q] = clone
                link[cur] = clone
        last = cur
    return nxt, link, e, last


def _match_positions(c, query, nxt, link, e, last, topk):
    Tq = len(query)
    Tc = len(c)
    idx_out = np.zeros((Tq, topk), dtype=np.int32)
    val_out = np.zeros((Tq, topk), dtype=np.int32)
    for t in range(Tq):
        x = int(query[t])
        p = last
        while p != -1 and nxt[p, x] == -1:
            p = link[p]
        q = -1 if p == -1 else int(nxt[p, x])
        cands = []
        if q != -1:
            rpos = int(e[q])
            if rpos >= 0:
                for off in range(1, topk + 1):
                    idx = rpos + off
                    if 0 <= idx < Tc:
                        if int(c[idx]) != x:
                            cands.append((idx, int(c[idx])))
                    else:
                        break
        for i in range(topk):
            if i < len(cands):
                idx_out[t, i] = cands[i][0]
                val_out[t, i] = cands[i][1]
            else:
                idx_out[t, i] = -1
                val_out[t, i] = 0
    return idx_out, val_out


def _rosa_indices(key_np, query_np, K, topk):
    Bn, Tn = key_np.shape
    idxs = np.zeros((Bn, Tn, topk), dtype=np.int32)
    vals = np.zeros((Bn, Tn, topk), dtype=np.int32)
    for b in range(Bn):
        nxt, link, e, last = _build_sam(key_np[b], K, 2 * Tn + 10)
        io, vo = _match_positions(key_np[b], query_np[b], nxt, link, e, last, topk)
        idxs[b] = io
        vals[b] = vo
    return idxs, vals


def setup_inputs(seed: int = 0):
    key = jax.random.key(seed)
    ks = jax.random.split(key, 6)
    x = jax.random.normal(ks[0], (B, T, D), dtype=jnp.float32)
    Wq = jax.random.normal(ks[1], (NUM_ROUTES, QK_VOCAB, D), dtype=jnp.float32) * 0.02
    Wk = jax.random.normal(ks[2], (NUM_ROUTES, QK_VOCAB, D), dtype=jnp.float32) * 0.02
    Wv = jax.random.normal(ks[3], (NUM_ROUTES, V_VOCAB, D), dtype=jnp.float32) * 0.02
    Vemb = jax.random.normal(ks[4], (NUM_ROUTES, V_VOCAB + 1, D), dtype=jnp.float32) * 0.02
    Vemb = Vemb.at[:, 0, :].set(0.0)
    alpha = jax.random.normal(ks[5], (NUM_ROUTES,), dtype=jnp.float32) * 0.1
    return {"x": x, "Wq": Wq, "Wk": Wk, "Wv": Wv, "Vemb": Vemb, "alpha": alpha}


def reference(x, Wq, Wk, Wv, Vemb, alpha):
    Bn, Tn, Dn = x.shape
    out = jnp.zeros((Bn, Tn, Dn), dtype=x.dtype)
    for m in range(NUM_ROUTES):
        key_ids = jnp.argmax(x @ Wk[m].T, axis=-1)
        query_ids = jnp.argmax(x @ Wq[m].T, axis=-1)
        value_ids = jnp.argmax(x @ Wv[m].T, axis=-1)
        idxs, vals = jax.pure_callback(
            lambda k, q: _rosa_indices(np.asarray(k), np.asarray(q), QK_VOCAB, TOPK),
            (
                jax.ShapeDtypeStruct((Bn, Tn, TOPK), jnp.int32),
                jax.ShapeDtypeStruct((Bn, Tn, TOPK), jnp.int32),
            ),
            key_ids,
            query_ids,
        )
        indices = jnp.asarray(idxs)
        vcodes = jnp.asarray(vals)
        mask = indices >= 0
        idx_safe = jnp.where(mask, indices, 0)
        v_out = Vemb[m][value_ids]
        v_gather = v_out[jnp.arange(Bn)[:, None, None], idx_safe]
        v_lookup = Vemb[m][vcodes]
        rosa = (v_gather * v_lookup).sum(axis=2)
        rosa = rosa * mask.any(axis=-1, keepdims=True).astype(rosa.dtype)
        out = out + alpha[m] * rosa
    return out

if __name__ == "__main__":
    import jax
    _d = setup_inputs()
    print(jax.jit(kernel)(*tuple(_d.values())))

</pallas_src>

<mosaic_0001>
#map = affine_map<(d0, d1) -> (0, 0)>
module attributes {stable_mosaic.version = 14 : i64} {
  func.func @_gather_out_body(%arg0: i32, %arg1: i32, %arg2: memref<2048x1024xf32, #tpu.memory_space<hbm>>, %arg3: memref<2x4096xi32, #tpu.memory_space<hbm>>, %arg4: memref<4096x1024xf32, #tpu.memory_space<hbm>>, %arg5: memref<32xi32, #tpu.memory_space<vmem>>, %arg6: memref<32xi32, #tpu.memory_space<vmem>>, %arg7: memref<32x1024xf32, #tpu.memory_space<vmem>>, %arg8: memref<32x1024xf32, #tpu.memory_space<vmem>>, %arg9: memref<32x1024xf32, #tpu.memory_space<vmem>>, %arg10: memref<!tpu.dma_semaphore, #tpu.memory_space<semaphore_mem>>, %arg11: memref<!tpu.dma_semaphore, #tpu.memory_space<semaphore_mem>>) attributes {dimension_semantics = [#tpu.dimension_semantics<core_parallel>, #tpu.dimension_semantics<subcore_parallel>], iteration_bounds = array<i64: 2, 16>, scalar_prefetch = 0 : i64, scratch_operands = 7 : i64, tpu.core_type = #tpu.core_type<sc_vector_subcore>, window_params = [{transform_indices = #map}, {transform_indices = #map}, {transform_indices = #map}]} {
    %mul3A = arith.constant 2 : i32
    %mul3A_0 = arith.muli %arg1, %mul3A : i32
    %add3A = arith.addi %mul3A_0, %arg0 : i32
    %mul3A_1 = arith.constant 128 : i32
    %mul3A_2 = arith.muli %add3A, %mul3A_1 : i32
    %jit3A = arith.constant 2048 : i32
    %div3A = arith.divsi %mul3A_2, %jit3A : i32
    %sign3A = arith.constant 0 : i32
    %sign3A_3 = arith.cmpi sgt, %mul3A_2, %sign3A : i32
    %sign3A_4 = arith.extui %sign3A_3 : i1 to i32
    %sign3A_5 = arith.constant 0 : i32
    %sign3A_6 = arith.cmpi slt, %mul3A_2, %sign3A_5 : i32
    %sign3A_7 = arith.extui %sign3A_6 : i1 to i32
    %sign3A_8 = arith.subi %sign3A_4, %sign3A_7 : i32
    %sign3A_9 = arith.constant 0 : i32
    %sign3A_10 = arith.cmpi sgt, %jit3A, %sign3A_9 : i32
    %sign3A_11 = arith.extui %sign3A_10 : i1 to i32
    %sign3A_12 = arith.constant 0 : i32
    %sign3A_13 = arith.cmpi slt, %jit3A, %sign3A_12 : i32
    %sign3A_14 = arith.extui %sign3A_13 : i1 to i32
    %sign3A_15 = arith.subi %sign3A_11, %sign3A_14 : i32
    %ne3A = arith.cmpi ne, %sign3A_8, %sign3A_15 : i32
    %rem3A = arith.remsi %mul3A_2, %jit3A : i32
    %ne3A_16 = arith.constant 0 : i32
    %ne3A_17 = arith.cmpi ne, %rem3A, %ne3A_16 : i32
    %and3A = arith.andi %ne3A, %ne3A_17 : i1
    %sub3A = arith.constant 1 : i32
    %sub3A_18 = arith.subi %div3A, %sub3A : i32
    %select_n3A = arith.select %and3A, %sub3A_18, %div3A : i32
    %add3A_19 = arith.constant 0 : i32
    %add3A_20 = arith.addi %mul3A_2, %add3A_19 : i32
    %run_scoped3A = arith.constant 0 : i32
    "tpu.region"() ({
      %run_scoped3A_313 = tpu.sem_alloc : memref<!tpu.dma_semaphore, #tpu.memory_space<semaphore_mem>>
      %dma_start3A_314 = tpu.memref_slice %arg3[%run_scoped3A, %add3A_20] : memref<2x4096xi32, #tpu.memory_space<hbm>> -> memref<1x32xi32, #tpu.memory_space<hbm>>
      %dma_start3A_315 = tpu.memref_squeeze %dma_start3A_314 : memref<1x32xi32, #tpu.memory_space<hbm>> -> memref<32xi32, #tpu.memory_space<hbm>>
      %dma_start3A_316 = tpu.memref_slice %arg3[%run_scoped3A, %add3A_20] : memref<2x4096xi32, #tpu.memory_space<hbm>> -> memref<1x32xi32, #tpu.memory_space<hbm>>
      %dma_start3A_317 = tpu.memref_squeeze %dma_start3A_316 : memref<1x32xi32, #tpu.memory_space<hbm>> -> memref<32xi32, #tpu.memory_space<hbm>>
      tpu.enqueue_dma source(%dma_start3A_317 : memref<32xi32, #tpu.memory_space<hbm>>) target(%arg5 : memref<32xi32, #tpu.memory_space<vmem>>) target_semaphore(%run_scoped3A_313 : memref<!tpu.dma_semaphore, #tpu.memory_space<semaphore_mem>>)
      %dma_wait3A_318 = tpu.memref_slice %arg3[%run_scoped3A, %add3A_20] : memref<2x4096xi32, #tpu.memory_space<hbm>> -> memref<1x32xi32, #tpu.memory_space<hbm>>
      %dma_wait3A_319 = tpu.memref_squeeze %dma_wait3A_318 : memref<1x32xi32, #tpu.memory_space<hbm>> -> memref<32xi32, #tpu.memory_space<hbm>>
      %dma_wait3A_320 = tpu.memref_slice %arg3[%run_scoped3A, %add3A_20] : memref<2x4096xi32, #tpu.memory_space<hbm>> -> memref<1x32xi32, #tpu.memory_space<hbm>>
      %dma_wait3A_321 = tpu.memref_squeeze %dma_wait3A_320 : memref<1x32xi32, #tpu.memory_space<hbm>> -> memref<32xi32, #tpu.memory_space<hbm>>
      tpu.wait_dma2 semaphore(%run_scoped3A_313 : memref<!tpu.dma_semaphore, #tpu.memory_space<semaphore_mem>>) src(%dma_wait3A_321 : memref<32xi32, #tpu.memory_space<hbm>>) dst(%arg5 : memref<32xi32, #tpu.memory_space<vmem>>)
      tpu.yield
    }) : () -> ()
    %run_scoped3A_21 = arith.constant 1 : i32
    "tpu.region"() ({
      %run_scoped3A_313 = tpu.sem_alloc : memref<!tpu.dma_semaphore, #tpu.memory_space<semaphore_mem>>
      %dma_start3A_314 = tpu.memref_slice %arg3[%run_scoped3A_21, %add3A_20] : memref<2x4096xi32, #tpu.memory_space<hbm>> -> memref<1x32xi32, #tpu.memory_space<hbm>>
      %dma_start3A_315 = tpu.memref_squeeze %dma_start3A_314 : memref<1x32xi32, #tpu.memory_space<hbm>> -> memref<32xi32, #tpu.memory_space<hbm>>
      %dma_start3A_316 = tpu.memref_slice %arg3[%run_scoped3A_21, %add3A_20] : memref<2x4096xi32, #tpu.memory_space<hbm>> -> memref<1x32xi32, #tpu.memory_space<hbm>>
      %dma_start3A_317 = tpu.memref_squeeze %dma_start3A_316 : memref<1x32xi32, #tpu.memory_space<hbm>> -> memref<32xi32, #tpu.memory_space<hbm>>
      tpu.enqueue_dma source(%dma_start3A_317 : memref<32xi32, #tpu.memory_space<hbm>>) target(%arg6 : memref<32xi32, #tpu.memory_space<vmem>>) target_semaphore(%run_scoped3A_313 : memref<!tpu.dma_semaphore, #tpu.memory_space<semaphore_mem>>)
      %dma_wait3A_318 = tpu.memref_slice %arg3[%run_scoped3A_21, %add3A_20] : memref<2x4096xi32, #tpu.memory_space<hbm>> -> memref<1x32xi32, #tpu.memory_space<hbm>>
      %dma_wait3A_319 = tpu.memref_squeeze %dma_wait3A_318 : memref<1x32xi32, #tpu.memory_space<hbm>> -> memref<32xi32, #tpu.memory_space<hbm>>
      %dma_wait3A_320 = tpu.memref_slice %arg3[%run_scoped3A_21, %add3A_20] : memref<2x4096xi32, #tpu.memory_space<hbm>> -> memref<1x32xi32, #tpu.memory_space<hbm>>
      %dma_wait3A_321 = tpu.memref_squeeze %dma_wait3A_320 : memref<1x32xi32, #tpu.memory_space<hbm>> -> memref<32xi32, #tpu.memory_space<hbm>>
      tpu.wait_dma2 semaphore(%run_scoped3A_313 : memref<!tpu.dma_semaphore, #tpu.memory_space<semaphore_mem>>) src(%dma_wait3A_321 : memref<32xi32, #tpu.memory_space<hbm>>) dst(%arg6 : memref<32xi32, #tpu.memory_space<vmem>>)
      tpu.yield
    }) : () -> ()
    %get3A = arith.constant 0 : index
    %get3A_22 = tpu.vector_load %arg5[%get3A] {strides = array<i32>} : memref<32xi32, #tpu.memory_space<vmem>>, vector<16xi32>,
    %get3A_23 = vector.shape_cast %get3A_22 : vector<16xi32> to vector<16xi32>
    %add3A_24 = arith.constant 0 : i32
    %add3A_25 = arith.addi %add3A_24, %select_n3A : i32
    %mul3A_26 = arith.constant 512 : i32
    %mul3A_27 = arith.muli %add3A_25, %mul3A_26 : i32
    %add3A_28 = vector.broadcast %mul3A_27 : i32 to vector<16xi32>
    %add3A_29 = arith.addi %get3A_23, %add3A_28 : vector<16xi32>
    %swap3A = arith.constant 0 : index
    %swap3A_30 = tpu.vector_load %arg5[%swap3A] {strides = array<i32>} : memref<32xi32, #tpu.memory_space<vmem>>, vector<16xi32>,
    %swap3A_31 = vector.shape_cast %swap3A_30 : vector<16xi32> to vector<16xi32>
    %swap3A_32 = vector.shape_cast %add3A_29 : vector<16xi32> to vector<16xi32>
    tpu.vector_store %arg5[%swap3A], %swap3A_32 {strides = array<i32>} : memref<32xi32, #tpu.memory_space<vmem>>, vector<16xi32>,
    %get3A_33 = arith.constant 0 : index
    %get3A_34 = tpu.vector_load %arg6[%get3A_33] {strides = array<i32>} : memref<32xi32, #tpu.memory_space<vmem>>, vector<16xi32>,
    %get3A_35 = vector.shape_cast %get3A_34 : vector<16xi32> to vector<16xi32>
    %add3A_36 = arith.constant 2 : i32
    %add3A_37 = arith.addi %add3A_36, %select_n3A : i32
    %mul3A_38 = arith.constant 512 : i32
    %mul3A_39 = arith.muli %add3A_37, %mul3A_38 : i32
    %add3A_40 = vector.broadcast %mul3A_39 : i32 to vector<16xi32>
    %add3A_41 = arith.addi %get3A_35, %add3A_40 : vector<16xi32>
    %swap3A_42 = arith.constant 0 : index
    %swap3A_43 = tpu.vector_load %arg6[%swap3A_42] {strides = array<i32>} : memref<32xi32, #tpu.memory_space<vmem>>, vector<16xi32>,
    %swap3A_44 = vector.shape_cast %swap3A_43 : vector<16xi32> to vector<16xi32>
    %swap3A_45 = vector.shape_cast %add3A_41 : vector<16xi32> to vector<16xi32>
    tpu.vector_store %arg6[%swap3A_42], %swap3A_45 {strides = array<i32>} : memref<32xi32, #tpu.memory_space<vmem>>, vector<16xi32>,
    %get3A_46 = arith.constant 16 : index
    %get3A_47 = tpu.vector_load %arg5[%get3A_46] {strides = array<i32>} : memref<32xi32, #tpu.memory_space<vmem>>, vector<16xi32>,
    %get3A_48 = vector.shape_cast %get3A_47 : vector<16xi32> to vector<16xi32>
    %add3A_49 = arith.constant 0 : i32
    %add3A_50 = arith.addi %add3A_49, %select_n3A : i32
    %mul3A_51 = arith.constant 512 : i32
    %mul3A_52 = arith.muli %add3A_50, %mul3A_51 : i32
    %add3A_53 = vector.broadcast %mul3A_52 : i32 to vector<16xi32>
    %add3A_54 = arith.addi %get3A_48, %add3A_53 : vector<16xi32>
    %swap3A_55 = arith.constant 16 : index
    %swap3A_56 = tpu.vector_load %arg5[%swap3A_55] {strides = array<i32>} : memref<32xi32, #tpu.memory_space<vmem>>, vector<16xi32>,
    %swap3A_57 = vector.shape_cast %swap3A_56 : vector<16xi32> to vector<16xi32>
    %swap3A_58 = vector.shape_cast %add3A_54 : vector<16xi32> to vector<16xi32>
    tpu.vector_store %arg5[%swap3A_55], %swap3A_58 {strides = array<i32>} : memref<32xi32, #tpu.memory_space<vmem>>, vector<16xi32>,
    %get3A_59 = arith.constant 16 : index
    %get3A_60 = tpu.vector_load %arg6[%get3A_59] {strides = array<i32>} : memref<32xi32, #tpu.memory_space<vmem>>, vector<16xi32>,
    %get3A_61 = vector.shape_cast %get3A_60 : vector<16xi32> to vector<16xi32>
    %add3A_62 = arith.constant 2 : i32
    %add3A_63 = arith.addi %add3A_62, %select_n3A : i32
    %mul3A_64 = arith.constant 512 : i32
    %mul3A_65 = arith.muli %add3A_63, %mul3A_64 : i32
    %add3A_66 = vector.broadcast %mul3A_65 : i32 to vector<16xi32>
    %add3A_67 = arith.addi %get3A_61, %add3A_66 : vector<16xi32>
    %swap3A_68 = arith.constant 16 : index
    %swap3A_69 = tpu.vector_load %arg6[%swap3A_68] {strides = array<i32>} : memref<32xi32, #tpu.memory_space<vmem>>, vector<16xi32>,
    %swap3A_70 = vector.shape_cast %swap3A_69 : vector<16xi32> to vector<16xi32>
    %swap3A_71 = vector.shape_cast %add3A_67 : vector<16xi32> to vector<16xi32>
    tpu.vector_store %arg6[%swap3A_68], %swap3A_71 {strides = array<i32>} : memref<32xi32, #tpu.memory_space<vmem>>, vector<16xi32>,
    %dma_start3A = arith.constant 0 : i32
    %dma_start3A_72 = arith.constant 0 : i32
    %dma_start3A_73 = tpu.memref_slice %arg2[%dma_start3A, %dma_start3A_72] : memref<2048x1024xf32, #tpu.memory_space<hbm>> -> memref<2048x1024xf32, #tpu.memory_space<hbm>>
    tpu.enqueue_indirect_dma source(%dma_start3A_73 : memref<2048x1024xf32, #tpu.memory_space<hbm>>) target(%arg7 : memref<32x1024xf32, #tpu.memory_space<vmem>>) offsets(%arg5 : memref<32xi32, #tpu.memory_space<vmem>>) semaphore(%arg10 : memref<!tpu.dma_semaphore, #tpu.memory_space<semaphore_mem>>)
    %dma_start3A_74 = arith.constant 0 : i32
    %dma_start3A_75 = arith.constant 0 : i32
    %dma_start3A_76 = tpu.memref_slice %arg2[%dma_start3A_74, %dma_start3A_75] : memref<2048x1024xf32, #tpu.memory_space<hbm>> -> memref<2048x1024xf32, #tpu.memory_space<hbm>>
    tpu.enqueue_indirect_dma source(%dma_start3A_76 : memref<2048x1024xf32, #tpu.memory_space<hbm>>) target(%arg8 : memref<32x1024xf32, #tpu.memory_space<vmem>>) offsets(%arg6 : memref<32xi32, #tpu.memory_space<vmem>>) semaphore(%arg11 : memref<!tpu.dma_semaphore, #tpu.memory_space<semaphore_mem>>)
    %dma_wait3A = arith.constant 0 : i32
    %dma_wait3A_77 = arith.constant 0 : i32
    %dma_wait3A_78 = tpu.memref_slice %arg2[%dma_wait3A, %dma_wait3A_77] : memref<2048x1024xf32, #tpu.memory_space<hbm>> -> memref<2048x1024xf32, #tpu.memory_space<hbm>>
    tpu.wait_indirect_dma semaphore(%arg10 : memref<!tpu.dma_semaphore, #tpu.memory_space<semaphore_mem>>) src(%dma_wait3A_78 : memref<2048x1024xf32, #tpu.memory_space<hbm>>) dst(%arg7 : memref<32x1024xf32, #tpu.memory_space<vmem>>)
    %dma_wait3A_79 = arith.constant 0 : i32
    %dma_wait3A_80 = arith.constant 0 : i32
    %dma_wait3A_81 = tpu.memref_slice %arg2[%dma_wait3A_79, %dma_wait3A_80] : memref<2048x1024xf32, #tpu.memory_space<hbm>> -> memref<2048x1024xf32, #tpu.memory_space<hbm>>
    tpu.wait_indirect_dma semaphore(%arg11 : memref<!tpu.dma_semaphore, #tpu.memory_space<semaphore_mem>>) src(%dma_wait3A_81 : memref<2048x1024xf32, #tpu.memory_space<hbm>>) dst(%arg8 : memref<32x1024xf32, #tpu.memory_space<vmem>>)
    %scan3A = arith.constant 0 : i32
    %scan3A_82 = arith.constant 0 : i32
    %scan3A_83 = arith.constant 2048 : i32
    %scan3A_84 = arith.addi %scan3A_82, %scan3A_83 : i32
    %scan3A_85 = arith.constant 8 : i32
    %scan3A_86 = scf.for %scan3A_313 = %scan3A_82 to %scan3A_84 step %scan3A_85 iter_args(%scan3A_314 = %scan3A) -> (i32)  : i32 {
      %jit3A_315 = arith.constant 64 : i32
      %div3A_316 = arith.divsi %scan3A_313, %jit3A_315 : i32
      %sign3A_317 = arith.constant 0 : i32
      %sign3A_318 = arith.cmpi sgt, %scan3A_313, %sign3A_317 : i32
      %sign3A_319 = arith.extui %sign3A_318 : i1 to i32
      %sign3A_320 = arith.constant 0 : i32
      %sign3A_321 = arith.cmpi slt, %scan3A_313, %sign3A_320 : i32
      %sign3A_322 = arith.extui %sign3A_321 : i1 to i32
      %sign3A_323 = arith.subi %sign3A_319, %sign3A_322 : i32
      %sign3A_324 = arith.constant 0 : i32
      %sign3A_325 = arith.cmpi sgt, %jit3A_315, %sign3A_324 : i32
      %sign3A_326 = arith.extui %sign3A_325 : i1 to i32
      %sign3A_327 = arith.constant 0 : i32
      %sign3A_328 = arith.cmpi slt, %jit3A_315, %sign3A_327 : i32
      %sign3A_329 = arith.extui %sign3A_328 : i1 to i32
      %sign3A_330 = arith.subi %sign3A_326, %sign3A_329 : i32
      %ne3A_331 = arith.cmpi ne, %sign3A_323, %sign3A_330 : i32
      %rem3A_332 = arith.remsi %scan3A_313, %jit3A_315 : i32
      %ne3A_333 = arith.constant 0 : i32
      %ne3A_334 = arith.cmpi ne, %rem3A_332, %ne3A_333 : i32
      %and3A_335 = arith.andi %ne3A_331, %ne3A_334 : i1
      %sub3A_336 = arith.constant 1 : i32
      %sub3A_337 = arith.subi %div3A_316, %sub3A_336 : i32
      %select_n3A_338 = arith.select %and3A_335, %sub3A_337, %div3A_316 : i32
      %jit3A_339 = arith.constant 64 : i32
      %eq3A = arith.constant 0 : i32
      %eq3A_340 = arith.cmpi eq, %jit3A_339, %eq3A : i32
      %jit3A_341 = arith.constant 1 : i32
      %select_n3A_342 = arith.select %eq3A_340, %jit3A_341, %jit3A_339 : i32
      %rem3A_343 = arith.remsi %scan3A_313, %select_n3A_342 : i32
      %ne3A_344 = arith.constant 0 : i32
      %ne3A_345 = arith.cmpi ne, %rem3A_343, %ne3A_344 : i32
      %lt3A = arith.constant 0 : i32
      %lt3A_346 = arith.cmpi slt, %rem3A_343, %lt3A : i32
      %lt3A_347 = arith.constant 0 : i32
      %lt3A_348 = arith.cmpi slt, %select_n3A_342, %lt3A_347 : i32
      %ne3A_349 = arith.xori %lt3A_346, %lt3A_348 : i1
      %and3A_350 = arith.andi %ne3A_349, %ne3A_345 : i1
      %add3A_351 = arith.addi %rem3A_343, %select_n3A_342 : i32
      %select_n3A_352 = arith.select %and3A_350, %add3A_351, %rem3A_343 : i32
      %mul3A_353 = arith.constant 16 : i32
      %mul3A_354 = arith.muli %select_n3A_352, %mul3A_353 : i32
      %get3A_355 = arith.index_cast %select_n3A_338 : i32 to index
      %get3A_356 = arith.index_cast %mul3A_354 : i32 to index
      %get3A_357 = tpu.vector_load %arg7[%get3A_355, %get3A_356] {strides = array<i32>} : memref<32x1024xf32, #tpu.memory_space<vmem>>, vector<1x16xf32>,
      %get3A_358 = vector.shape_cast %get3A_357 : vector<1x16xf32> to vector<16xf32>
      %get3A_359 = arith.index_cast %select_n3A_338 : i32 to index
      %get3A_360 = arith.index_cast %mul3A_354 : i32 to index
      %get3A_361 = tpu.vector_load %arg8[%get3A_359, %get3A_360] {strides = array<i32>} : memref<32x1024xf32, #tpu.memory_space<vmem>>, vector<1x16xf32>,
      %get3A_362 = vector.shape_cast %get3A_361 : vector<1x16xf32> to vector<16xf32>
      %add3A_363 = arith.addf %get3A_358, %get3A_362 : vector<16xf32>
      %swap3A_364 = arith.index_cast %select_n3A_338 : i32 to index
      %swap3A_365 = arith.index_cast %mul3A_354 : i32 to index
      %swap3A_366 = tpu.vector_load %arg9[%swap3A_364, %swap3A_365] {strides = array<i32>} : memref<32x1024xf32, #tpu.memory_space<vmem>>, vector<1x16xf32>,
      %swap3A_367 = vector.shape_cast %swap3A_366 : vector<1x16xf32> to vector<16xf32>
      %swap3A_368 = vector.shape_cast %add3A_363 : vector<16xf32> to vector<1x16xf32>
      tpu.vector_store %arg9[%swap3A_364, %swap3A_365], %swap3A_368 {strides = array<i32>} : memref<32x1024xf32, #tpu.memory_space<vmem>>, vector<1x16xf32>,
      %scan3A_369 = arith.constant 0 : i32
      %scan3A_370 = arith.constant 1 : i32
      %scan3A_371 = arith.addi %scan3A_313, %scan3A_370 : i32
      %jit3A_372 = arith.constant 64 : i32
      %div3A_373 = arith.divsi %scan3A_371, %jit3A_372 : i32
      %sign3A_374 = arith.constant 0 : i32
      %sign3A_375 = arith.cmpi sgt, %scan3A_371, %sign3A_374 : i32
      %sign3A_376 = arith.extui %sign3A_375 : i1 to i32
      %sign3A_377 = arith.constant 0 : i32
      %sign3A_378 = arith.cmpi slt, %scan3A_371, %sign3A_377 : i32
      %sign3A_379 = arith.extui %sign3A_378 : i1 to i32
      %sign3A_380 = arith.subi %sign3A_376, %sign3A_379 : i32
      %sign3A_381 = arith.constant 0 : i32
      %sign3A_382 = arith.cmpi sgt, %jit3A_372, %sign3A_381 : i32
      %sign3A_383 = arith.extui %sign3A_382 : i1 to i32
      %sign3A_384 = arith.constant 0 : i32
      %sign3A_385 = arith.cmpi slt, %jit3A_372, %sign3A_384 : i32
      %sign3A_386 = arith.extui %sign3A_385 : i1 to i32
      %sign3A_387 = arith.subi %sign3A_383, %sign3A_386 : i32
      %ne3A_388 = arith.cmpi ne, %sign3A_380, %sign3A_387 : i32
      %rem3A_389 = arith.remsi %scan3A_371, %jit3A_372 : i32
      %ne3A_390 = arith.constant 0 : i32
      %ne3A_391 = arith.cmpi ne, %rem3A_389, %ne3A_390 : i32
      %and3A_392 = arith.andi %ne3A_388, %ne3A_391 : i1
      %sub3A_393 = arith.constant 1 : i32
      %sub3A_394 = arith.subi %div3A_373, %sub3A_393 : i32
      %select_n3A_395 = arith.select %and3A_392, %sub3A_394, %div3A_373 : i32
      %jit3A_396 = arith.constant 64 : i32
      %eq3A_397 = arith.constant 0 : i32
      %eq3A_398 = arith.cmpi eq, %jit3A_396, %eq3A_397 : i32
      %jit3A_399 = arith.constant 1 : i32
      %select_n3A_400 = arith.select %eq3A_398, %jit3A_399, %jit3A_396 : i32
      %rem3A_401 = arith.remsi %scan3A_371, %select_n3A_400 : i32
      %ne3A_402 = arith.constant 0 : i32
      %ne3A_403 = arith.cmpi ne, %rem3A_401, %ne3A_402 : i32
      %lt3A_404 = arith.constant 0 : i32
      %lt3A_405 = arith.cmpi slt, %rem3A_401, %lt3A_404 : i32
      %lt3A_406 = arith.constant 0 : i32
      %lt3A_407 = arith.cmpi slt, %select_n3A_400, %lt3A_406 : i32
      %ne3A_408 = arith.xori %lt3A_405, %lt3A_407 : i1
      %and3A_409 = arith.andi %ne3A_408, %ne3A_403 : i1
      %add3A_410 = arith.addi %rem3A_401, %select_n3A_400 : i32
      %select_n3A_411 = arith.select %and3A_409, %add3A_410, %rem3A_401 : i32
      %mul3A_412 = arith.constant 16 : i32
      %mul3A_413 = arith.muli %select_n3A_411, %mul3A_412 : i32
      %get3A_414 = arith.index_cast %select_n3A_395 : i32 to index
      %get3A_415 = arith.index_cast %mul3A_413 : i32 to index
      %get3A_416 = tpu.vector_load %arg7[%get3A_414, %get3A_415] {strides = array<i32>} : memref<32x1024xf32, #tpu.memory_space<vmem>>, vector<1x16xf32>,
      %get3A_417 = vector.shape_cast %get3A_416 : vector<1x16xf32> to vector<16xf32>
      %get3A_418 = arith.index_cast %select_n3A_395 : i32 to index
      %get3A_419 = arith.index_cast %mul3A_413 : i32 to index
      %get3A_420 = tpu.vector_load %arg8[%get3A_418, %get3A_419] {strides = array<i32>} : memref<32x1024xf32, #tpu.memory_space<vmem>>, vector<1x16xf32>,
      %get3A_421 = vector.shape_cast %get3A_420 : vector<1x16xf32> to vector<16xf32>
      %add3A_422 = arith.addf %get3A_417, %get3A_421 : vector<16xf32>
      %swap3A_423 = arith.index_cast %select_n3A_395 : i32 to index
      %swap3A_424 = arith.index_cast %mul3A_413 : i32 to index
      %swap3A_425 = tpu.vector_load %arg9[%swap3A_423, %swap3A_424] {strides = array<i32>} : memref<32x1024xf32, #tpu.memory_space<vmem>>, vector<1x16xf32>,
      %swap3A_426 = vector.shape_cast %swap3A_425 : vector<1x16xf32> to vector<16xf32>
      %swap3A_427 = vector.shape_cast %add3A_422 : vector<16xf32> to vector<1x16xf32>
      tpu.vector_store %arg9[%swap3A_423, %swap3A_424], %swap3A_427 {strides = array<i32>} : memref<32x1024xf32, #tpu.memory_space<vmem>>, vector<1x16xf32>,
      %scan3A_428 = arith.constant 0 : i32
      %scan3A_429 = arith.constant 2 : i32
      %scan3A_430 = arith.addi %scan3A_313, %scan3A_429 : i32
      %jit3A_431 = arith.constant 64 : i32
      %div3A_432 = arith.divsi %scan3A_430, %jit3A_431 : i32
      %sign3A_433 = arith.constant 0 : i32
      %sign3A_434 = arith.cmpi sgt, %scan3A_430, %sign3A_433 : i32
      %sign3A_435 = arith.extui %sign3A_434 : i1 to i32
      %sign3A_436 = arith.constant 0 : i32
      %sign3A_437 = arith.cmpi slt, %scan3A_430, %sign3A_436 : i32
      %sign3A_438 = arith.extui %sign3A_437 : i1 to i32
      %sign3A_439 = arith.subi %sign3A_435, %sign3A_438 : i32
      %sign3A_440 = arith.constant 0 : i32
      %sign3A_441 = arith.cmpi sgt, %jit3A_431, %sign3A_440 : i32
      %sign3A_442 = arith.extui %sign3A_441 : i1 to i32
      %sign3A_443 = arith.constant 0 : i32
      %sign3A_444 = arith.cmpi slt, %jit3A_431, %sign3A_443 : i32
      %sign3A_445 = arith.extui %sign3A_444 : i1 to i32
      %sign3A_446 = arith.subi %sign3A_442, %sign3A_445 : i32
      %ne3A_447 = arith.cmpi ne, %sign3A_439, %sign3A_446 : i32
      %rem3A_448 = arith.remsi %scan3A_430, %jit3A_431 : i32
      %ne3A_449 = arith.constant 0 : i32
      %ne3A_450 = arith.cmpi ne, %rem3A_448, %ne3A_449 : i32
      %and3A_451 = arith.andi %ne3A_447, %ne3A_450 : i1
      %sub3A_452 = arith.constant 1 : i32
      %sub3A_453 = arith.subi %div3A_432, %sub3A_452 : i32
      %select_n3A_454 = arith.select %and3A_451, %sub3A_453, %div3A_432 : i32
      %jit3A_455 = arith.constant 64 : i32
      %eq3A_456 = arith.constant 0 : i32
      %eq3A_457 = arith.cmpi eq, %jit3A_455, %eq3A_456 : i32
      %jit3A_458 = arith.constant 1 : i32
      %select_n3A_459 = arith.select %eq3A_457, %jit3A_458, %jit3A_455 : i32
      %rem3A_460 = arith.remsi %scan3A_430, %select_n3A_459 : i32
      %ne3A_461 = arith.constant 0 : i32
      %ne3A_462 = arith.cmpi ne, %rem3A_460, %ne3A_461 : i32
      %lt3A_463 = arith.constant 0 : i32
      %lt3A_464 = arith.cmpi slt, %rem3A_460, %lt3A_463 : i32
      %lt3A_465 = arith.constant 0 : i32
      %lt3A_466 = arith.cmpi slt, %select_n3A_459, %lt3A_465 : i32
      %ne3A_467 = arith.xori %lt3A_464, %lt3A_466 : i1
      %and3A_468 = arith.andi %ne3A_467, %ne3A_462 : i1
      %add3A_469 = arith.addi %rem3A_460, %select_n3A_459 : i32
      %select_n3A_470 = arith.select %and3A_468, %add3A_469, %rem3A_460 : i32
      %mul3A_471 = arith.constant 16 : i32
      %mul3A_472 = arith.muli %select_n3A_470, %mul3A_471 : i32
      %get3A_473 = arith.index_cast %select_n3A_454 : i32 to index
      %get3A_474 = arith.index_cast %mul3A_472 : i32 to index
      %get3A_475 = tpu.vector_load %arg7[%get3A_473, %get3A_474] {strides = array<i32>} : memref<32x1024xf32, #tpu.memory_space<vmem>>, vector<1x16xf32>,
      %get3A_476 = vector.shape_cast %get3A_475 : vector<1x16xf32> to vector<16xf32>
      %get3A_477 = arith.index_cast %select_n3A_454 : i32 to index
      %get3A_478 = arith.index_cast %mul3A_472 : i32 to index
      %get3A_479 = tpu.vector_load %arg8[%get3A_477, %get3A_478] {strides = array<i32>} : memref<32x1024xf32, #tpu.memory_space<vmem>>, vector<1x16xf32>,
      %get3A_480 = vector.shape_cast %get3A_479 : vector<1x16xf32> to vector<16xf32>
      %add3A_481 = arith.addf %get3A_476, %get3A_480 : vector<16xf32>
      %swap3A_482 = arith.index_cast %select_n3A_454 : i32 to index
      %swap3A_483 = arith.index_cast %mul3A_472 : i32 to index
      %swap3A_484 = tpu.vector_load %arg9[%swap3A_482, %swap3A_483] {strides = array<i32>} : memref<32x1024xf32, #tpu.memory_space<vmem>>, vector<1x16xf32>,
      %swap3A_485 = vector.shape_cast %swap3A_484 : vector<1x16xf32> to vector<16xf32>
      %swap3A_486 = vector.shape_cast %add3A_481 : vector<16xf32> to vector<1x16xf32>
      tpu.vector_store %arg9[%swap3A_482, %swap3A_483], %swap3A_486 {strides = array<i32>} : memref<32x1024xf32, #tpu.memory_space<vmem>>, vector<1x16xf32>,
      %scan3A_487 = arith.constant 0 : i32
      %scan3A_488 = arith.constant 3 : i32
      %scan3A_489 = arith.addi %scan3A_313, %scan3A_488 : i32
      %jit3A_490 = arith.constant 64 : i32
      %div3A_491 = arith.divsi %scan3A_489, %jit3A_490 : i32
      %sign3A_492 = arith.constant 0 : i32
      %sign3A_493 = arith.cmpi sgt, %scan3A_489, %sign3A_492 : i32
      %sign3A_494 = arith.extui %sign3A_493 : i1 to i32
      %sign3A_495 = arith.constant 0 : i32
      %sign3A_496 = arith.cmpi slt, %scan3A_489, %sign3A_495 : i32
      %sign3A_497 = arith.extui %sign3A_496 : i1 to i32
      %sign3A_498 = arith.subi %sign3A_494, %sign3A_497 : i32
      %sign3A_499 = arith.constant 0 : i32
      %sign3A_500 = arith.cmpi sgt, %jit3A_490, %sign3A_499 : i32
      %sign3A_501 = arith.extui %sign3A_500 : i1 to i32
      %sign3A_502 = arith.constant 0 : i32
      %sign3A_503 = arith.cmpi slt, %jit3A_490, %sign3A_502 : i32
      %sign3A_504 = arith.extui %sign3A_503 : i1 to i32
      %sign3A_505 = arith.subi %sign3A_501, %sign3A_504 : i32
      %ne3A_506 = arith.cmpi ne, %sign3A_498, %sign3A_505 : i32
      %rem3A_507 = arith.remsi %scan3A_489, %jit3A_490 : i32
      %ne3A_508 = arith.constant 0 : i32
      %ne3A_509 = arith.cmpi ne, %rem3A_507, %ne3A_508 : i32
      %and3A_510 = arith.andi %ne3A_506, %ne3A_509 : i1
      %sub3A_511 = arith.constant 1 : i32
      %sub3A_512 = arith.subi %div3A_491, %sub3A_511 : i32
      %select_n3A_513 = arith.select %and3A_510, %sub3A_512, %div3A_491 : i32
      %jit3A_514 = arith.constant 64 : i32
      %eq3A_515 = arith.constant 0 : i32
      %eq3A_516 = arith.cmpi eq, %jit3A_514, %eq3A_515 : i32
      %jit3A_517 = arith.constant 1 : i32
      %select_n3A_518 = arith.select %eq3A_516, %jit3A_517, %jit3A_514 : i32
      %rem3A_519 = arith.remsi %scan3A_489, %select_n3A_518 : i32
      %ne3A_520 = arith.constant 0 : i32
      %ne3A_521 = arith.cmpi ne, %rem3A_519, %ne3A_520 : i32
      %lt3A_522 = arith.constant 0 : i32
      %lt3A_523 = arith.cmpi slt, %rem3A_519, %lt3A_522 : i32
      %lt3A_524 = arith.constant 0 : i32
      %lt3A_525 = arith.cmpi slt, %select_n3A_518, %lt3A_524 : i32
      %ne3A_526 = arith.xori %lt3A_523, %lt3A_525 : i1
      %and3A_527 = arith.andi %ne3A_526, %ne3A_521 : i1
      %add3A_528 = arith.addi %rem3A_519, %select_n3A_518 : i32
      %select_n3A_529 = arith.select %and3A_527, %add3A_528, %rem3A_519 : i32
      %mul3A_530 = arith.constant 16 : i32
      %mul3A_531 = arith.muli %select_n3A_529, %mul3A_530 : i32
      %get3A_532 = arith.index_cast %select_n3A_513 : i32 to index
      %get3A_533 = arith.index_cast %mul3A_531 : i32 to index
      %get3A_534 = tpu.vector_load %arg7[%get3A_532, %get3A_533] {strides = array<i32>} : memref<32x1024xf32, #tpu.memory_space<vmem>>, vector<1x16xf32>,
      %get3A_535 = vector.shape_cast %get3A_534 : vector<1x16xf32> to vector<16xf32>
      %get3A_536 = arith.index_cast %select_n3A_513 : i32 to index
      %get3A_537 = arith.index_cast %mul3A_531 : i32 to index
      %get3A_538 = tpu.vector_load %arg8[%get3A_536, %get3A_537] {strides = array<i32>} : memref<32x1024xf32, #tpu.memory_space<vmem>>, vector<1x16xf32>,
      %get3A_539 = vector.shape_cast %get3A_538 : vector<1x16xf32> to vector<16xf32>
      %add3A_540 = arith.addf %get3A_535, %get3A_539 : vector<16xf32>
      %swap3A_541 = arith.index_cast %select_n3A_513 : i32 to index
      %swap3A_542 = arith.index_cast %mul3A_531 : i32 to index
      %swap3A_543 = tpu.vector_load %arg9[%swap3A_541, %swap3A_542] {strides = array<i32>} : memref<32x1024xf32, #tpu.memory_space<vmem>>, vector<1x16xf32>,
      %swap3A_544 = vector.shape_cast %swap3A_543 : vector<1x16xf32> to vector<16xf32>
      %swap3A_545 = vector.shape_cast %add3A_540 : vector<16xf32> to vector<1x16xf32>
      tpu.vector_store %arg9[%swap3A_541, %swap3A_542], %swap3A_545 {strides = array<i32>} : memref<32x1024xf32, #tpu.memory_space<vmem>>, vector<1x16xf32>,
      %scan3A_546 = arith.constant 0 : i32
      %scan3A_547 = arith.constant 4 : i32
      %scan3A_548 = arith.addi %scan3A_313, %scan3A_547 : i32
      %jit3A_549 = arith.constant 64 : i32
      %div3A_550 = arith.divsi %scan3A_548, %jit3A_549 : i32
      %sign3A_551 = arith.constant 0 : i32
      %sign3A_552 = arith.cmpi sgt, %scan3A_548, %sign3A_551 : i32
      %sign3A_553 = arith.extui %sign3A_552 : i1 to i32
      %sign3A_554 = arith.constant 0 : i32
      %sign3A_555 = arith.cmpi slt, %scan3A_548, %sign3A_554 : i32
      %sign3A_556 = arith.extui %sign3A_555 : i1 to i32
      %sign3A_557 = arith.subi %sign3A_553, %sign3A_556 : i32
      %sign3A_558 = arith.constant 0 : i32
      %sign3A_559 = arith.cmpi sgt, %jit3A_549, %sign3A_558 : i32
      %sign3A_560 = arith.extui %sign3A_559 : i1 to i32
      %sign3A_561 = arith.constant 0 : i32
      %sign3A_562 = arith.cmpi slt, %jit3A_549, %sign3A_561 : i32
      %sign3A_563 = arith.extui %sign3A_562 : i1 to i32
      %sign3A_564 = arith.subi %sign3A_560, %sign3A_563 : i32
      %ne3A_565 = arith.cmpi ne, %sign3A_557, %sign3A_564 : i32
      %rem3A_566 = arith.remsi %scan3A_548, %jit3A_549 : i32
      %ne3A_567 = arith.constant 0 : i32
      %ne3A_568 = arith.cmpi ne, %rem3A_566, %ne3A_567 : i32
      %and3A_569 = arith.andi %ne3A_565, %ne3A_568 : i1
      %sub3A_570 = arith.constant 1 : i32
      %sub3A_571 = arith.subi %div3A_550, %sub3A_570 : i32
      %select_n3A_572 = arith.select %and3A_569, %sub3A_571, %div3A_550 : i32
      %jit3A_573 = arith.constant 64 : i32
      %eq3A_574 = arith.constant 0 : i32
      %eq3A_575 = arith.cmpi eq, %jit3A_573, %eq3A_574 : i32
      %jit3A_576 = arith.constant 1 : i32
      %select_n3A_577 = arith.select %eq3A_575, %jit3A_576, %jit3A_573 : i32
      %rem3A_578 = arith.remsi %scan3A_548, %select_n3A_577 : i32
      %ne3A_579 = arith.constant 0 : i32
      %ne3A_580 = arith.cmpi ne, %rem3A_578, %ne3A_579 : i32
      %lt3A_581 = arith.constant 0 : i32
      %lt3A_582 = arith.cmpi slt, %rem3A_578, %lt3A_581 : i32
      %lt3A_583 = arith.constant 0 : i32
      %lt3A_584 = arith.cmpi slt, %select_n3A_577, %lt3A_583 : i32
      %ne3A_585 = arith.xori %lt3A_582, %lt3A_584 : i1
      %and3A_586 = arith.andi %ne3A_585, %ne3A_580 : i1
      %add3A_587 = arith.addi %rem3A_578, %select_n3A_577 : i32
      %select_n3A_588 = arith.select %and3A_586, %add3A_587, %rem3A_578 : i32
      %mul3A_589 = arith.constant 16 : i32
      %mul3A_590 = arith.muli %select_n3A_588, %mul3A_589 : i32
      %get3A_591 = arith.index_cast %select_n3A_572 : i32 to index
      %get3A_592 = arith.index_cast %mul3A_590 : i32 to index
      %get3A_593 = tpu.vector_load %arg7[%get3A_591, %get3A_592] {strides = array<i32>} : memref<32x1024xf32, #tpu.memory_space<vmem>>, vector<1x16xf32>,
      %get3A_594 = vector.shape_cast %get3A_593 : vector<1x16xf32> to vector<16xf32>
      %get3A_595 = arith.index_cast %select_n3A_572 : i32 to index
      %get3A_596 = arith.index_cast %mul3A_590 : i32 to index
      %get3A_597 = tpu.vector_load %arg8[%get3A_595, %get3A_596] {strides = array<i32>} : memref<32x1024xf32, #tpu.memory_space<vmem>>, vector<1x16xf32>,
      %get3A_598 = vector.shape_cast %get3A_597 : vector<1x16xf32> to vector<16xf32>
      %add3A_599 = arith.addf %get3A_594, %get3A_598 : vector<16xf32>
      %swap3A_600 = arith.index_cast %select_n3A_572 : i32 to index
      %swap3A_601 = arith.index_cast %mul3A_590 : i32 to index
      %swap3A_602 = tpu.vector_load %arg9[%swap3A_600, %swap3A_601] {strides = array<i32>} : memref<32x1024xf32, #tpu.memory_space<vmem>>, vector<1x16xf32>,
      %swap3A_603 = vector.shape_cast %swap3A_602 : vector<1x16xf32> to vector<16xf32>
      %swap3A_604 = vector.shape_cast %add3A_599 : vector<16xf32> to vector<1x16xf32>
      tpu.vector_store %arg9[%swap3A_600, %swap3A_601], %swap3A_604 {strides = array<i32>} : memref<32x1024xf32, #tpu.memory_space<vmem>>, vector<1x16xf32>,
      %scan3A_605 = arith.constant 0 : i32
      %scan3A_606 = arith.constant 5 : i32
      %scan3A_607 = arith.addi %scan3A_313, %scan3A_606 : i32
      %jit3A_608 = arith.constant 64 : i32
      %div3A_609 = arith.divsi %scan3A_607, %jit3A_608 : i32
      %sign3A_610 = arith.constant 0 : i32
      %sign3A_611 = arith.cmpi sgt, %scan3A_607, %sign3A_610 : i32
      %sign3A_612 = arith.extui %sign3A_611 : i1 to i32
      %sign3A_613 = arith.constant 0 : i32
      %sign3A_614 = arith.cmpi slt, %scan3A_607, %sign3A_613 : i32
      %sign3A_615 = arith.extui %sign3A_614 : i1 to i32
      %sign3A_616 = arith.subi %sign3A_612, %sign3A_615 : i32
      %sign3A_617 = arith.constant 0 : i32
      %sign3A_618 = arith.cmpi sgt, %jit3A_608, %sign3A_617 : i32
      %sign3A_619 = arith.extui %sign3A_618 : i1 to i32
      %sign3A_620 = arith.constant 0 : i32
      %sign3A_621 = arith.cmpi slt, %jit3A_608, %sign3A_620 : i32
      %sign3A_622 = arith.extui %sign3A_621 : i1 to i32
      %sign3A_623 = arith.subi %sign3A_619, %sign3A_622 : i32
      %ne3A_624 = arith.cmpi ne, %sign3A_616, %sign3A_623 : i32
      %rem3A_625 = arith.remsi %scan3A_607, %jit3A_608 : i32
      %ne3A_626 = arith.constant 0 : i32
      %ne3A_627 = arith.cmpi ne, %rem3A_625, %ne3A_626 : i32
      %and3A_628 = arith.andi %ne3A_624, %ne3A_627 : i1
      %sub3A_629 = arith.constant 1 : i32
      %sub3A_630 = arith.subi %div3A_609, %sub3A_629 : i32
      %select_n3A_631 = arith.select %and3A_628, %sub3A_630, %div3A_609 : i32
      %jit3A_632 = arith.constant 64 : i32
      %eq3A_633 = arith.constant 0 : i32
      %eq3A_634 = arith.cmpi eq, %jit3A_632, %eq3A_633 : i32
      %jit3A_635 = arith.constant 1 : i32
      %select_n3A_636 = arith.select %eq3A_634, %jit3A_635, %jit3A_632 : i32
      %rem3A_637 = arith.remsi %scan3A_607, %select_n3A_636 : i32
      %ne3A_638 = arith.constant 0 : i32
      %ne3A_639 = arith.cmpi ne, %rem3A_637, %ne3A_638 : i32
      %lt3A_640 = arith.constant 0 : i32
      %lt3A_641 = arith.cmpi slt, %rem3A_637, %lt3A_640 : i32
      %lt3A_642 = arith.constant 0 : i32
      %lt3A_643 = arith.cmpi slt, %select_n3A_636, %lt3A_642 : i32
      %ne3A_644 = arith.xori %lt3A_641, %lt3A_643 : i1
      %and3A_645 = arith.andi %ne3A_644, %ne3A_639 : i1
      %add3A_646 = arith.addi %rem3A_637, %select_n3A_636 : i32
      %select_n3A_647 = arith.select %and3A_645, %add3A_646, %rem3A_637 : i32
      %mul3A_648 = arith.constant 16 : i32
      %mul3A_649 = arith.muli %select_n3A_647, %mul3A_648 : i32
      %get3A_650 = arith.index_cast %select_n3A_631 : i32 to index
      %get3A_651 = arith.index_cast %mul3A_649 : i32 to index
      %get3A_652 = tpu.vector_load %arg7[%get3A_650, %get3A_651] {strides = array<i32>} : memref<32x1024xf32, #tpu.memory_space<vmem>>, vector<1x16xf32>,
      %get3A_653 = vector.shape_cast %get3A_652 : vector<1x16xf32> to vector<16xf32>
      %get3A_654 = arith.index_cast %select_n3A_631 : i32 to index
      %get3A_655 = arith.index_cast %mul3A_649 : i32 to index
      %get3A_656 = tpu.vector_load %arg8[%get3A_654, %get3A_655] {strides = array<i32>} : memref<32x1024xf32, #tpu.memory_space<vmem>>, vector<1x16xf32>,
      %get3A_657 = vector.shape_cast %get3A_656 : vector<1x16xf32> to vector<16xf32>
      %add3A_658 = arith.addf %get3A_653, %get3A_657 : vector<16xf32>
      %swap3A_659 = arith.index_cast %select_n3A_631 : i32 to index
      %swap3A_660 = arith.index_cast %mul3A_649 : i32 to index
      %swap3A_661 = tpu.vector_load %arg9[%swap3A_659, %swap3A_660] {strides = array<i32>} : memref<32x1024xf32, #tpu.memory_space<vmem>>, vector<1x16xf32>,
      %swap3A_662 = vector.shape_cast %swap3A_661 : vector<1x16xf32> to vector<16xf32>
      %swap3A_663 = vector.shape_cast %add3A_658 : vector<16xf32> to vector<1x16xf32>
      tpu.vector_store %arg9[%swap3A_659, %swap3A_660], %swap3A_663 {strides = array<i32>} : memref<32x1024xf32, #tpu.memory_space<vmem>>, vector<1x16xf32>,
      %scan3A_664 = arith.constant 0 : i32
      %scan3A_665 = arith.constant 6 : i32
      %scan3A_666 = arith.addi %scan3A_313, %scan3A_665 : i32
      %jit3A_667 = arith.constant 64 : i32
      %div3A_668 = arith.divsi %scan3A_666, %jit3A_667 : i32
      %sign3A_669 = arith.constant 0 : i32
      %sign3A_670 = arith.cmpi sgt, %scan3A_666, %sign3A_669 : i32
      %sign3A_671 = arith.extui %sign3A_670 : i1 to i32
      %sign3A_672 = arith.constant 0 : i32
      %sign3A_673 = arith.cmpi slt, %scan3A_666, %sign3A_672 : i32
      %sign3A_674 = arith.extui %sign3A_673 : i1 to i32
      %sign3A_675 = arith.subi %sign3A_671, %sign3A_674 : i32
      %sign3A_676 = arith.constant 0 : i32
      %sign3A_677 = arith.cmpi sgt, %jit3A_667, %sign3A_676 : i32
      %sign3A_678 = arith.extui %sign3A_677 : i1 to i32
      %sign3A_679 = arith.constant 0 : i32
      %sign3A_680 = arith.cmpi slt, %jit3A_667, %sign3A_679 : i32
      %sign3A_681 = arith.extui %sign3A_680 : i1 to i32
      %sign3A_682 = arith.subi %sign3A_678, %sign3A_681 : i32
      %ne3A_683 = arith.cmpi ne, %sign3A_675, %sign3A_682 : i32
      %rem3A_684 = arith.remsi %scan3A_666, %jit3A_667 : i32
      %ne3A_685 = arith.constant 0 : i32
      %ne3A_686 = arith.cmpi ne, %rem3A_684, %ne3A_685 : i32
      %and3A_687 = arith.andi %ne3A_683, %ne3A_686 : i1
      %sub3A_688 = arith.constant 1 : i32
      %sub3A_689 = arith.subi %div3A_668, %sub3A_688 : i32
      %select_n3A_690 = arith.select %and3A_687, %sub3A_689, %div3A_668 : i32
      %jit3A_691 = arith.constant 64 : i32
      %eq3A_692 = arith.constant 0 : i32
      %eq3A_693 = arith.cmpi eq, %jit3A_691, %eq3A_692 : i32
      %jit3A_694 = arith.constant 1 : i32
      %select_n3A_695 = arith.select %eq3A_693, %jit3A_694, %jit3A_691 : i32
      %rem3A_696 = arith.remsi %scan3A_666, %select_n3A_695 : i32
      %ne3A_697 = arith.constant 0 : i32
      %ne3A_698 = arith.cmpi ne, %rem3A_696, %ne3A_697 : i32
      %lt3A_699 = arith.constant 0 : i32
      %lt3A_700 = arith.cmpi slt, %rem3A_696, %lt3A_699 : i32
      %lt3A_701 = arith.constant 0 : i32
      %lt3A_702 = arith.cmpi slt, %select_n3A_695, %lt3A_701 : i32
      %ne3A_703 = arith.xori %lt3A_700, %lt3A_702 : i1
      %and3A_704 = arith.andi %ne3A_703, %ne3A_698 : i1
      %add3A_705 = arith.addi %rem3A_696, %select_n3A_695 : i32
      %select_n3A_706 = arith.select %and3A_704, %add3A_705, %rem3A_696 : i32
      %mul3A_707 = arith.constant 16 : i32
      %mul3A_708 = arith.muli %select_n3A_706, %mul3A_707 : i32
      %get3A_709 = arith.index_cast %select_n3A_690 : i32 to index
      %get3A_710 = arith.index_cast %mul3A_708 : i32 to index
      %get3A_711 = tpu.vector_load %arg7[%get3A_709, %get3A_710] {strides = array<i32>} : memref<32x1024xf32, #tpu.memory_space<vmem>>, vector<1x16xf32>,
      %get3A_712 = vector.shape_cast %get3A_711 : vector<1x16xf32> to vector<16xf32>
      %get3A_713 = arith.index_cast %select_n3A_690 : i32 to index
      %get3A_714 = arith.index_cast %mul3A_708 : i32 to index
      %get3A_715 = tpu.vector_load %arg8[%get3A_713, %get3A_714] {strides = array<i32>} : memref<32x1024xf32, #tpu.memory_space<vmem>>, vector<1x16xf32>,
      %get3A_716 = vector.shape_cast %get3A_715 : vector<1x16xf32> to vector<16xf32>
      %add3A_717 = arith.addf %get3A_712, %get3A_716 : vector<16xf32>
      %swap3A_718 = arith.index_cast %select_n3A_690 : i32 to index
      %swap3A_719 = arith.index_cast %mul3A_708 : i32 to index
      %swap3A_720 = tpu.vector_load %arg9[%swap3A_718, %swap3A_719] {strides = array<i32>} : memref<32x1024xf32, #tpu.memory_space<vmem>>, vector<1x16xf32>,
      %swap3A_721 = vector.shape_cast %swap3A_720 : vector<1x16xf32> to vector<16xf32>
      %swap3A_722 = vector.shape_cast %add3A_717 : vector<16xf32> to vector<1x16xf32>
      tpu.vector_store %arg9[%swap3A_718, %swap3A_719], %swap3A_722 {strides = array<i32>} : memref<32x1024xf32, #tpu.memory_space<vmem>>, vector<1x16xf32>,
      %scan3A_723 = arith.constant 0 : i32
      %scan3A_724 = arith.constant 7 : i32
      %scan3A_725 = arith.addi %scan3A_313, %scan3A_724 : i32
      %jit3A_726 = arith.constant 64 : i32
      %div3A_727 = arith.divsi %scan3A_725, %jit3A_726 : i32
      %sign3A_728 = arith.constant 0 : i32
      %sign3A_729 = arith.cmpi sgt, %scan3A_725, %sign3A_728 : i32
      %sign3A_730 = arith.extui %sign3A_729 : i1 to i32
      %sign3A_731 = arith.constant 0 : i32
      %sign3A_732 = arith.cmpi slt, %scan3A_725, %sign3A_731 : i32
      %sign3A_733 = arith.extui %sign3A_732 : i1 to i32
      %sign3A_734 = arith.subi %sign3A_730, %sign3A_733 : i32
      %sign3A_735 = arith.constant 0 : i32
      %sign3A_736 = arith.cmpi sgt, %jit3A_726, %sign3A_735 : i32
      %sign3A_737 = arith.extui %sign3A_736 : i1 to i32
      %sign3A_738 = arith.constant 0 : i32
      %sign3A_739 = arith.cmpi slt, %jit3A_726, %sign3A_738 : i32
      %sign3A_740 = arith.extui %sign3A_739 : i1 to i32
      %sign3A_741 = arith.subi %sign3A_737, %sign3A_740 : i32
      %ne3A_742 = arith.cmpi ne, %sign3A_734, %sign3A_741 : i32
      %rem3A_743 = arith.remsi %scan3A_725, %jit3A_726 : i32
      %ne3A_744 = arith.constant 0 : i32
      %ne3A_745 = arith.cmpi ne, %rem3A_743, %ne3A_744 : i32
      %and3A_746 = arith.andi %ne3A_742, %ne3A_745 : i1
      %sub3A_747 = arith.constant 1 : i32
      %sub3A_748 = arith.subi %div3A_727, %sub3A_747 : i32
      %select_n3A_749 = arith.select %and3A_746, %sub3A_748, %div3A_727 : i32
      %jit3A_750 = arith.constant 64 : i32
      %eq3A_751 = arith.constant 0 : i32
      %eq3A_752 = arith.cmpi eq, %jit3A_750, %eq3A_751 : i32
      %jit3A_753 = arith.constant 1 : i32
      %select_n3A_754 = arith.select %eq3A_752, %jit3A_753, %jit3A_750 : i32
      %rem3A_755 = arith.remsi %scan3A_725, %select_n3A_754 : i32
      %ne3A_756 = arith.constant 0 : i32
      %ne3A_757 = arith.cmpi ne, %rem3A_755, %ne3A_756 : i32
      %lt3A_758 = arith.constant 0 : i32
      %lt3A_759 = arith.cmpi slt, %rem3A_755, %lt3A_758 : i32
      %lt3A_760 = arith.constant 0 : i32
      %lt3A_761 = arith.cmpi slt, %select_n3A_754, %lt3A_760 : i32
      %ne3A_762 = arith.xori %lt3A_759, %lt3A_761 : i1
      %and3A_763 = arith.andi %ne3A_762, %ne3A_757 : i1
      %add3A_764 = arith.addi %rem3A_755, %select_n3A_754 : i32
      %select_n3A_765 = arith.select %and3A_763, %add3A_764, %rem3A_755 : i32
      %mul3A_766 = arith.constant 16 : i32
      %mul3A_767 = arith.muli %select_n3A_765, %mul3A_766 : i32
      %get3A_768 = arith.index_cast %select_n3A_749 : i32 to index
      %get3A_769 = arith.index_cast %mul3A_767 : i32 to index
      %get3A_770 = tpu.vector_load %arg7[%get3A_768, %get3A_769] {strides = array<i32>} : memref<32x1024xf32, #tpu.memory_space<vmem>>, vector<1x16xf32>,
      %get3A_771 = vector.shape_cast %get3A_770 : vector<1x16xf32> to vector<16xf32>
      %get3A_772 = arith.index_cast %select_n3A_749 : i32 to index
      %get3A_773 = arith.index_cast %mul3A_767 : i32 to index
      %get3A_774 = tpu.vector_load %arg8[%get3A_772, %get3A_773] {strides = array<i32>} : memref<32x1024xf32, #tpu.memory_space<vmem>>, vector<1x16xf32>,
      %get3A_775 = vector.shape_cast %get3A_774 : vector<1x16xf32> to vector<16xf32>
      %add3A_776 = arith.addf %get3A_771, %get3A_775 : vector<16xf32>
      %swap3A_777 = arith.index_cast %select_n3A_749 : i32 to index
      %swap3A_778 = arith.index_cast %mul3A_767 : i32 to index
      %swap3A_779 = tpu.vector_load %arg9[%swap3A_777, %swap3A_778] {strides = array<i32>} : memref<32x1024xf32, #tpu.memory_space<vmem>>, vector<1x16xf32>,
      %swap3A_780 = vector.shape_cast %swap3A_779 : vector<1x16xf32> to vector<16xf32>
      %swap3A_781 = vector.shape_cast %add3A_776 : vector<16xf32> to vector<1x16xf32>
      tpu.vector_store %arg9[%swap3A_777, %swap3A_778], %swap3A_781 {strides = array<i32>} : memref<32x1024xf32, #tpu.memory_space<vmem>>, vector<1x16xf32>,
      %scan3A_782 = arith.constant 0 : i32
      scf.yield %scan3A_782 : i32
    }
    %scan3A_87 = arith.constant 2048 : i32
    "tpu.region"() ({
      %run_scoped3A_313 = tpu.sem_alloc : memref<!tpu.dma_semaphore, #tpu.memory_space<semaphore_mem>>
      %dma_start3A_314 = arith.constant 0 : i32
      %dma_start3A_315 = tpu.memref_slice %arg4[%add3A_20, %dma_start3A_314] : memref<4096x1024xf32, #tpu.memory_space<hbm>> -> memref<32x1024xf32, #tpu.memory_space<hbm>>
      %dma_start3A_316 = arith.constant 0 : i32
      %dma_start3A_317 = tpu.memref_slice %arg4[%add3A_20, %dma_start3A_316] : memref<4096x1024xf32, #tpu.memory_space<hbm>> -> memref<32x1024xf32, #tpu.memory_space<hbm>>
      tpu.enqueue_dma source(%arg9 : memref<32x1024xf32, #tpu.memory_space<vmem>>) target(%dma_start3A_317 : memref<32x1024xf32, #tpu.memory_space<hbm>>) target_semaphore(%run_scoped3A_313 : memref<!tpu.dma_semaphore, #tpu.memory_space<semaphore_mem>>)
      %dma_wait3A_318 = arith.constant 0 : i32
      %dma_wait3A_319 = tpu.memref_slice %arg4[%add3A_20, %dma_wait3A_318] : memref<4096x1024xf32, #tpu.memory_space<hbm>> -> memref<32x1024xf32, #tpu.memory_space<hbm>>
      %dma_wait3A_320 = arith.constant 0 : i32
      %dma_wait3A_321 = tpu.memref_slice %arg4[%add3A_20, %dma_wait3A_320] : memref<4096x1024xf32, #tpu.memory_space<hbm>> -> memref<32x1024xf32, #tpu.memory_space<hbm>>
      tpu.wait_dma2 semaphore(%run_scoped3A_313 : memref<!tpu.dma_semaphore, #tpu.memory_space<semaphore_mem>>) src(%arg9 : memref<32x1024xf32, #tpu.memory_space<vmem>>) dst(%dma_wait3A_321 : memref<32x1024xf32, #tpu.memory_space<hbm>>)
      tpu.yield
    }) : () -> ()
    %add3A_88 = arith.constant 32 : i32
    %add3A_89 = arith.addi %mul3A_2, %add3A_88 : i32
    %run_scoped3A_90 = arith.constant 0 : i32
    "tpu.region"() ({
      %run_scoped3A_313 = tpu.sem_alloc : memref<!tpu.dma_semaphore, #tpu.memory_space<semaphore_mem>>
      %dma_start3A_314 = tpu.memref_slice %arg3[%run_scoped3A_90, %add3A_89] : memref<2x4096xi32, #tpu.memory_space<hbm>> -> memref<1x32xi32, #tpu.memory_space<hbm>>
      %dma_start3A_315 = tpu.memref_squeeze %dma_start3A_314 : memref<1x32xi32, #tpu.memory_space<hbm>> -> memref<32xi32, #tpu.memory_space<hbm>>
      %dma_start3A_316 = tpu.memref_slice %arg3[%run_scoped3A_90, %add3A_89] : memref<2x4096xi32, #tpu.memory_space<hbm>> -> memref<1x32xi32, #tpu.memory_space<hbm>>
      %dma_start3A_317 = tpu.memref_squeeze %dma_start3A_316 : memref<1x32xi32, #tpu.memory_space<hbm>> -> memref<32xi32, #tpu.memory_space<hbm>>
      tpu.enqueue_dma source(%dma_start3A_317 : memref<32xi32, #tpu.memory_space<hbm>>) target(%arg5 : memref<32xi32, #tpu.memory_space<vmem>>) target_semaphore(%run_scoped3A_313 : memref<!tpu.dma_semaphore, #tpu.memory_space<semaphore_mem>>)
      %dma_wait3A_318 = tpu.memref_slice %arg3[%run_scoped3A_90, %add3A_89] : memref<2x4096xi32, #tpu.memory_space<hbm>> -> memref<1x32xi32, #tpu.memory_space<hbm>>
      %dma_wait3A_319 = tpu.memref_squeeze %dma_wait3A_318 : memref<1x32xi32, #tpu.memory_space<hbm>> -> memref<32xi32, #tpu.memory_space<hbm>>
      %dma_wait3A_320 = tpu.memref_slice %arg3[%run_scoped3A_90, %add3A_89] : memref<2x4096xi32, #tpu.memory_space<hbm>> -> memref<1x32xi32, #tpu.memory_space<hbm>>
      %dma_wait3A_321 = tpu.memref_squeeze %dma_wait3A_320 : memref<1x32xi32, #tpu.memory_space<hbm>> -> memref<32xi32, #tpu.memory_space<hbm>>
      tpu.wait_dma2 semaphore(%run_scoped3A_313 : memref<!tpu.dma_semaphore, #tpu.memory_space<semaphore_mem>>) src(%dma_wait3A_321 : memref<32xi32, #tpu.memory_space<hbm>>) dst(%arg5 : memref<32xi32, #tpu.memory_space<vmem>>)
      tpu.yield
    }) : () -> ()
    %run_scoped3A_91 = arith.constant 1 : i32
    "tpu.region"() ({
      %run_scoped3A_313 = tpu.sem_alloc : memref<!tpu.dma_semaphore, #tpu.memory_space<semaphore_mem>>
      %dma_start3A_314 = tpu.memref_slice %arg3[%run_scoped3A_91, %add3A_89] : memref<2x4096xi32, #tpu.memory_space<hbm>> -> memref<1x32xi32, #tpu.memory_space<hbm>>
      %dma_start3A_315 = tpu.memref_squeeze %dma_start3A_314 : memref<1x32xi32, #tpu.memory_space<hbm>> -> memref<32xi32, #tpu.memory_space<hbm>>
      %dma_start3A_316 = tpu.memref_slice %arg3[%run_scoped3A_91, %add3A_89] : memref<2x4096xi32, #tpu.memory_space<hbm>> -> memref<1x32xi32, #tpu.memory_space<hbm>>
      %dma_start3A_317 = tpu.memref_squeeze %dma_start3A_316 : memref<1x32xi32, #tpu.memory_space<hbm>> -> memref<32xi32, #tpu.memory_space<hbm>>
      tpu.enqueue_dma source(%dma_start3A_317 : memref<32xi32, #tpu.memory_space<hbm>>) target(%arg6 : memref<32xi32, #tpu.memory_space<vmem>>) target_semaphore(%run_scoped3A_313 : memref<!tpu.dma_semaphore, #tpu.memory_space<semaphore_mem>>)
      %dma_wait3A_318 = tpu.memref_slice %arg3[%run_scoped3A_91, %add3A_89] : memref<2x4096xi32, #tpu.memory_space<hbm>> -> memref<1x32xi32, #tpu.memory_space<hbm>>
      %dma_wait3A_319 = tpu.memref_squeeze %dma_wait3A_318 : memref<1x32xi32, #tpu.memory_space<hbm>> -> memref<32xi32, #tpu.memory_space<hbm>>
      %dma_wait3A_320 = tpu.memref_slice %arg3[%run_scoped3A_91, %add3A_89] : memref<2x4096xi32, #tpu.memory_space<hbm>> -> memref<1x32xi32, #tpu.memory_space<hbm>>
      %dma_wait3A_321 = tpu.memref_squeeze %dma_wait3A_320 : memref<1x32xi32, #tpu.memory_space<hbm>> -> memref<32xi32, #tpu.memory_space<hbm>>
      tpu.wait_dma2 semaphore(%run_scoped3A_313 : memref<!tpu.dma_semaphore, #tpu.memory_space<semaphore_mem>>) src(%dma_wait3A_321 : memref<32xi32, #tpu.memory_space<hbm>>) dst(%arg6 : memref<32xi32, #tpu.memory_space<vmem>>)
      tpu.yield
    }) : () -> ()
    %get3A_92 = arith.constant 0 : index
    %get3A_93 = tpu.vector_load %arg5[%get3A_92] {strides = array<i32>} : memref<32xi32, #tpu.memory_space<vmem>>, vector<16xi32>,
    %get3A_94 = vector.shape_cast %get3A_93 : vector<16xi32> to vector<16xi32>
    %add3A_95 = arith.constant 0 : i32
    %add3A_96 = arith.addi %add3A_95, %select_n3A : i32
    %mul3A_97 = arith.constant 512 : i32
    %mul3A_98 = arith.muli %add3A_96, %mul3A_97 : i32
    %add3A_99 = vector.broadcast %mul3A_98 : i32 to vector<16xi32>
    %add3A_100 = arith.addi %get3A_94, %add3A_99 : vector<16xi32>
    %swap3A_101 = arith.constant 0 : index
    %swap3A_102 = tpu.vector_load %arg5[%swap3A_101] {strides = array<i32>} : memref<32xi32, #tpu.memory_space<vmem>>, vector<16xi32>,
    %swap3A_103 = vector.shape_cast %swap3A_102 : vector<16xi32> to vector<16xi32>
    %swap3A_104 = vector.shape_cast %add3A_100 : vector<16xi32> to vector<16xi32>
    tpu.vector_store %arg5[%swap3A_101], %swap3A_104 {strides = array<i32>} : memref<32xi32, #tpu.memory_space<vmem>>, vector<16xi32>,
    %get3A_105 = arith.constant 0 : index
    %get3A_106 = tpu.vector_load %arg6[%get3A_105] {strides = array<i32>} : memref<32xi32, #tpu.memory_space<vmem>>, vector<16xi32>,
    %get3A_107 = vector.shape_cast %get3A_106 : vector<16xi32> to vector<16xi32>
    %add3A_108 = arith.constant 2 : i32
    %add3A_109 = arith.addi %add3A_108, %select_n3A : i32
    %mul3A_110 = arith.constant 512 : i32
    %mul3A_111 = arith.muli %add3A_109, %mul3A_110 : i32
    %add3A_112 = vector.broadcast %mul3A_111 : i32 to vector<16xi32>
    %add3A_113 = arith.addi %get3A_107, %add3A_112 : vector<16xi32>
    %swap3A_114 = arith.constant 0 : index
    %swap3A_115 = tpu.vector_load %arg6[%swap3A_114] {strides = array<i32>} : memref<32xi32, #tpu.memory_space<vmem>>, vector<16xi32>,
    %swap3A_116 = vector.shape_cast %swap3A_115 : vector<16xi32> to vector<16xi32>
    %swap3A_117 = vector.shape_cast %add3A_113 : vector<16xi32> to vector<16xi32>
    tpu.vector_store %arg6[%swap3A_114], %swap3A_117 {strides = array<i32>} : memref<32xi32, #tpu.memory_space<vmem>>, vector<16xi32>,
    %get3A_118 = arith.constant 16 : index
    %get3A_119 = tpu.vector_load %arg5[%get3A_118] {strides = array<i32>} : memref<32xi32, #tpu.memory_space<vmem>>, vector<16xi32>,
    %get3A_120 = vector.shape_cast %get3A_119 : vector<16xi32> to vector<16xi32>
    %add3A_121 = arith.constant 0 : i32
    %add3A_122 = arith.addi %add3A_121, %select_n3A : i32
    %mul3A_123 = arith.constant 512 : i32
    %mul3A_124 = arith.muli %add3A_122, %mul3A_123 : i32
    %add3A_125 = vector.broadcast %mul3A_124 : i32 to vector<16xi32>
    %add3A_126 = arith.addi %get3A_120, %add3A_125 : vector<16xi32>
    %swap3A_127 = arith.constant 16 : index
    %swap3A_128 = tpu.vector_load %arg5[%swap3A_127] {strides = array<i32>} : memref<32xi32, #tpu.memory_space<vmem>>, vector<16xi32>,
    %swap3A_129 = vector.shape_cast %swap3A_128 : vector<16xi32> to vector<16xi32>
    %swap3A_130 = vector.shape_cast %add3A_126 : vector<16xi32> to vector<16xi32>
    tpu.vector_store %arg5[%swap3A_127], %swap3A_130 {strides = array<i32>} : memref<32xi32, #tpu.memory_space<vmem>>, vector<16xi32>,
    %get3A_131 = arith.constant 16 : index
    %get3A_132 = tpu.vector_load %arg6[%get3A_131] {strides = array<i32>} : memref<32xi32, #tpu.memory_space<vmem>>, vector<16xi32>,
    %get3A_133 = vector.shape_cast %get3A_132 : vector<16xi32> to vector<16xi32>
    %add3A_134 = arith.constant 2 : i32
    %add3A_135 = arith.addi %add3A_134, %select_n3A : i32
    %mul3A_136 = arith.constant 512 : i32
    %mul3A_137 = arith.muli %add3A_135, %mul3A_136 : i32
    %add3A_138 = vector.broadcast %mul3A_137 : i32 to vector<16xi32>
    %add3A_139 = arith.addi %get3A_133, %add3A_138 : vector<16xi32>
    %swap3A_140 = arith.constant 16 : index
    %swap3A_141 = tpu.vector_load %arg6[%swap3A_140] {strides = array<i32>} : memref<32xi32, #tpu.memory_space<vmem>>, vector<16xi32>,
    %swap3A_142 = vector.shape_cast %swap3A_141 : vector<16xi32> to vector<16xi32>
    %swap3A_143 = vector.shape_cast %add3A_139 : vector<16xi32> to vector<16xi32>
    tpu.vector_store %arg6[%swap3A_140], %swap3A_143 {strides = array<i32>} : memref<32xi32, #tpu.memory_space<vmem>>, vector<16xi32>,
    %dma_start3A_144 = arith.constant 0 : i32
    %dma_start3A_145 = arith.constant 0 : i32
    %dma_start3A_146 = tpu.memref_slice %arg2[%dma_start3A_144, %dma_start3A_145] : memref<2048x1024xf32, #tpu.memory_space<hbm>> -> memref<2048x1024xf32, #tpu.memory_space<hbm>>
    tpu.enqueue_indirect_dma source(%dma_start3A_146 : memref<2048x1024xf32, #tpu.memory_space<hbm>>) target(%arg7 : memref<32x1024xf32, #tpu.memory_space<vmem>>) offsets(%arg5 : memref<32xi32, #tpu.memory_space<vmem>>) semaphore(%arg10 : memref<!tpu.dma_semaphore, #tpu.memory_space<semaphore_mem>>)
    %dma_start3A_147 = arith.constant 0 : i32
    %dma_start3A_148 = arith.constant 0 : i32
    %dma_start3A_149 = tpu.memref_slice %arg2[%dma_start3A_147, %dma_start3A_148] : memref<2048x1024xf32, #tpu.memory_space<hbm>> -> memref<2048x1024xf32, #tpu.memory_space<hbm>>
    tpu.enqueue_indirect_dma source(%dma_start3A_149 : memref<2048x1024xf32, #tpu.memory_space<hbm>>) target(%arg8 : memref<32x1024xf32, #tpu.memory_space<vmem>>) offsets(%arg6 : memref<32xi32, #tpu.memory_space<vmem>>) semaphore(%arg11 : memref<!tpu.dma_semaphore, #tpu.memory_space<semaphore_mem>>)
    %dma_wait3A_150 = arith.constant 0 : i32
    %dma_wait3A_151 = arith.constant 0 : i32
    %dma_wait3A_152 = tpu.memref_slice %arg2[%dma_wait3A_150, %dma_wait3A_151] : memref<2048x1024xf32, #tpu.memory_space<hbm>> -> memref<2048x1024xf32, #tpu.memory_space<hbm>>
    tpu.wait_indirect_dma semaphore(%arg10 : memref<!tpu.dma_semaphore, #tpu.memory_space<semaphore_mem>>) src(%dma_wait3A_152 : memref<2048x1024xf32, #tpu.memory_space<hbm>>) dst(%arg7 : memref<32x1024xf32, #tpu.memory_space<vmem>>)
    %dma_wait3A_153 = arith.constant 0 : i32
    %dma_wait3A_154 = arith.constant 0 : i32
    %dma_wait3A_155 = tpu.memref_slice %arg2[%dma_wait3A_153, %dma_wait3A_154] : memref<2048x1024xf32, #tpu.memory_space<hbm>> -> memref<2048x1024xf32, #tpu.memory_space<hbm>>
    tpu.wait_indirect_dma semaphore(%arg11 : memref<!tpu.dma_semaphore, #tpu.memory_space<semaphore_mem>>) src(%dma_wait3A_155 : memref<2048x1024xf32, #tpu.memory_space<hbm>>) dst(%arg8 : memref<32x1024xf32, #tpu.memory_space<vmem>>)
    %scan3A_156 = arith.constant 0 : i32
    %scan3A_157 = arith.constant 0 : i32
    %scan3A_158 = arith.constant 2048 : i32
    %scan3A_159 = arith.addi %scan3A_157, %scan3A_158 : i32
    %scan3A_160 = arith.constant 8 : i32
    %scan3A_161 = scf.for %scan3A_313 = %scan3A_157 to %scan3A_159 step %scan3A_160 iter_args(%scan3A_314 = %scan3A_156) -> (i32)  : i32 {
      %jit3A_315 = arith.constant 64 : i32
      %div3A_316 = arith.divsi %scan3A_313, %jit3A_315 : i32
      %sign3A_317 = arith.constant 0 : i32
      %sign3A_318 = arith.cmpi sgt, %scan3A_313, %sign3A_317 : i32
      %sign3A_319 = arith.extui %sign3A_318 : i1 to i32
      %sign3A_320 = arith.constant 0 : i32
      %sign3A_321 = arith.cmpi slt, %scan3A_313, %sign3A_320 : i32
      %sign3A_322 = arith.extui %sign3A_321 : i1 to i32
      %sign3A_323 = arith.subi %sign3A_319, %sign3A_322 : i32
      %sign3A_324 = arith.constant 0 : i32
      %sign3A_325 = arith.cmpi sgt, %jit3A_315, %sign3A_324 : i32
      %sign3A_326 = arith.extui %sign3A_325 : i1 to i32
      %sign3A_327 = arith.constant 0 : i32
      %sign3A_328 = arith.cmpi slt, %jit3A_315, %sign3A_327 : i32
      %sign3A_329 = arith.extui %sign3A_328 : i1 to i32
      %sign3A_330 = arith.subi %sign3A_326, %sign3A_329 : i32
      %ne3A_331 = arith.cmpi ne, %sign3A_323, %sign3A_330 : i32
      %rem3A_332 = arith.remsi %scan3A_313, %jit3A_315 : i32
      %ne3A_333 = arith.constant 0 : i32
      %ne3A_334 = arith.cmpi ne, %rem3A_332, %ne3A_333 : i32
      %and3A_335 = arith.andi %ne3A_331, %ne3A_334 : i1
      %sub3A_336 = arith.constant 1 : i32
      %sub3A_337 = arith.subi %div3A_316, %sub3A_336 : i32
      %select_n3A_338 = arith.select %and3A_335, %sub3A_337, %div3A_316 : i32
      %jit3A_339 = arith.constant 64 : i32
      %eq3A = arith.constant 0 : i32
      %eq3A_340 = arith.cmpi eq, %jit3A_339, %eq3A : i32
      %jit3A_341 = arith.constant 1 : i32
      %select_n3A_342 = arith.select %eq3A_340, %jit3A_341, %jit3A_339 : i32
      %rem3A_343 = arith.remsi %scan3A_313, %select_n3A_342 : i32
      %ne3A_344 = arith.constant 0 : i32
      %ne3A_345 = arith.cmpi ne, %rem3A_343, %ne3A_344 : i32
      %lt3A = arith.constant 0 : i32
      %lt3A_346 = arith.cmpi slt, %rem3A_343, %lt3A : i32
      %lt3A_347 = arith.constant 0 : i32
      %lt3A_348 = arith.cmpi slt, %select_n3A_342, %lt3A_347 : i32
      %ne3A_349 = arith.xori %lt3A_346, %lt3A_348 : i1
      %and3A_350 = arith.andi %ne3A_349, %ne3A_345 : i1
      %add3A_351 = arith.addi %rem3A_343, %select_n3A_342 : i32
      %select_n3A_352 = arith.select %and3A_350, %add3A_351, %rem3A_343 : i32
      %mul3A_353 = arith.constant 16 : i32
      %mul3A_354 = arith.muli %select_n3A_352, %mul3A_353 : i32
      %get3A_355 = arith.index_cast %select_n3A_338 : i32 to index
      %get3A_356 = arith.index_cast %mul3A_354 : i32 to index
      %get3A_357 = tpu.vector_load %arg7[%get3A_355, %get3A_356] {strides = array<i32>} : memref<32x1024xf32, #tpu.memory_space<vmem>>, vector<1x16xf32>,
      %get3A_358 = vector.shape_cast %get3A_357 : vector<1x16xf32> to vector<16xf32>
      %get3A_359 = arith.index_cast %select_n3A_338 : i32 to index
      %get3A_360 = arith.index_cast %mul3A_354 : i32 to index
      %get3A_361 = tpu.vector_load %arg8[%get3A_359, %get3A_360] {strides = array<i32>} : memref<32x1024xf32, #tpu.memory_space<vmem>>, vector<1x16xf32>,
      %get3A_362 = vector.shape_cast %get3A_361 : vector<1x16xf32> to vector<16xf32>
      %add3A_363 = arith.addf %get3A_358, %get3A_362 : vector<16xf32>
      %swap3A_364 = arith.index_cast %select_n3A_338 : i32 to index
      %swap3A_365 = arith.index_cast %mul3A_354 : i32 to index
      %swap3A_366 = tpu.vector_load %arg9[%swap3A_364, %swap3A_365] {strides = array<i32>} : memref<32x1024xf32, #tpu.memory_space<vmem>>, vector<1x16xf32>,
      %swap3A_367 = vector.shape_cast %swap3A_366 : vector<1x16xf32> to vector<16xf32>
      %swap3A_368 = vector.shape_cast %add3A_363 : vector<16xf32> to vector<1x16xf32>
      tpu.vector_store %arg9[%swap3A_364, %swap3A_365], %swap3A_368 {strides = array<i32>} : memref<32x1024xf32, #tpu.memory_space<vmem>>, vector<1x16xf32>,
      %scan3A_369 = arith.constant 0 : i32
      %scan3A_370 = arith.constant 1 : i32
      %scan3A_371 = arith.addi %scan3A_313, %scan3A_370 : i32
      %jit3A_372 = arith.constant 64 : i32
      %div3A_373 = arith.divsi %scan3A_371, %jit3A_372 : i32
      %sign3A_374 = arith.constant 0 : i32
      %sign3A_375 = arith.cmpi sgt, %scan3A_371, %sign3A_374 : i32
      %sign3A_376 = arith.extui %sign3A_375 : i1 to i32
      %sign3A_377 = arith.constant 0 : i32
      %sign3A_378 = arith.cmpi slt, %scan3A_371, %sign3A_377 : i32
      %sign3A_379 = arith.extui %sign3A_378 : i1 to i32
      %sign3A_380 = arith.subi %sign3A_376, %sign3A_379 : i32
      %sign3A_381 = arith.constant 0 : i32
      %sign3A_382 = arith.cmpi sgt, %jit3A_372, %sign3A_381 : i32
      %sign3A_383 = arith.extui %sign3A_382 : i1 to i32
      %sign3A_384 = arith.constant 0 : i32
      %sign3A_385 = arith.cmpi slt, %jit3A_372, %sign3A_384 : i32
      %sign3A_386 = arith.extui %sign3A_385 : i1 to i32
      %sign3A_387 = arith.subi %sign3A_383, %sign3A_386 : i32
      %ne3A_388 = arith.cmpi ne, %sign3A_380, %sign3A_387 : i32
      %rem3A_389 = arith.remsi %scan3A_371, %jit3A_372 : i32
      %ne3A_390 = arith.constant 0 : i32
      %ne3A_391 = arith.cmpi ne, %rem3A_389, %ne3A_390 : i32
      %and3A_392 = arith.andi %ne3A_388, %ne3A_391 : i1
      %sub3A_393 = arith.constant 1 : i32
      %sub3A_394 = arith.subi %div3A_373, %sub3A_393 : i32
      %select_n3A_395 = arith.select %and3A_392, %sub3A_394, %div3A_373 : i32
      %jit3A_396 = arith.constant 64 : i32
      %eq3A_397 = arith.constant 0 : i32
      %eq3A_398 = arith.cmpi eq, %jit3A_396, %eq3A_397 : i32
      %jit3A_399 = arith.constant 1 : i32
      %select_n3A_400 = arith.select %eq3A_398, %jit3A_399, %jit3A_396 : i32
      %rem3A_401 = arith.remsi %scan3A_371, %select_n3A_400 : i32
      %ne3A_402 = arith.constant 0 : i32
      %ne3A_403 = arith.cmpi ne, %rem3A_401, %ne3A_402 : i32
      %lt3A_404 = arith.constant 0 : i32
      %lt3A_405 = arith.cmpi slt, %rem3A_401, %lt3A_404 : i32
      %lt3A_406 = arith.constant 0 : i32
      %lt3A_407 = arith.cmpi slt, %select_n3A_400, %lt3A_406 : i32
      %ne3A_408 = arith.xori %lt3A_405, %lt3A_407 : i1
      %and3A_409 = arith.andi %ne3A_408, %ne3A_403 : i1
      %add3A_410 = arith.addi %rem3A_401, %select_n3A_400 : i32
      %select_n3A_411 = arith.select %and3A_409, %add3A_410, %rem3A_401 : i32
      %mul3A_412 = arith.constant 16 : i32
      %mul3A_413 = arith.muli %select_n3A_411, %mul3A_412 : i32
      %get3A_414 = arith.index_cast %select_n3A_395 : i32 to index
      %get3A_415 = arith.index_cast %mul3A_413 : i32 to index
      %get3A_416 = tpu.vector_load %arg7[%get3A_414, %get3A_415] {strides = array<i32>} : memref<32x1024xf32, #tpu.memory_space<vmem>>, vector<1x16xf32>,
      %get3A_417 = vector.shape_cast %get3A_416 : vector<1x16xf32> to vector<16xf32>
      %get3A_418 = arith.index_cast %select_n3A_395 : i32 to index
      %get3A_419 = arith.index_cast %mul3A_413 : i32 to index
      %get3A_420 = tpu.vector_load %arg8[%get3A_418, %get3A_419] {strides = array<i32>} : memref<32x1024xf32, #tpu.memory_space<vmem>>, vector<1x16xf32>,
      %get3A_421 = vector.shape_cast %get3A_420 : vector<1x16xf32> to vector<16xf32>
      %add3A_422 = arith.addf %get3A_417, %get3A_421 : vector<16xf32>
      %swap3A_423 = arith.index_cast %select_n3A_395 : i32 to index
      %swap3A_424 = arith.index_cast %mul3A_413 : i32 to index
      %swap3A_425 = tpu.vector_load %arg9[%swap3A_423, %swap3A_424] {strides = array<i32>} : memref<32x1024xf32, #tpu.memory_space<vmem>>, vector<1x16xf32>,
      %swap3A_426 = vector.shape_cast %swap3A_425 : vector<1x16xf32> to vector<16xf32>
      %swap3A_427 = vector.shape_cast %add3A_422 : vector<16xf32> to vector<1x16xf32>
      tpu.vector_store %arg9[%swap3A_423, %swap3A_424], %swap3A_427 {strides = array<i32>} : memref<32x1024xf32, #tpu.memory_space<vmem>>, vector<1x16xf32>,
      %scan3A_428 = arith.constant 0 : i32
      %scan3A_429 = arith.constant 2 : i32
      %scan3A_430 = arith.addi %scan3A_313, %scan3A_429 : i32
      %jit3A_431 = arith.constant 64 : i32
      %div3A_432 = arith.divsi %scan3A_430, %jit3A_431 : i32
      %sign3A_433 = arith.constant 0 : i32
      %sign3A_434 = arith.cmpi sgt, %scan3A_430, %sign3A_433 : i32
      %sign3A_435 = arith.extui %sign3A_434 : i1 to i32
      %sign3A_436 = arith.constant 0 : i32
      %sign3A_437 = arith.cmpi slt, %scan3A_430, %sign3A_436 : i32
      %sign3A_438 = arith.extui %sign3A_437 : i1 to i32
      %sign3A_439 = arith.subi %sign3A_435, %sign3A_438 : i32
      %sign3A_440 = arith.constant 0 : i32
      %sign3A_441 = arith.cmpi sgt, %jit3A_431, %sign3A_440 : i32
      %sign3A_442 = arith.extui %sign3A_441 : i1 to i32
      %sign3A_443 = arith.constant 0 : i32
      %sign3A_444 = arith.cmpi slt, %jit3A_431, %sign3A_443 : i32
      %sign3A_445 = arith.extui %sign3A_444 : i1 to i32
      %sign3A_446 = arith.subi %sign3A_442, %sign3A_445 : i32
      %ne3A_447 = arith.cmpi ne, %sign3A_439, %sign3A_446 : i32
      %rem3A_448 = arith.remsi %scan3A_430, %jit3A_431 : i32
      %ne3A_449 = arith.constant 0 : i32
      %ne3A_450 = arith.cmpi ne, %rem3A_448, %ne3A_449 : i32
      %and3A_451 = arith.andi %ne3A_447, %ne3A_450 : i1
      %sub3A_452 = arith.constant 1 : i32
      %sub3A_453 = arith.subi %div3A_432, %sub3A_452 : i32
      %select_n3A_454 = arith.select %and3A_451, %sub3A_453, %div3A_432 : i32
      %jit3A_455 = arith.constant 64 : i32
      %eq3A_456 = arith.constant 0 : i32
      %eq3A_457 = arith.cmpi eq, %jit3A_455, %eq3A_456 : i32
      %jit3A_458 = arith.constant 1 : i32
      %select_n3A_459 = arith.select %eq3A_457, %jit3A_458, %jit3A_455 : i32
      %rem3A_460 = arith.remsi %scan3A_430, %select_n3A_459 : i32
      %ne3A_461 = arith.constant 0 : i32
      %ne3A_462 = arith.cmpi ne, %rem3A_460, %ne3A_461 : i32
      %lt3A_463 = arith.constant 0 : i32
      %lt3A_464 = arith.cmpi slt, %rem3A_460, %lt3A_463 : i32
      %lt3A_465 = arith.constant 0 : i32
      %lt3A_466 = arith.cmpi slt, %select_n3A_459, %lt3A_465 : i32
      %ne3A_467 = arith.xori %lt3A_464, %lt3A_466 : i1
      %and3A_468 = arith.andi %ne3A_467, %ne3A_462 : i1
      %add3A_469 = arith.addi %rem3A_460, %select_n3A_459 : i32
      %select_n3A_470 = arith.select %and3A_468, %add3A_469, %rem3A_460 : i32
      %mul3A_471 = arith.constant 16 : i32
      %mul3A_472 = arith.muli %select_n3A_470, %mul3A_471 : i32
      %get3A_473 = arith.index_cast %select_n3A_454 : i32 to index
      %get3A_474 = arith.index_cast %mul3A_472 : i32 to index
      %get3A_475 = tpu.vector_load %arg7[%get3A_473, %get3A_474] {strides = array<i32>} : memref<32x1024xf32, #tpu.memory_space<vmem>>, vector<1x16xf32>,
      %get3A_476 = vector.shape_cast %get3A_475 : vector<1x16xf32> to vector<16xf32>
      %get3A_477 = arith.index_cast %select_n3A_454 : i32 to index
      %get3A_478 = arith.index_cast %mul3A_472 : i32 to index
      %get3A_479 = tpu.vector_load %arg8[%get3A_477, %get3A_478] {strides = array<i32>} : memref<32x1024xf32, #tpu.memory_space<vmem>>, vector<1x16xf32>,
      %get3A_480 = vector.shape_cast %get3A_479 : vector<1x16xf32> to vector<16xf32>
      %add3A_481 = arith.addf %get3A_476, %get3A_480 : vector<16xf32>
      %swap3A_482 = arith.index_cast %select_n3A_454 : i32 to index
      %swap3A_483 = arith.index_cast %mul3A_472 : i32 to index
      %swap3A_484 = tpu.vector_load %arg9[%swap3A_482, %swap3A_483] {strides = array<i32>} : memref<32x1024xf32, #tpu.memory_space<vmem>>, vector<1x16xf32>,
      %swap3A_485 = vector.shape_cast %swap3A_484 : vector<1x16xf32> to vector<16xf32>
      %swap3A_486 = vector.shape_cast %add3A_481 : vector<16xf32> to vector<1x16xf32>
      tpu.vector_store %arg9[%swap3A_482, %swap3A_483], %swap3A_486 {strides = array<i32>} : memref<32x1024xf32, #tpu.memory_space<vmem>>, vector<1x16xf32>,
      %scan3A_487 = arith.constant 0 : i32
      %scan3A_488 = arith.constant 3 : i32
      %scan3A_489 = arith.addi %scan3A_313, %scan3A_488 : i32
      %jit3A_490 = arith.constant 64 : i32
      %div3A_491 = arith.divsi %scan3A_489, %jit3A_490 : i32
      %sign3A_492 = arith.constant 0 : i32
      %sign3A_493 = arith.cmpi sgt, %scan3A_489, %sign3A_492 : i32
      %sign3A_494 = arith.extui %sign3A_493 : i1 to i32
      %sign3A_495 = arith.constant 0 : i32
      %sign3A_496 = arith.cmpi slt, %scan3A_489, %sign3A_495 : i32
      %sign3A_497 = arith.extui %sign3A_496 : i1 to i32
      %sign3A_498 = arith.subi %sign3A_494, %sign3A_497 : i32
      %sign3A_499 = arith.constant 0 : i32
      %sign3A_500 = arith.cmpi sgt, %jit3A_490, %sign3A_499 : i32
      %sign3A_501 = arith.extui %sign3A_500 : i1 to i32
      %sign3A_502 = arith.constant 0 : i32
      %sign3A_503 = arith.cmpi slt, %jit3A_490, %sign3A_502 : i32
      %sign3A_504 = arith.extui %sign3A_503 : i1 to i32
      %sign3A_505 = arith.subi %sign3A_501, %sign3A_504 : i32
      %ne3A_506 = arith.cmpi ne, %sign3A_498, %sign3A_505 : i32
      %rem3A_507 = arith.remsi %scan3A_489, %jit3A_490 : i32
      %ne3A_508 = arith.constant 0 : i32
      %ne3A_509 = arith.cmpi ne, %rem3A_507, %ne3A_508 : i32
      %and3A_510 = arith.andi %ne3A_506, %ne3A_509 : i1
      %sub3A_511 = arith.constant 1 : i32
      %sub3A_512 = arith.subi %div3A_491, %sub3A_511 : i32
      %select_n3A_513 = arith.select %and3A_510, %sub3A_512, %div3A_491 : i32
      %jit3A_514 = arith.constant 64 : i32
      %eq3A_515 = arith.constant 0 : i32
      %eq3A_516 = arith.cmpi eq, %jit3A_514, %eq3A_515 : i32
      %jit3A_517 = arith.constant 1 : i32
      %select_n3A_518 = arith.select %eq3A_516, %jit3A_517, %jit3A_514 : i32
      %rem3A_519 = arith.remsi %scan3A_489, %select_n3A_518 : i32
      %ne3A_520 = arith.constant 0 : i32
      %ne3A_521 = arith.cmpi ne, %rem3A_519, %ne3A_520 : i32
      %lt3A_522 = arith.constant 0 : i32
      %lt3A_523 = arith.cmpi slt, %rem3A_519, %lt3A_522 : i32
      %lt3A_524 = arith.constant 0 : i32
      %lt3A_525 = arith.cmpi slt, %select_n3A_518, %lt3A_524 : i32
      %ne3A_526 = arith.xori %lt3A_523, %lt3A_525 : i1
      %and3A_527 = arith.andi %ne3A_526, %ne3A_521 : i1
      %add3A_528 = arith.addi %rem3A_519, %select_n3A_518 : i32
      %select_n3A_529 = arith.select %and3A_527, %add3A_528, %rem3A_519 : i32
      %mul3A_530 = arith.constant 16 : i32
      %mul3A_531 = arith.muli %select_n3A_529, %mul3A_530 : i32
      %get3A_532 = arith.index_cast %select_n3A_513 : i32 to index
      %get3A_533 = arith.index_cast %mul3A_531 : i32 to index
      %get3A_534 = tpu.vector_load %arg7[%get3A_532, %get3A_533] {strides = array<i32>} : memref<32x1024xf32, #tpu.memory_space<vmem>>, vector<1x16xf32>,
      %get3A_535 = vector.shape_cast %get3A_534 : vector<1x16xf32> to vector<16xf32>
      %get3A_536 = arith.index_cast %select_n3A_513 : i32 to index
      %get3A_537 = arith.index_cast %mul3A_531 : i32 to index
      %get3A_538 = tpu.vector_load %arg8[%get3A_536, %get3A_537] {strides = array<i32>} : memref<32x1024xf32, #tpu.memory_space<vmem>>, vector<1x16xf32>,
      %get3A_539 = vector.shape_cast %get3A_538 : vector<1x16xf32> to vector<16xf32>
      %add3A_540 = arith.addf %get3A_535, %get3A_539 : vector<16xf32>
      %swap3A_541 = arith.index_cast %select_n3A_513 : i32 to index
      %swap3A_542 = arith.index_cast %mul3A_531 : i32 to index
      %swap3A_543 = tpu.vector_load %arg9[%swap3A_541, %swap3A_542] {strides = array<i32>} : memref<32x1024xf32, #tpu.memory_space<vmem>>, vector<1x16xf32>,
      %swap3A_544 = vector.shape_cast %swap3A_543 : vector<1x16xf32> to vector<16xf32>
      %swap3A_545 = vector.shape_cast %add3A_540 : vector<16xf32> to vector<1x16xf32>
      tpu.vector_store %arg9[%swap3A_541, %swap3A_542], %swap3A_545 {strides = array<i32>} : memref<32x1024xf32, #tpu.memory_space<vmem>>, vector<1x16xf32>,
      %scan3A_546 = arith.constant 0 : i32
      %scan3A_547 = arith.constant 4 : i32
      %scan3A_548 = arith.addi %scan3A_313, %scan3A_547 : i32
      %jit3A_549 = arith.constant 64 : i32
      %div3A_550 = arith.divsi %scan3A_548, %jit3A_549 : i32
      %sign3A_551 = arith.constant 0 : i32
      %sign3A_552 = arith.cmpi sgt, %scan3A_548, %sign3A_551 : i32
      %sign3A_553 = arith.extui %sign3A_552 : i1 to i32
      %sign3A_554 = arith.constant 0 : i32
      %sign3A_555 = arith.cmpi slt, %scan3A_548, %sign3A_554 : i32
      %sign3A_556 = arith.extui %sign3A_555 : i1 to i32
      %sign3A_557 = arith.subi %sign3A_553, %sign3A_556 : i32
      %sign3A_558 = arith.constant 0 : i32
      %sign3A_559 = arith.cmpi sgt, %jit3A_549, %sign3A_558 : i32
      %sign3A_560 = arith.extui %sign3A_559 : i1 to i32
      %sign3A_561 = arith.constant 0 : i32
      %sign3A_562 = arith.cmpi slt, %jit3A_549, %sign3A_561 : i32
      %sign3A_563 = arith.extui %sign3A_562 : i1 to i32
      %sign3A_564 = arith.subi %sign3A_560, %sign3A_563 : i32
      %ne3A_565 = arith.cmpi ne, %sign3A_557, %sign3A_564 : i32
      %rem3A_566 = arith.remsi %scan3A_548, %jit3A_549 : i32
      %ne3A_567 = arith.constant 0 : i32
      %ne3A_568 = arith.cmpi ne, %rem3A_566, %ne3A_567 : i32
      %and3A_569 = arith.andi %ne3A_565, %ne3A_568 : i1
      %sub3A_570 = arith.constant 1 : i32
      %sub3A_571 = arith.subi %div3A_550, %sub3A_570 : i32
      %select_n3A_572 = arith.select %and3A_569, %sub3A_571, %div3A_550 : i32
      %jit3A_573 = arith.constant 64 : i32
      %eq3A_574 = arith.constant 0 : i32
      %eq3A_575 = arith.cmpi eq, %jit3A_573, %eq3A_574 : i32
      %jit3A_576 = arith.constant 1 : i32
      %select_n3A_577 = arith.select %eq3A_575, %jit3A_576, %jit3A_573 : i32
      %rem3A_578 = arith.remsi %scan3A_548, %select_n3A_577 : i32
      %ne3A_579 = arith.constant 0 : i32
      %ne3A_580 = arith.cmpi ne, %rem3A_578, %ne3A_579 : i32
      %lt3A_581 = arith.constant 0 : i32
      %lt3A_582 = arith.cmpi slt, %rem3A_578, %lt3A_581 : i32
      %lt3A_583 = arith.constant 0 : i32
      %lt3A_584 = arith.cmpi slt, %select_n3A_577, %lt3A_583 : i32
      %ne3A_585 = arith.xori %lt3A_582, %lt3A_584 : i1
      %and3A_586 = arith.andi %ne3A_585, %ne3A_580 : i1
      %add3A_587 = arith.addi %rem3A_578, %select_n3A_577 : i32
      %select_n3A_588 = arith.select %and3A_586, %add3A_587, %rem3A_578 : i32
      %mul3A_589 = arith.constant 16 : i32
      %mul3A_590 = arith.muli %select_n3A_588, %mul3A_589 : i32
      %get3A_591 = arith.index_cast %select_n3A_572 : i32 to index
      %get3A_592 = arith.index_cast %mul3A_590 : i32 to index
      %get3A_593 = tpu.vector_load %arg7[%get3A_591, %get3A_592] {strides = array<i32>} : memref<32x1024xf32, #tpu.memory_space<vmem>>, vector<1x16xf32>,
      %get3A_594 = vector.shape_cast %get3A_593 : vector<1x16xf32> to vector<16xf32>
      %get3A_595 = arith.index_cast %select_n3A_572 : i32 to index
      %get3A_596 = arith.index_cast %mul3A_590 : i32 to index
      %get3A_597 = tpu.vector_load %arg8[%get3A_595, %get3A_596] {strides = array<i32>} : memref<32x1024xf32, #tpu.memory_space<vmem>>, vector<1x16xf32>,
      %get3A_598 = vector.shape_cast %get3A_597 : vector<1x16xf32> to vector<16xf32>
      %add3A_599 = arith.addf %get3A_594, %get3A_598 : vector<16xf32>
      %swap3A_600 = arith.index_cast %select_n3A_572 : i32 to index
      %swap3A_601 = arith.index_cast %mul3A_590 : i32 to index
      %swap3A_602 = tpu.vector_load %arg9[%swap3A_600, %swap3A_601] {strides = array<i32>} : memref<32x1024xf32, #tpu.memory_space<vmem>>, vector<1x16xf32>,
      %swap3A_603 = vector.shape_cast %swap3A_602 : vector<1x16xf32> to vector<16xf32>
      %swap3A_604 = vector.shape_cast %add3A_599 : vector<16xf32> to vector<1x16xf32>
      tpu.vector_store %arg9[%swap3A_600, %swap3A_601], %swap3A_604 {strides = array<i32>} : memref<32x1024xf32, #tpu.memory_space<vmem>>, vector<1x16xf32>,
      %scan3A_605 = arith.constant 0 : i32
      %scan3A_606 = arith.constant 5 : i32
      %scan3A_607 = arith.addi %scan3A_313, %scan3A_606 : i32
      %jit3A_608 = arith.constant 64 : i32
      %div3A_609 = arith.divsi %scan3A_607, %jit3A_608 : i32
      %sign3A_610 = arith.constant 0 : i32
      %sign3A_611 = arith.cmpi sgt, %scan3A_607, %sign3A_610 : i32
      %sign3A_612 = arith.extui %sign3A_611 : i1 to i32
      %sign3A_613 = arith.constant 0 : i32
      %sign3A_614 = arith.cmpi slt, %scan3A_607, %sign3A_613 : i32
      %sign3A_615 = arith.extui %sign3A_614 : i1 to i32
      %sign3A_616 = arith.subi %sign3A_612, %sign3A_615 : i32
      %sign3A_617 = arith.constant 0 : i32
      %sign3A_618 = arith.cmpi sgt, %jit3A_608, %sign3A_617 : i32
      %sign3A_619 = arith.extui %sign3A_618 : i1 to i32
      %sign3A_620 = arith.constant 0 : i32
      %sign3A_621 = arith.cmpi slt, %jit3A_608, %sign3A_620 : i32
      %sign3A_622 = arith.extui %sign3A_621 : i1 to i32
      %sign3A_623 = arith.subi %sign3A_619, %sign3A_622 : i32
      %ne3A_624 = arith.cmpi ne, %sign3A_616, %sign3A_623 : i32
      %rem3A_625 = arith.remsi %scan3A_607, %jit3A_608 : i32
      %ne3A_626 = arith.constant 0 : i32
      %ne3A_627 = arith.cmpi ne, %rem3A_625, %ne3A_626 : i32
      %and3A_628 = arith.andi %ne3A_624, %ne3A_627 : i1
      %sub3A_629 = arith.constant 1 : i32
      %sub3A_630 = arith.subi %div3A_609, %sub3A_629 : i32
      %select_n3A_631 = arith.select %and3A_628, %sub3A_630, %div3A_609 : i32
      %jit3A_632 = arith.constant 64 : i32
      %eq3A_633 = arith.constant 0 : i32
      %eq3A_634 = arith.cmpi eq, %jit3A_632, %eq3A_633 : i32
      %jit3A_635 = arith.constant 1 : i32
      %select_n3A_636 = arith.select %eq3A_634, %jit3A_635, %jit3A_632 : i32
      %rem3A_637 = arith.remsi %scan3A_607, %select_n3A_636 : i32
      %ne3A_638 = arith.constant 0 : i32
      %ne3A_639 = arith.cmpi ne, %rem3A_637, %ne3A_638 : i32
      %lt3A_640 = arith.constant 0 : i32
      %lt3A_641 = arith.cmpi slt, %rem3A_637, %lt3A_640 : i32
      %lt3A_642 = arith.constant 0 : i32
      %lt3A_643 = arith.cmpi slt, %select_n3A_636, %lt3A_642 : i32
      %ne3A_644 = arith.xori %lt3A_641, %lt3A_643 : i1
      %and3A_645 = arith.andi %ne3A_644, %ne3A_639 : i1
      %add3A_646 = arith.addi %rem3A_637, %select_n3A_636 : i32
      %select_n3A_647 = arith.select %and3A_645, %add3A_646, %rem3A_637 : i32
      %mul3A_648 = arith.constant 16 : i32
      %mul3A_649 = arith.muli %select_n3A_647, %mul3A_648 : i32
      %get3A_650 = arith.index_cast %select_n3A_631 : i32 to index
      %get3A_651 = arith.index_cast %mul3A_649 : i32 to index
      %get3A_652 = tpu.vector_load %arg7[%get3A_650, %get3A_651] {strides = array<i32>} : memref<32x1024xf32, #tpu.memory_space<vmem>>, vector<1x16xf32>,
      %get3A_653 = vector.shape_cast %get3A_652 : vector<1x16xf32> to vector<16xf32>
      %get3A_654 = arith.index_cast %select_n3A_631 : i32 to index
      %get3A_655 = arith.index_cast %mul3A_649 : i32 to index
      %get3A_656 = tpu.vector_load %arg8[%get3A_654, %get3A_655] {strides = array<i32>} : memref<32x1024xf32, #tpu.memory_space<vmem>>, vector<1x16xf32>,
      %get3A_657 = vector.shape_cast %get3A_656 : vector<1x16xf32> to vector<16xf32>
      %add3A_658 = arith.addf %get3A_653, %get3A_657 : vector<16xf32>
      %swap3A_659 = arith.index_cast %select_n3A_631 : i32 to index
      %swap3A_660 = arith.index_cast %mul3A_649 : i32 to index
      %swap3A_661 = tpu.vector_load %arg9[%swap3A_659, %swap3A_660] {strides = array<i32>} : memref<32x1024xf32, #tpu.memory_space<vmem>>, vector<1x16xf32>,
      %swap3A_662 = vector.shape_cast %swap3A_661 : vector<1x16xf32> to vector<16xf32>
      %swap3A_663 = vector.shape_cast %add3A_658 : vector<16xf32> to vector<1x16xf32>
      tpu.vector_store %arg9[%swap3A_659, %swap3A_660], %swap3A_663 {strides = array<i32>} : memref<32x1024xf32, #tpu.memory_space<vmem>>, vector<1x16xf32>,
      %scan3A_664 = arith.constant 0 : i32
      %scan3A_665 = arith.constant 6 : i32
      %scan3A_666 = arith.addi %scan3A_313, %scan3A_665 : i32
      %jit3A_667 = arith.constant 64 : i32
      %div3A_668 = arith.divsi %scan3A_666, %jit3A_667 : i32
      %sign3A_669 = arith.constant 0 : i32
      %sign3A_670 = arith.cmpi sgt, %scan3A_666, %sign3A_669 : i32
      %sign3A_671 = arith.extui %sign3A_670 : i1 to i32
      %sign3A_672 = arith.constant 0 : i32
      %sign3A_673 = arith.cmpi slt, %scan3A_666, %sign3A_672 : i32
      %sign3A_674 = arith.extui %sign3A_673 : i1 to i32
      %sign3A_675 = arith.subi %sign3A_671, %sign3A_674 : i32
      %sign3A_676 = arith.constant 0 : i32
      %sign3A_677 = arith.cmpi sgt, %jit3A_667, %sign3A_676 : i32
      %sign3A_678 = arith.extui %sign3A_677 : i1 to i32
      %sign3A_679 = arith.constant 0 : i32
      %sign3A_680 = arith.cmpi slt, %jit3A_667, %sign3A_679 : i32
      %sign3A_681 = arith.extui %sign3A_680 : i1 to i32
      %sign3A_682 = arith.subi %sign3A_678, %sign3A_681 : i32
      %ne3A_683 = arith.cmpi ne, %sign3A_675, %sign3A_682 : i32
      %rem3A_684 = arith.remsi %scan3A_666, %jit3A_667 : i32
      %ne3A_685 = arith.constant 0 : i32
      %ne3A_686 = arith.cmpi ne, %rem3A_684, %ne3A_685 : i32
      %and3A_687 = arith.andi %ne3A_683, %ne3A_686 : i1
      %sub3A_688 = arith.constant 1 : i32
      %sub3A_689 = arith.subi %div3A_668, %sub3A_688 : i32
      %select_n3A_690 = arith.select %and3A_687, %sub3A_689, %div3A_668 : i32
      %jit3A_691 = arith.constant 64 : i32
      %eq3A_692 = arith.constant 0 : i32
      %eq3A_693 = arith.cmpi eq, %jit3A_691, %eq3A_692 : i32
      %jit3A_694 = arith.constant 1 : i32
      %select_n3A_695 = arith.select %eq3A_693, %jit3A_694, %jit3A_691 : i32
      %rem3A_696 = arith.remsi %scan3A_666, %select_n3A_695 : i32
      %ne3A_697 = arith.constant 0 : i32
      %ne3A_698 = arith.cmpi ne, %rem3A_696, %ne3A_697 : i32
      %lt3A_699 = arith.constant 0 : i32
      %lt3A_700 = arith.cmpi slt, %rem3A_696, %lt3A_699 : i32
      %lt3A_701 = arith.constant 0 : i32
      %lt3A_702 = arith.cmpi slt, %select_n3A_695, %lt3A_701 : i32
      %ne3A_703 = arith.xori %lt3A_700, %lt3A_702 : i1
      %and3A_704 = arith.andi %ne3A_703, %ne3A_698 : i1
      %add3A_705 = arith.addi %rem3A_696, %select_n3A_695 : i32
      %select_n3A_706 = arith.select %and3A_704, %add3A_705, %rem3A_696 : i32
      %mul3A_707 = arith.constant 16 : i32
      %mul3A_708 = arith.muli %select_n3A_706, %mul3A_707 : i32
      %get3A_709 = arith.index_cast %select_n3A_690 : i32 to index
      %get3A_710 = arith.index_cast %mul3A_708 : i32 to index
      %get3A_711 = tpu.vector_load %arg7[%get3A_709, %get3A_710] {strides = array<i32>} : memref<32x1024xf32, #tpu.memory_space<vmem>>, vector<1x16xf32>,
      %get3A_712 = vector.shape_cast %get3A_711 : vector<1x16xf32> to vector<16xf32>
      %get3A_713 = arith.index_cast %select_n3A_690 : i32 to index
      %get3A_714 = arith.index_cast %mul3A_708 : i32 to index
      %get3A_715 = tpu.vector_load %arg8[%get3A_713, %get3A_714] {strides = array<i32>} : memref<32x1024xf32, #tpu.memory_space<vmem>>, vector<1x16xf32>,
      %get3A_716 = vector.shape_cast %get3A_715 : vector<1x16xf32> to vector<16xf32>
      %add3A_717 = arith.addf %get3A_712, %get3A_716 : vector<16xf32>
      %swap3A_718 = arith.index_cast %select_n3A_690 : i32 to index
      %swap3A_719 = arith.index_cast %mul3A_708 : i32 to index
      %swap3A_720 = tpu.vector_load %arg9[%swap3A_718, %swap3A_719] {strides = array<i32>} : memref<32x1024xf32, #tpu.memory_space<vmem>>, vector<1x16xf32>,
      %swap3A_721 = vector.shape_cast %swap3A_720 : vector<1x16xf32> to vector<16xf32>
      %swap3A_722 = vector.shape_cast %add3A_717 : vector<16xf32> to vector<1x16xf32>
      tpu.vector_store %arg9[%swap3A_718, %swap3A_719], %swap3A_722 {strides = array<i32>} : memref<32x1024xf32, #tpu.memory_space<vmem>>, vector<1x16xf32>,
      %scan3A_723 = arith.constant 0 : i32
      %scan3A_724 = arith.constant 7 : i32
      %scan3A_725 = arith.addi %scan3A_313, %scan3A_724 : i32
      %jit3A_726 = arith.constant 64 : i32
      %div3A_727 = arith.divsi %scan3A_725, %jit3A_726 : i32
      %sign3A_728 = arith.constant 0 : i32
      %sign3A_729 = arith.cmpi sgt, %scan3A_725, %sign3A_728 : i32
      %sign3A_730 = arith.extui %sign3A_729 : i1 to i32
      %sign3A_731 = arith.constant 0 : i32
      %sign3A_732 = arith.cmpi slt, %scan3A_725, %sign3A_731 : i32
      %sign3A_733 = arith.extui %sign3A_732 : i1 to i32
      %sign3A_734 = arith.subi %sign3A_730, %sign3A_733 : i32
      %sign3A_735 = arith.constant 0 : i32
      %sign3A_736 = arith.cmpi sgt, %jit3A_726, %sign3A_735 : i32
      %sign3A_737 = arith.extui %sign3A_736 : i1 to i32
      %sign3A_738 = arith.constant 0 : i32
      %sign3A_739 = arith.cmpi slt, %jit3A_726, %sign3A_738 : i32
      %sign3A_740 = arith.extui %sign3A_739 : i1 to i32
      %sign3A_741 = arith.subi %sign3A_737, %sign3A_740 : i32
      %ne3A_742 = arith.cmpi ne, %sign3A_734, %sign3A_741 : i32
      %rem3A_743 = arith.remsi %scan3A_725, %jit3A_726 : i32
      %ne3A_744 = arith.constant 0 : i32
      %ne3A_745 = arith.cmpi ne, %rem3A_743, %ne3A_744 : i32
      %and3A_746 = arith.andi %ne3A_742, %ne3A_745 : i1
      %sub3A_747 = arith.constant 1 : i32
      %sub3A_748 = arith.subi %div3A_727, %sub3A_747 : i32
      %select_n3A_749 = arith.select %and3A_746, %sub3A_748, %div3A_727 : i32
      %jit3A_750 = arith.constant 64 : i32
      %eq3A_751 = arith.constant 0 : i32
      %eq3A_752 = arith.cmpi eq, %jit3A_750, %eq3A_751 : i32
      %jit3A_753 = arith.constant 1 : i32
      %select_n3A_754 = arith.select %eq3A_752, %jit3A_753, %jit3A_750 : i32
      %rem3A_755 = arith.remsi %scan3A_725, %select_n3A_754 : i32
      %ne3A_756 = arith.constant 0 : i32
      %ne3A_757 = arith.cmpi ne, %rem3A_755, %ne3A_756 : i32
      %lt3A_758 = arith.constant 0 : i32
      %lt3A_759 = arith.cmpi slt, %rem3A_755, %lt3A_758 : i32
      %lt3A_760 = arith.constant 0 : i32
      %lt3A_761 = arith.cmpi slt, %select_n3A_754, %lt3A_760 : i32
      %ne3A_762 = arith.xori %lt3A_759, %lt3A_761 : i1
      %and3A_763 = arith.andi %ne3A_762, %ne3A_757 : i1
      %add3A_764 = arith.addi %rem3A_755, %select_n3A_754 : i32
      %select_n3A_765 = arith.select %and3A_763, %add3A_764, %rem3A_755 : i32
      %mul3A_766 = arith.constant 16 : i32
      %mul3A_767 = arith.muli %select_n3A_765, %mul3A_766 : i32
      %get3A_768 = arith.index_cast %select_n3A_749 : i32 to index
      %get3A_769 = arith.index_cast %mul3A_767 : i32 to index
      %get3A_770 = tpu.vector_load %arg7[%get3A_768, %get3A_769] {strides = array<i32>} : memref<32x1024xf32, #tpu.memory_space<vmem>>, vector<1x16xf32>,
      %get3A_771 = vector.shape_cast %get3A_770 : vector<1x16xf32> to vector<16xf32>
      %get3A_772 = arith.index_cast %select_n3A_749 : i32 to index
      %get3A_773 = arith.index_cast %mul3A_767 : i32 to index
      %get3A_774 = tpu.vector_load %arg8[%get3A_772, %get3A_773] {strides = array<i32>} : memref<32x1024xf32, #tpu.memory_space<vmem>>, vector<1x16xf32>,
      %get3A_775 = vector.shape_cast %get3A_774 : vector<1x16xf32> to vector<16xf32>
      %add3A_776 = arith.addf %get3A_771, %get3A_775 : vector<16xf32>
      %swap3A_777 = arith.index_cast %select_n3A_749 : i32 to index
      %swap3A_778 = arith.index_cast %mul3A_767 : i32 to index
      %swap3A_779 = tpu.vector_load %arg9[%swap3A_777, %swap3A_778] {strides = array<i32>} : memref<32x1024xf32, #tpu.memory_space<vmem>>, vector<1x16xf32>,
      %swap3A_780 = vector.shape_cast %swap3A_779 : vector<1x16xf32> to vector<16xf32>
      %swap3A_781 = vector.shape_cast %add3A_776 : vector<16xf32> to vector<1x16xf32>
      tpu.vector_store %arg9[%swap3A_777, %swap3A_778], %swap3A_781 {strides = array<i32>} : memref<32x1024xf32, #tpu.memory_space<vmem>>, vector<1x16xf32>,
      %scan3A_782 = arith.constant 0 : i32
      scf.yield %scan3A_782 : i32
    }
    %scan3A_162 = arith.constant 2048 : i32
    "tpu.region"() ({
      %run_scoped3A_313 = tpu.sem_alloc : memref<!tpu.dma_semaphore, #tpu.memory_space<semaphore_mem>>
      %dma_start3A_314 = arith.constant 0 : i32
      %dma_start3A_315 = tpu.memref_slice %arg4[%add3A_89, %dma_start3A_314] : memref<4096x1024xf32, #tpu.memory_space<hbm>> -> memref<32x1024xf32, #tpu.memory_space<hbm>>
      %dma_start3A_316 = arith.constant 0 : i32
      %dma_start3A_317 = tpu.memref_slice %arg4[%add3A_89, %dma_start3A_316] : memref<4096x1024xf32, #tpu.memory_space<hbm>> -> memref<32x1024xf32, #tpu.memory_space<hbm>>
      tpu.enqueue_dma source(%arg9 : memref<32x1024xf32, #tpu.memory_space<vmem>>) target(%dma_start3A_317 : memref<32x1024xf32, #tpu.memory_space<hbm>>) target_semaphore(%run_scoped3A_313 : memref<!tpu.dma_semaphore, #tpu.memory_space<semaphore_mem>>)
      %dma_wait3A_318 = arith.constant 0 : i32
      %dma_wait3A_319 = tpu.memref_slice %arg4[%add3A_89, %dma_wait3A_318] : memref<4096x1024xf32, #tpu.memory_space<hbm>> -> memref<32x1024xf32, #tpu.memory_space<hbm>>
      %dma_wait3A_320 = arith.constant 0 : i32
      %dma_wait3A_321 = tpu.memref_slice %arg4[%add3A_89, %dma_wait3A_320] : memref<4096x1024xf32, #tpu.memory_space<hbm>> -> memref<32x1024xf32, #tpu.memory_space<hbm>>
      tpu.wait_dma2 semaphore(%run_scoped3A_313 : memref<!tpu.dma_semaphore, #tpu.memory_space<semaphore_mem>>) src(%arg9 : memref<32x1024xf32, #tpu.memory_space<vmem>>) dst(%dma_wait3A_321 : memref<32x1024xf32, #tpu.memory_space<hbm>>)
      tpu.yield
    }) : () -> ()
    %add3A_163 = arith.constant 64 : i32
    %add3A_164 = arith.addi %mul3A_2, %add3A_163 : i32
    %run_scoped3A_165 = arith.constant 0 : i32
    "tpu.region"() ({
      %run_scoped3A_313 = tpu.sem_alloc : memref<!tpu.dma_semaphore, #tpu.memory_space<semaphore_mem>>
      %dma_start3A_314 = tpu.memref_slice %arg3[%run_scoped3A_165, %add3A_164] : memref<2x4096xi32, #tpu.memory_space<hbm>> -> memref<1x32xi32, #tpu.memory_space<hbm>>
      %dma_start3A_315 = tpu.memref_squeeze %dma_start3A_314 : memref<1x32xi32, #tpu.memory_space<hbm>> -> memref<32xi32, #tpu.memory_space<hbm>>
      %dma_start3A_316 = tpu.memref_slice %arg3[%run_scoped3A_165, %add3A_164] : memref<2x4096xi32, #tpu.memory_space<hbm>> -> memref<1x32xi32, #tpu.memory_space<hbm>>
      %dma_start3A_317 = tpu.memref_squeeze %dma_start3A_316 : memref<1x32xi32, #tpu.memory_space<hbm>> -> memref<32xi32, #tpu.memory_space<hbm>>
      tpu.enqueue_dma source(%dma_start3A_317 : memref<32xi32, #tpu.memory_space<hbm>>) target(%arg5 : memref<32xi32, #tpu.memory_space<vmem>>) target_semaphore(%run_scoped3A_313 : memref<!tpu.dma_semaphore, #tpu.memory_space<semaphore_mem>>)
      %dma_wait3A_318 = tpu.memref_slice %arg3[%run_scoped3A_165, %add3A_164] : memref<2x4096xi32, #tpu.memory_space<hbm>> -> memref<1x32xi32, #tpu.memory_space<hbm>>
      %dma_wait3A_319 = tpu.memref_squeeze %dma_wait3A_318 : memref<1x32xi32, #tpu.memory_space<hbm>> -> memref<32xi32, #tpu.memory_space<hbm>>
      %dma_wait3A_320 = tpu.memref_slice %arg3[%run_scoped3A_165, %add3A_164] : memref<2x4096xi32, #tpu.memory_space<hbm>> -> memref<1x32xi32, #tpu.memory_space<hbm>>
      %dma_wait3A_321 = tpu.memref_squeeze %dma_wait3A_320 : memref<1x32xi32, #tpu.memory_space<hbm>> -> memref<32xi32, #tpu.memory_space<hbm>>
      tpu.wait_dma2 semaphore(%run_scoped3A_313 : memref<!tpu.dma_semaphore, #tpu.memory_space<semaphore_mem>>) src(%dma_wait3A_321 : memref<32xi32, #tpu.memory_space<hbm>>) dst(%arg5 : memref<32xi32, #tpu.memory_space<vmem>>)
      tpu.yield
    }) : () -> ()
    %run_scoped3A_166 = arith.constant 1 : i32
    "tpu.region"() ({
      %run_scoped3A_313 = tpu.sem_alloc : memref<!tpu.dma_semaphore, #tpu.memory_space<semaphore_mem>>
      %dma_start3A_314 = tpu.memref_slice %arg3[%run_scoped3A_166, %add3A_164] : memref<2x4096xi32, #tpu.memory_space<hbm>> -> memref<1x32xi32, #tpu.memory_space<hbm>>
      %dma_start3A_315 = tpu.memref_squeeze %dma_start3A_314 : memref<1x32xi32, #tpu.memory_space<hbm>> -> memref<32xi32, #tpu.memory_space<hbm>>
      %dma_start3A_316 = tpu.memref_slice %arg3[%run_scoped3A_166, %add3A_164] : memref<2x4096xi32, #tpu.memory_space<hbm>> -> memref<1x32xi32, #tpu.memory_space<hbm>>
      %dma_start3A_317 = tpu.memref_squeeze %dma_start3A_316 : memref<1x32xi32, #tpu.memory_space<hbm>> -> memref<32xi32, #tpu.memory_space<hbm>>
      tpu.enqueue_dma source(%dma_start3A_317 : memref<32xi32, #tpu.memory_space<hbm>>) target(%arg6 : memref<32xi32, #tpu.memory_space<vmem>>) target_semaphore(%run_scoped3A_313 : memref<!tpu.dma_semaphore, #tpu.memory_space<semaphore_mem>>)
      %dma_wait3A_318 = tpu.memref_slice %arg3[%run_scoped3A_166, %add3A_164] : memref<2x4096xi32, #tpu.memory_space<hbm>> -> memref<1x32xi32, #tpu.memory_space<hbm>>
      %dma_wait3A_319 = tpu.memref_squeeze %dma_wait3A_318 : memref<1x32xi32, #tpu.memory_space<hbm>> -> memref<32xi32, #tpu.memory_space<hbm>>
      %dma_wait3A_320 = tpu.memref_slice %arg3[%run_scoped3A_166, %add3A_164] : memref<2x4096xi32, #tpu.memory_space<hbm>> -> memref<1x32xi32, #tpu.memory_space<hbm>>
      %dma_wait3A_321 = tpu.memref_squeeze %dma_wait3A_320 : memref<1x32xi32, #tpu.memory_space<hbm>> -> memref<32xi32, #tpu.memory_space<hbm>>
      tpu.wait_dma2 semaphore(%run_scoped3A_313 : memref<!tpu.dma_semaphore, #tpu.memory_space<semaphore_mem>>) src(%dma_wait3A_321 : memref<32xi32, #tpu.memory_space<hbm>>) dst(%arg6 : memref<32xi32, #tpu.memory_space<vmem>>)
      tpu.yield
    }) : () -> ()
    %get3A_167 = arith.constant 0 : index
    %get3A_168 = tpu.vector_load %arg5[%get3A_167] {strides = array<i32>} : memref<32xi32, #tpu.memory_space<vmem>>, vector<16xi32>,
    %get3A_169 = vector.shape_cast %get3A_168 : vector<16xi32> to vector<16xi32>
    %add3A_170 = arith.constant 0 : i32
    %add3A_171 = arith.addi %add3A_170, %select_n3A : i32
    %mul3A_172 = arith.constant 512 : i32
    %mul3A_173 = arith.muli %add3A_171, %mul3A_172 : i32
    %add3A_174 = vector.broadcast %mul3A_173 : i32 to vector<16xi32>
    %add3A_175 = arith.addi %get3A_169, %add3A_174 : vector<16xi32>
    %swap3A_176 = arith.constant 0 : index
    %swap3A_177 = tpu.vector_load %arg5[%swap3A_176] {strides = array<i32>} : memref<32xi32, #tpu.memory_space<vmem>>, vector<16xi32>,
    %swap3A_178 = vector.shape_cast %swap3A_177 : vector<16xi32> to vector<16xi32>
    %swap3A_179 = vector.shape_cast %add3A_175 : vector<16xi32> to vector<16xi32>
    tpu.vector_store %arg5[%swap3A_176], %swap3A_179 {strides = array<i32>} : memref<32xi32, #tpu.memory_space<vmem>>, vector<16xi32>,
    %get3A_180 = arith.constant 0 : index
    %get3A_181 = tpu.vector_load %arg6[%get3A_180] {strides = array<i32>} : memref<32xi32, #tpu.memory_space<vmem>>, vector<16xi32>,
    %get3A_182 = vector.shape_cast %get3A_181 : vector<16xi32> to vector<16xi32>
    %add3A_183 = arith.constant 2 : i32
    %add3A_184 = arith.addi %add3A_183, %select_n3A : i32
    %mul3A_185 = arith.constant 512 : i32
    %mul3A_186 = arith.muli %add3A_184, %mul3A_185 : i32
    %add3A_187 = vector.broadcast %mul3A_186 : i32 to vector<16xi32>
    %add3A_188 = arith.addi %get3A_182, %add3A_187 : vector<16xi32>
    %swap3A_189 = arith.constant 0 : index
    %swap3A_190 = tpu.vector_load %arg6[%swap3A_189] {strides = array<i32>} : memref<32xi32, #tpu.memory_space<vmem>>, vector<16xi32>,
    %swap3A_191 = vector.shape_cast %swap3A_190 : vector<16xi32> to vector<16xi32>
    %swap3A_192 = vector.shape_cast %add3A_188 : vector<16xi32> to vector<16xi32>
    tpu.vector_store %arg6[%swap3A_189], %swap3A_192 {strides = array<i32>} : memref<32xi32, #tpu.memory_space<vmem>>, vector<16xi32>,
    %get3A_193 = arith.constant 16 : index
    %get3A_194 = tpu.vector_load %arg5[%get3A_193] {strides = array<i32>} : memref<32xi32, #tpu.memory_space<vmem>>, vector<16xi32>,
    %get3A_195 = vector.shape_cast %get3A_194 : vector<16xi32> to vector<16xi32>
    %add3A_196 = arith.constant 0 : i32
    %add3A_197 = arith.addi %add3A_196, %select_n3A : i32
    %mul3A_198 = arith.constant 512 : i32
    %mul3A_199 = arith.muli %add3A_197, %mul3A_198 : i32
    %add3A_200 = vector.broadcast %mul3A_199 : i32 to vector<16xi32>
    %add3A_201 = arith.addi %get3A_195, %add3A_200 : vector<16xi32>
    %swap3A_202 = arith.constant 16 : index
    %swap3A_203 = tpu.vector_load %arg5[%swap3A_202] {strides = array<i32>} : memref<32xi32, #tpu.memory_space<vmem>>, vector<16xi32>,
    %swap3A_204 = vector.shape_cast %swap3A_203 : vector<16xi32> to vector<16xi32>
    %swap3A_205 = vector.shape_cast %add3A_201 : vector<16xi32> to vector<16xi32>
    tpu.vector_store %arg5[%swap3A_202], %swap3A_205 {strides = array<i32>} : memref<32xi32, #tpu.memory_space<vmem>>, vector<16xi32>,
    %get3A_206 = arith.constant 16 : index
    %get3A_207 = tpu.vector_load %arg6[%get3A_206] {strides = array<i32>} : memref<32xi32, #tpu.memory_space<vmem>>, vector<16xi32>,
    %get3A_208 = vector.shape_cast %get3A_207 : vector<16xi32> to vector<16xi32>
    %add3A_209 = arith.constant 2 : i32
    %add3A_210 = arith.addi %add3A_209, %select_n3A : i32
    %mul3A_211 = arith.constant 512 : i32
    %mul3A_212 = arith.muli %add3A_210, %mul3A_211 : i32
    %add3A_213 = vector.broadcast %mul3A_212 : i32 to vector<16xi32>
    %add3A_214 = arith.addi %get3A_208, %add3A_213 : vector<16xi32>
    %swap3A_215 = arith.constant 16 : index
    %swap3A_216 = tpu.vector_load %arg6[%swap3A_215] {strides = array<i32>} : memref<32xi32, #tpu.memory_space<vmem>>, vector<16xi32>,
    %swap3A_217 = vector.shape_cast %swap3A_216 : vector<16xi32> to vector<16xi32>
    %swap3A_218 = vector.shape_cast %add3A_214 : vector<16xi32> to vector<16xi32>
    tpu.vector_store %arg6[%swap3A_215], %swap3A_218 {strides = array<i32>} : memref<32xi32, #tpu.memory_space<vmem>>, vector<16xi32>,
    %dma_start3A_219 = arith.constant 0 : i32
    %dma_start3A_220 = arith.constant 0 : i32
    %dma_start3A_221 = tpu.memref_slice %arg2[%dma_start3A_219, %dma_start3A_220] : memref<2048x1024xf32, #tpu.memory_space<hbm>> -> memref<2048x1024xf32, #tpu.memory_space<hbm>>
    tpu.enqueue_indirect_dma source(%dma_start3A_221 : memref<2048x1024xf32, #tpu.memory_space<hbm>>) target(%arg7 : memref<32x1024xf32, #tpu.memory_space<vmem>>) offsets(%arg5 : memref<32xi32, #tpu.memory_space<vmem>>) semaphore(%arg10 : memref<!tpu.dma_semaphore, #tpu.memory_space<semaphore_mem>>)
    %dma_start3A_222 = arith.constant 0 : i32
    %dma_start3A_223 = arith.constant 0 : i32
    %dma_start3A_224 = tpu.memref_slice %arg2[%dma_start3A_222, %dma_start3A_223] : memref<2048x1024xf32, #tpu.memory_space<hbm>> -> memref<2048x1024xf32, #tpu.memory_space<hbm>>
    tpu.enqueue_indirect_dma source(%dma_start3A_224 : memref<2048x1024xf32, #tpu.memory_space<hbm>>) target(%arg8 : memref<32x1024xf32, #tpu.memory_space<vmem>>) offsets(%arg6 : memref<32xi32, #tpu.memory_space<vmem>>) semaphore(%arg11 : memref<!tpu.dma_semaphore, #tpu.memory_space<semaphore_mem>>)
    %dma_wait3A_225 = arith.constant 0 : i32
    %dma_wait3A_226 = arith.constant 0 : i32
    %dma_wait3A_227 = tpu.memref_slice %arg2[%dma_wait3A_225, %dma_wait3A_226] : memref<2048x1024xf32, #tpu.memory_space<hbm>> -> memref<2048x1024xf32, #tpu.memory_space<hbm>>
    tpu.wait_indirect_dma semaphore(%arg10 : memref<!tpu.dma_semaphore, #tpu.memory_space<semaphore_mem>>) src(%dma_wait3A_227 : memref<2048x1024xf32, #tpu.memory_space<hbm>>) dst(%arg7 : memref<32x1024xf32, #tpu.memory_space<vmem>>)
    %dma_wait3A_228 = arith.constant 0 : i32
    %dma_wait3A_229 = arith.constant 0 : i32
    %dma_wait3A_230 = tpu.memref_slice %arg2[%dma_wait3A_228, %dma_wait3A_229] : memref<2048x1024xf32, #tpu.memory_space<hbm>> -> memref<2048x1024xf32, #tpu.memory_space<hbm>>
    tpu.wait_indirect_dma semaphore(%arg11 : memref<!tpu.dma_semaphore, #tpu.memory_space<semaphore_mem>>) src(%dma_wait3A_230 : memref<2048x1024xf32, #tpu.memory_space<hbm>>) dst(%arg8 : memref<32x1024xf32, #tpu.memory_space<vmem>>)
    %scan3A_231 = arith.constant 0 : i32
    %scan3A_232 = arith.constant 0 : i32
    %scan3A_233 = arith.constant 2048 : i32
    %scan3A_234 = arith.addi %scan3A_232, %scan3A_233 : i32
    %scan3A_235 = arith.constant 8 : i32
    %scan3A_236 = scf.for %scan3A_313 = %scan3A_232 to %scan3A_234 step %scan3A_235 iter_args(%scan3A_314 = %scan3A_231) -> (i32)  : i32 {
      %jit3A_315 = arith.constant 64 : i32
      %div3A_316 = arith.divsi %scan3A_313, %jit3A_315 : i32
      %sign3A_317 = arith.constant 0 : i32
      %sign3A_318 = arith.cmpi sgt, %scan3A_313, %sign3A_317 : i32
      %sign3A_319 = arith.extui %sign3A_318 : i1 to i32
      %sign3A_320 = arith.constant 0 : i32
      %sign3A_321 = arith.cmpi slt, %scan3A_313, %sign3A_320 : i32
      %sign3A_322 = arith.extui %sign3A_321 : i1 to i32
      %sign3A_323 = arith.subi %sign3A_319, %sign3A_322 : i32
      %sign3A_324 = arith.constant 0 : i32
      %sign3A_325 = arith.cmpi sgt, %jit3A_315, %sign3A_324 : i32
      %sign3A_326 = arith.extui %sign3A_325 : i1 to i32
      %sign3A_327 = arith.constant 0 : i32
      %sign3A_328 = arith.cmpi slt, %jit3A_315, %sign3A_327 : i32
      %sign3A_329 = arith.extui %sign3A_328 : i1 to i32
      %sign3A_330 = arith.subi %sign3A_326, %sign3A_329 : i32
      %ne3A_331 = arith.cmpi ne, %sign3A_323, %sign3A_330 : i32
      %rem3A_332 = arith.remsi %scan3A_313, %jit3A_315 : i32
      %ne3A_333 = arith.constant 0 : i32
      %ne3A_334 = arith.cmpi ne, %rem3A_332, %ne3A_333 : i32
      %and3A_335 = arith.andi %ne3A_331, %ne3A_334 : i1
      %sub3A_336 = arith.constant 1 : i32
      %sub3A_337 = arith.subi %div3A_316, %sub3A_336 : i32
      %select_n3A_338 = arith.select %and3A_335, %sub3A_337, %div3A_316 : i32
      %jit3A_339 = arith.constant 64 : i32
      %eq3A = arith.constant 0 : i32
      %eq3A_340 = arith.cmpi eq, %jit3A_339, %eq3A : i32
      %jit3A_341 = arith.constant 1 : i32
      %select_n3A_342 = arith.select %eq3A_340, %jit3A_341, %jit3A_339 : i32
      %rem3A_343 = arith.remsi %scan3A_313, %select_n3A_342 : i32
      %ne3A_344 = arith.constant 0 : i32
      %ne3A_345 = arith.cmpi ne, %rem3A_343, %ne3A_344 : i32
      %lt3A = arith.constant 0 : i32
      %lt3A_346 = arith.cmpi slt, %rem3A_343, %lt3A : i32
      %lt3A_347 = arith.constant 0 : i32
      %lt3A_348 = arith.cmpi slt, %select_n3A_342, %lt3A_347 : i32
      %ne3A_349 = arith.xori %lt3A_346, %lt3A_348 : i1
      %and3A_350 = arith.andi %ne3A_349, %ne3A_345 : i1
      %add3A_351 = arith.addi %rem3A_343, %select_n3A_342 : i32
      %select_n3A_352 = arith.select %and3A_350, %add3A_351, %rem3A_343 : i32
      %mul3A_353 = arith.constant 16 : i32
      %mul3A_354 = arith.muli %select_n3A_352, %mul3A_353 : i32
      %get3A_355 = arith.index_cast %select_n3A_338 : i32 to index
      %get3A_356 = arith.index_cast %mul3A_354 : i32 to index
      %get3A_357 = tpu.vector_load %arg7[%get3A_355, %get3A_356] {strides = array<i32>} : memref<32x1024xf32, #tpu.memory_space<vmem>>, vector<1x16xf32>,
      %get3A_358 = vector.shape_cast %get3A_357 : vector<1x16xf32> to vector<16xf32>
      %get3A_359 = arith.index_cast %select_n3A_338 : i32 to index
      %get3A_360 = arith.index_cast %mul3A_354 : i32 to index
      %get3A_361 = tpu.vector_load %arg8[%get3A_359, %get3A_360] {strides = array<i32>} : memref<32x1024xf32, #tpu.memory_space<vmem>>, vector<1x16xf32>,
      %get3A_362 = vector.shape_cast %get3A_361 : vector<1x16xf32> to vector<16xf32>
      %add3A_363 = arith.addf %get3A_358, %get3A_362 : vector<16xf32>
      %swap3A_364 = arith.index_cast %select_n3A_338 : i32 to index
      %swap3A_365 = arith.index_cast %mul3A_354 : i32 to index
      %swap3A_366 = tpu.vector_load %arg9[%swap3A_364, %swap3A_365] {strides = array<i32>} : memref<32x1024xf32, #tpu.memory_space<vmem>>, vector<1x16xf32>,
      %swap3A_367 = vector.shape_cast %swap3A_366 : vector<1x16xf32> to vector<16xf32>
      %swap3A_368 = vector.shape_cast %add3A_363 : vector<16xf32> to vector<1x16xf32>
      tpu.vector_store %arg9[%swap3A_364, %swap3A_365], %swap3A_368 {strides = array<i32>} : memref<32x1024xf32, #tpu.memory_space<vmem>>, vector<1x16xf32>,
      %scan3A_369 = arith.constant 0 : i32
      %scan3A_370 = arith.constant 1 : i32
      %scan3A_371 = arith.addi %scan3A_313, %scan3A_370 : i32
      %jit3A_372 = arith.constant 64 : i32
      %div3A_373 = arith.divsi %scan3A_371, %jit3A_372 : i32
      %sign3A_374 = arith.constant 0 : i32
      %sign3A_375 = arith.cmpi sgt, %scan3A_371, %sign3A_374 : i32
      %sign3A_376 = arith.extui %sign3A_375 : i1 to i32
      %sign3A_377 = arith.constant 0 : i32
      %sign3A_378 = arith.cmpi slt, %scan3A_371, %sign3A_377 : i32
      %sign3A_379 = arith.extui %sign3A_378 : i1 to i32
      %sign3A_380 = arith.subi %sign3A_376, %sign3A_379 : i32
      %sign3A_381 = arith.constant 0 : i32
      %sign3A_382 = arith.cmpi sgt, %jit3A_372, %sign3A_381 : i32
      %sign3A_383 = arith.extui %sign3A_382 : i1 to i32
      %sign3A_384 = arith.constant 0 : i32
      %sign3A_385 = arith.cmpi slt, %jit3A_372, %sign3A_384 : i32
      %sign3A_386 = arith.extui %sign3A_385 : i1 to i32
      %sign3A_387 = arith.subi %sign3A_383, %sign3A_386 : i32
      %ne3A_388 = arith.cmpi ne, %sign3A_380, %sign3A_387 : i32
      %rem3A_389 = arith.remsi %scan3A_371, %jit3A_372 : i32
      %ne3A_390 = arith.constant 0 : i32
      %ne3A_391 = arith.cmpi ne, %rem3A_389, %ne3A_390 : i32
      %and3A_392 = arith.andi %ne3A_388, %ne3A_391 : i1
      %sub3A_393 = arith.constant 1 : i32
      %sub3A_394 = arith.subi %div3A_373, %sub3A_393 : i32
      %select_n3A_395 = arith.select %and3A_392, %sub3A_394, %div3A_373 : i32
      %jit3A_396 = arith.constant 64 : i32
      %eq3A_397 = arith.constant 0 : i32
      %eq3A_398 = arith.cmpi eq, %jit3A_396, %eq3A_397 : i32
      %jit3A_399 = arith.constant 1 : i32
      %select_n3A_400 = arith.select %eq3A_398, %jit3A_399, %jit3A_396 : i32
      %rem3A_401 = arith.remsi %scan3A_371, %select_n3A_400 : i32
      %ne3A_402 = arith.constant 0 : i32
      %ne3A_403 = arith.cmpi ne, %rem3A_401, %ne3A_402 : i32
      %lt3A_404 = arith.constant 0 : i32
      %lt3A_405 = arith.cmpi slt, %rem3A_401, %lt3A_404 : i32
      %lt3A_406 = arith.constant 0 : i32
      %lt3A_407 = arith.cmpi slt, %select_n3A_400, %lt3A_406 : i32
      %ne3A_408 = arith.xori %lt3A_405, %lt3A_407 : i1
      %and3A_409 = arith.andi %ne3A_408, %ne3A_403 : i1
      %add3A_410 = arith.addi %rem3A_401, %select_n3A_400 : i32
      %select_n3A_411 = arith.select %and3A_409, %add3A_410, %rem3A_401 : i32
      %mul3A_412 = arith.constant 16 : i32
      %mul3A_413 = arith.muli %select_n3A_411, %mul3A_412 : i32
      %get3A_414 = arith.index_cast %select_n3A_395 : i32 to index
      %get3A_415 = arith.index_cast %mul3A_413 : i32 to index
      %get3A_416 = tpu.vector_load %arg7[%get3A_414, %get3A_415] {strides = array<i32>} : memref<32x1024xf32, #tpu.memory_space<vmem>>, vector<1x16xf32>,
      %get3A_417 = vector.shape_cast %get3A_416 : vector<1x16xf32> to vector<16xf32>
      %get3A_418 = arith.index_cast %select_n3A_395 : i32 to index
      %get3A_419 = arith.index_cast %mul3A_413 : i32 to index
      %get3A_420 = tpu.vector_load %arg8[%get3A_418, %get3A_419] {strides = array<i32>} : memref<32x1024xf32, #tpu.memory_space<vmem>>, vector<1x16xf32>,
      %get3A_421 = vector.shape_cast %get3A_420 : vector<1x16xf32> to vector<16xf32>
      %add3A_422 = arith.addf %get3A_417, %get3A_421 : vector<16xf32>
      %swap3A_423 = arith.index_cast %select_n3A_395 : i32 to index
      %swap3A_424 = arith.index_cast %mul3A_413 : i32 to index
      %swap3A_425 = tpu.vector_load %arg9[%swap3A_423, %swap3A_424] {strides = array<i32>} : memref<32x1024xf32, #tpu.memory_space<vmem>>, vector<1x16xf32>,
      %swap3A_426 = vector.shape_cast %swap3A_425 : vector<1x16xf32> to vector<16xf32>
      %swap3A_427 = vector.shape_cast %add3A_422 : vector<16xf32> to vector<1x16xf32>
      tpu.vector_store %arg9[%swap3A_423, %swap3A_424], %swap3A_427 {strides = array<i32>} : memref<32x1024xf32, #tpu.memory_space<vmem>>, vector<1x16xf32>,
      %scan3A_428 = arith.constant 0 : i32
      %scan3A_429 = arith.constant 2 : i32
      %scan3A_430 = arith.addi %scan3A_313, %scan3A_429 : i32
      %jit3A_431 = arith.constant 64 : i32
      %div3A_432 = arith.divsi %scan3A_430, %jit3A_431 : i32
      %sign3A_433 = arith.constant 0 : i32
      %sign3A_434 = arith.cmpi sgt, %scan3A_430, %sign3A_433 : i32
      %sign3A_435 = arith.extui %sign3A_434 : i1 to i32
      %sign3A_436 = arith.constant 0 : i32
      %sign3A_437 = arith.cmpi slt, %scan3A_430, %sign3A_436 : i32
      %sign3A_438 = arith.extui %sign3A_437 : i1 to i32
      %sign3A_439 = arith.subi %sign3A_435, %sign3A_438 : i32
      %sign3A_440 = arith.constant 0 : i32
      %sign3A_441 = arith.cmpi sgt, %jit3A_431, %sign3A_440 : i32
      %sign3A_442 = arith.extui %sign3A_441 : i1 to i32
      %sign3A_443 = arith.constant 0 : i32
      %sign3A_444 = arith.cmpi slt, %jit3A_431, %sign3A_443 : i32
      %sign3A_445 = arith.extui %sign3A_444 : i1 to i32
      %sign3A_446 = arith.subi %sign3A_442, %sign3A_445 : i32
      %ne3A_447 = arith.cmpi ne, %sign3A_439, %sign3A_446 : i32
      %rem3A_448 = arith.remsi %scan3A_430, %jit3A_431 : i32
      %ne3A_449 = arith.constant 0 : i32
      %ne3A_450 = arith.cmpi ne, %rem3A_448, %ne3A_449 : i32
      %and3A_451 = arith.andi %ne3A_447, %ne3A_450 : i1
      %sub3A_452 = arith.constant 1 : i32
      %sub3A_453 = arith.subi %div3A_432, %sub3A_452 : i32
      %select_n3A_454 = arith.select %and3A_451, %sub3A_453, %div3A_432 : i32
      %jit3A_455 = arith.constant 64 : i32
      %eq3A_456 = arith.constant 0 : i32
      %eq3A_457 = arith.cmpi eq, %jit3A_455, %eq3A_456 : i32
      %jit3A_458 = arith.constant 1 : i32
      %select_n3A_459 = arith.select %eq3A_457, %jit3A_458, %jit3A_455 : i32
      %rem3A_460 = arith.remsi %scan3A_430, %select_n3A_459 : i32
      %ne3A_461 = arith.constant 0 : i32
      %ne3A_462 = arith.cmpi ne, %rem3A_460, %ne3A_461 : i32
      %lt3A_463 = arith.constant 0 : i32
      %lt3A_464 = arith.cmpi slt, %rem3A_460, %lt3A_463 : i32
      %lt3A_465 = arith.constant 0 : i32
      %lt3A_466 = arith.cmpi slt, %select_n3A_459, %lt3A_465 : i32
      %ne3A_467 = arith.xori %lt3A_464, %lt3A_466 : i1
      %and3A_468 = arith.andi %ne3A_467, %ne3A_462 : i1
      %add3A_469 = arith.addi %rem3A_460, %select_n3A_459 : i32
      %select_n3A_470 = arith.select %and3A_468, %add3A_469, %rem3A_460 : i32
      %mul3A_471 = arith.constant 16 : i32
      %mul3A_472 = arith.muli %select_n3A_470, %mul3A_471 : i32
      %get3A_473 = arith.index_cast %select_n3A_454 : i32 to index
      %get3A_474 = arith.index_cast %mul3A_472 : i32 to index
      %get3A_475 = tpu.vector_load %arg7[%get3A_473, %get3A_474] {strides = array<i32>} : memref<32x1024xf32, #tpu.memory_space<vmem>>, vector<1x16xf32>,
      %get3A_476 = vector.shape_cast %get3A_475 : vector<1x16xf32> to vector<16xf32>
      %get3A_477 = arith.index_cast %select_n3A_454 : i32 to index
      %get3A_478 = arith.index_cast %mul3A_472 : i32 to index
      %get3A_479 = tpu.vector_load %arg8[%get3A_477, %get3A_478] {strides = array<i32>} : memref<32x1024xf32, #tpu.memory_space<vmem>>, vector<1x16xf32>,
      %get3A_480 = vector.shape_cast %get3A_479 : vector<1x16xf32> to vector<16xf32>
      %add3A_481 = arith.addf %get3A_476, %get3A_480 : vector<16xf32>
      %swap3A_482 = arith.index_cast %select_n3A_454 : i32 to index
      %swap3A_483 = arith.index_cast %mul3A_472 : i32 to index
      %swap3A_484 = tpu.vector_load %arg9[%swap3A_482, %swap3A_483] {strides = array<i32>} : memref<32x1024xf32, #tpu.memory_space<vmem>>, vector<1x16xf32>,
      %swap3A_485 = vector.shape_cast %swap3A_484 : vector<1x16xf32> to vector<16xf32>
      %swap3A_486 = vector.shape_cast %add3A_481 : vector<16xf32> to vector<1x16xf32>
      tpu.vector_store %arg9[%swap3A_482, %swap3A_483], %swap3A_486 {strides = array<i32>} : memref<32x1024xf32, #tpu.memory_space<vmem>>, vector<1x16xf32>,
      %scan3A_487 = arith.constant 0 : i32
      %scan3A_488 = arith.constant 3 : i32
      %scan3A_489 = arith.addi %scan3A_313, %scan3A_488 : i32
      %jit3A_490 = arith.constant 64 : i32
      %div3A_491 = arith.divsi %scan3A_489, %jit3A_490 : i32
      %sign3A_492 = arith.constant 0 : i32
      %sign3A_493 = arith.cmpi sgt, %scan3A_489, %sign3A_492 : i32
      %sign3A_494 = arith.extui %sign3A_493 : i1 to i32
      %sign3A_495 = arith.constant 0 : i32
      %sign3A_496 = arith.cmpi slt, %scan3A_489, %sign3A_495 : i32
      %sign3A_497 = arith.extui %sign3A_496 : i1 to i32
      %sign3A_498 = arith.subi %sign3A_494, %sign3A_497 : i32
      %sign3A_499 = arith.constant 0 : i32
      %sign3A_500 = arith.cmpi sgt, %jit3A_490, %sign3A_499 : i32
      %sign3A_501 = arith.extui %sign3A_500 : i1 to i32
      %sign3A_502 = arith.constant 0 : i32
      %sign3A_503 = arith.cmpi slt, %jit3A_490, %sign3A_502 : i32
      %sign3A_504 = arith.extui %sign3A_503 : i1 to i32
      %sign3A_505 = arith.subi %sign3A_501, %sign3A_504 : i32
      %ne3A_506 = arith.cmpi ne, %sign3A_498, %sign3A_505 : i32
      %rem3A_507 = arith.remsi %scan3A_489, %jit3A_490 : i32
      %ne3A_508 = arith.constant 0 : i32
      %ne3A_509 = arith.cmpi ne, %rem3A_507, %ne3A_508 : i32
      %and3A_510 = arith.andi %ne3A_506, %ne3A_509 : i1
      %sub3A_511 = arith.constant 1 : i32
      %sub3A_512 = arith.subi %div3A_491, %sub3A_511 : i32
      %select_n3A_513 = arith.select %and3A_510, %sub3A_512, %div3A_491 : i32
      %jit3A_514 = arith.constant 64 : i32
      %eq3A_515 = arith.constant 0 : i32
      %eq3A_516 = arith.cmpi eq, %jit3A_514, %eq3A_515 : i32
      %jit3A_517 = arith.constant 1 : i32
      %select_n3A_518 = arith.select %eq3A_516, %jit3A_517, %jit3A_514 : i32
      %rem3A_519 = arith.remsi %scan3A_489, %select_n3A_518 : i32
      %ne3A_520 = arith.constant 0 : i32
      %ne3A_521 = arith.cmpi ne, %rem3A_519, %ne3A_520 : i32
      %lt3A_522 = arith.constant 0 : i32
      %lt3A_523 = arith.cmpi slt, %rem3A_519, %lt3A_522 : i32
      %lt3A_524 = arith.constant 0 : i32
      %lt3A_525 = arith.cmpi slt, %select_n3A_518, %lt3A_524 : i32
      %ne3A_526 = arith.xori %lt3A_523, %lt3A_525 : i1
      %and3A_527 = arith.andi %ne3A_526, %ne3A_521 : i1
      %add3A_528 = arith.addi %rem3A_519, %select_n3A_518 : i32
      %select_n3A_529 = arith.select %and3A_527, %add3A_528, %rem3A_519 : i32
      %mul3A_530 = arith.constant 16 : i32
      %mul3A_531 = arith.muli %select_n3A_529, %mul3A_530 : i32
      %get3A_532 = arith.index_cast %select_n3A_513 : i32 to index
      %get3A_533 = arith.index_cast %mul3A_531 : i32 to index
      %get3A_534 = tpu.vector_load %arg7[%get3A_532, %get3A_533] {strides = array<i32>} : memref<32x1024xf32, #tpu.memory_space<vmem>>, vector<1x16xf32>,
      %get3A_535 = vector.shape_cast %get3A_534 : vector<1x16xf32> to vector<16xf32>
      %get3A_536 = arith.index_cast %select_n3A_513 : i32 to index
      %get3A_537 = arith.index_cast %mul3A_531 : i32 to index
      %get3A_538 = tpu.vector_load %arg8[%get3A_536, %get3A_537] {strides = array<i32>} : memref<32x1024xf32, #tpu.memory_space<vmem>>, vector<1x16xf32>,
      %get3A_539 = vector.shape_cast %get3A_538 : vector<1x16xf32> to vector<16xf32>
      %add3A_540 = arith.addf %get3A_535, %get3A_539 : vector<16xf32>
      %swap3A_541 = arith.index_cast %select_n3A_513 : i32 to index
      %swap3A_542 = arith.index_cast %mul3A_531 : i32 to index
      %swap3A_543 = tpu.vector_load %arg9[%swap3A_541, %swap3A_542] {strides = array<i32>} : memref<32x1024xf32, #tpu.memory_space<vmem>>, vector<1x16xf32>,
      %swap3A_544 = vector.shape_cast %swap3A_543 : vector<1x16xf32> to vector<16xf32>
      %swap3A_545 = vector.shape_cast %add3A_540 : vector<16xf32> to vector<1x16xf32>
      tpu.vector_store %arg9[%swap3A_541, %swap3A_542], %swap3A_545 {strides = array<i32>} : memref<32x1024xf32, #tpu.memory_space<vmem>>, vector<1x16xf32>,
      %scan3A_546 = arith.constant 0 : i32
      %scan3A_547 = arith.constant 4 : i32
      %scan3A_548 = arith.addi %scan3A_313, %scan3A_547 : i32
      %jit3A_549 = arith.constant 64 : i32
      %div3A_550 = arith.divsi %scan3A_548, %jit3A_549 : i32
      %sign3A_551 = arith.constant 0 : i32
      %sign3A_552 = arith.cmpi sgt, %scan3A_548, %sign3A_551 : i32
      %sign3A_553 = arith.extui %sign3A_552 : i1 to i32
      %sign3A_554 = arith.constant 0 : i32
      %sign3A_555 = arith.cmpi slt, %scan3A_548, %sign3A_554 : i32
      %sign3A_556 = arith.extui %sign3A_555 : i1 to i32
      %sign3A_557 = arith.subi %sign3A_553, %sign3A_556 : i32
      %sign3A_558 = arith.constant 0 : i32
      %sign3A_559 = arith.cmpi sgt, %jit3A_549, %sign3A_558 : i32
      %sign3A_560 = arith.extui %sign3A_559 : i1 to i32
      %sign3A_561 = arith.constant 0 : i32
      %sign3A_562 = arith.cmpi slt, %jit3A_549, %sign3A_561 : i32
      %sign3A_563 = arith.extui %sign3A_562 : i1 to i32
      %sign3A_564 = arith.subi %sign3A_560, %sign3A_563 : i32
      %ne3A_565 = arith.cmpi ne, %sign3A_557, %sign3A_564 : i32
      %rem3A_566 = arith.remsi %scan3A_548, %jit3A_549 : i32
      %ne3A_567 = arith.constant 0 : i32
      %ne3A_568 = arith.cmpi ne, %rem3A_566, %ne3A_567 : i32
      %and3A_569 = arith.andi %ne3A_565, %ne3A_568 : i1
      %sub3A_570 = arith.constant 1 : i32
      %sub3A_571 = arith.subi %div3A_550, %sub3A_570 : i32
      %select_n3A_572 = arith.select %and3A_569, %sub3A_571, %div3A_550 : i32
      %jit3A_573 = arith.constant 64 : i32
      %eq3A_574 = arith.constant 0 : i32
      %eq3A_575 = arith.cmpi eq, %jit3A_573, %eq3A_574 : i32
      %jit3A_576 = arith.constant 1 : i32
      %select_n3A_577 = arith.select %eq3A_575, %jit3A_576, %jit3A_573 : i32
      %rem3A_578 = arith.remsi %scan3A_548, %select_n3A_577 : i32
      %ne3A_579 = arith.constant 0 : i32
      %ne3A_580 = arith.cmpi ne, %rem3A_578, %ne3A_579 : i32
      %lt3A_581 = arith.constant 0 : i32
      %lt3A_582 = arith.cmpi slt, %rem3A_578, %lt3A_581 : i32
      %lt3A_583 = arith.constant 0 : i32
      %lt3A_584 = arith.cmpi slt, %select_n3A_577, %lt3A_583 : i32
      %ne3A_585 = arith.xori %lt3A_582, %lt3A_584 : i1
      %and3A_586 = arith.andi %ne3A_585, %ne3A_580 : i1
      %add3A_587 = arith.addi %rem3A_578, %select_n3A_577 : i32
      %select_n3A_588 = arith.select %and3A_586, %add3A_587, %rem3A_578 : i32
      %mul3A_589 = arith.constant 16 : i32
      %mul3A_590 = arith.muli %select_n3A_588, %mul3A_589 : i32
      %get3A_591 = arith.index_cast %select_n3A_572 : i32 to index
      %get3A_592 = arith.index_cast %mul3A_590 : i32 to index
      %get3A_593 = tpu.vector_load %arg7[%get3A_591, %get3A_592] {strides = array<i32>} : memref<32x1024xf32, #tpu.memory_space<vmem>>, vector<1x16xf32>,
      %get3A_594 = vector.shape_cast %get3A_593 : vector<1x16xf32> to vector<16xf32>
      %get3A_595 = arith.index_cast %select_n3A_572 : i32 to index
      %get3A_596 = arith.index_cast %mul3A_590 : i32 to index
      %get3A_597 = tpu.vector_load %arg8[%get3A_595, %get3A_596] {strides = array<i32>} : memref<32x1024xf32, #tpu.memory_space<vmem>>, vector<1x16xf32>,
      %get3A_598 = vector.shape_cast %get3A_597 : vector<1x16xf32> to vector<16xf32>
      %add3A_599 = arith.addf %get3A_594, %get3A_598 : vector<16xf32>
      %swap3A_600 = arith.index_cast %select_n3A_572 : i32 to index
      %swap3A_601 = arith.index_cast %mul3A_590 : i32 to index
      %swap3A_602 = tpu.vector_load %arg9[%swap3A_600, %swap3A_601] {strides = array<i32>} : memref<32x1024xf32, #tpu.memory_space<vmem>>, vector<1x16xf32>,
      %swap3A_603 = vector.shape_cast %swap3A_602 : vector<1x16xf32> to vector<16xf32>
      %swap3A_604 = vector.shape_cast %add3A_599 : vector<16xf32> to vector<1x16xf32>
      tpu.vector_store %arg9[%swap3A_600, %swap3A_601], %swap3A_604 {strides = array<i32>} : memref<32x1024xf32, #tpu.memory_space<vmem>>, vector<1x16xf32>,
      %scan3A_605 = arith.constant 0 : i32
      %scan3A_606 = arith.constant 5 : i32
      %scan3A_607 = arith.addi %scan3A_313, %scan3A_606 : i32
      %jit3A_608 = arith.constant 64 : i32
      %div3A_609 = arith.divsi %scan3A_607, %jit3A_608 : i32
      %sign3A_610 = arith.constant 0 : i32
      %sign3A_611 = arith.cmpi sgt, %scan3A_607, %sign3A_610 : i32
      %sign3A_612 = arith.extui %sign3A_611 : i1 to i32
      %sign3A_613 = arith.constant 0 : i32
      %sign3A_614 = arith.cmpi slt, %scan3A_607, %sign3A_613 : i32
      %sign3A_615 = arith.extui %sign3A_614 : i1 to i32
      %sign3A_616 = arith.subi %sign3A_612, %sign3A_615 : i32
      %sign3A_617 = arith.constant 0 : i32
      %sign3A_618 = arith.cmpi sgt, %jit3A_608, %sign3A_617 : i32
      %sign3A_619 = arith.extui %sign3A_618 : i1 to i32
      %sign3A_620 = arith.constant 0 : i32
      %sign3A_621 = arith.cmpi slt, %jit3A_608, %sign3A_620 : i32
      %sign3A_622 = arith.extui %sign3A_621 : i1 to i32
      %sign3A_623 = arith.subi %sign3A_619, %sign3A_622 : i32
      %ne3A_624 = arith.cmpi ne, %sign3A_616, %sign3A_623 : i32
      %rem3A_625 = arith.remsi %scan3A_607, %jit3A_608 : i32
      %ne3A_626 = arith.constant 0 : i32
      %ne3A_627 = arith.cmpi ne, %rem3A_625, %ne3A_626 : i32
      %and3A_628 = arith.andi %ne3A_624, %ne3A_627 : i1
      %sub3A_629 = arith.constant 1 : i32
      %sub3A_630 = arith.subi %div3A_609, %sub3A_629 : i32
      %select_n3A_631 = arith.select %and3A_628, %sub3A_630, %div3A_609 : i32
      %jit3A_632 = arith.constant 64 : i32
      %eq3A_633 = arith.constant 0 : i32
      %eq3A_634 = arith.cmpi eq, %jit3A_632, %eq3A_633 : i32
      %jit3A_635 = arith.constant 1 : i32
      %select_n3A_636 = arith.select %eq3A_634, %jit3A_635, %jit3A_632 : i32
      %rem3A_637 = arith.remsi %scan3A_607, %select_n3A_636 : i32
      %ne3A_638 = arith.constant 0 : i32
      %ne3A_639 = arith.cmpi ne, %rem3A_637, %ne3A_638 : i32
      %lt3A_640 = arith.constant 0 : i32
      %lt3A_641 = arith.cmpi slt, %rem3A_637, %lt3A_640 : i32
      %lt3A_642 = arith.constant 0 : i32
      %lt3A_643 = arith.cmpi slt, %select_n3A_636, %lt3A_642 : i32
      %ne3A_644 = arith.xori %lt3A_641, %lt3A_643 : i1
      %and3A_645 = arith.andi %ne3A_644, %ne3A_639 : i1
      %add3A_646 = arith.addi %rem3A_637, %select_n3A_636 : i32
      %select_n3A_647 = arith.select %and3A_645, %add3A_646, %rem3A_637 : i32
      %mul3A_648 = arith.constant 16 : i32
      %mul3A_649 = arith.muli %select_n3A_647, %mul3A_648 : i32
      %get3A_650 = arith.index_cast %select_n3A_631 : i32 to index
      %get3A_651 = arith.index_cast %mul3A_649 : i32 to index
      %get3A_652 = tpu.vector_load %arg7[%get3A_650, %get3A_651] {strides = array<i32>} : memref<32x1024xf32, #tpu.memory_space<vmem>>, vector<1x16xf32>,
      %get3A_653 = vector.shape_cast %get3A_652 : vector<1x16xf32> to vector<16xf32>
      %get3A_654 = arith.index_cast %select_n3A_631 : i32 to index
      %get3A_655 = arith.index_cast %mul3A_649 : i32 to index
      %get3A_656 = tpu.vector_load %arg8[%get3A_654, %get3A_655] {strides = array<i32>} : memref<32x1024xf32, #tpu.memory_space<vmem>>, vector<1x16xf32>,
      %get3A_657 = vector.shape_cast %get3A_656 : vector<1x16xf32> to vector<16xf32>
      %add3A_658 = arith.addf %get3A_653, %get3A_657 : vector<16xf32>
      %swap3A_659 = arith.index_cast %select_n3A_631 : i32 to index
      %swap3A_660 = arith.index_cast %mul3A_649 : i32 to index
      %swap3A_661 = tpu.vector_load %arg9[%swap3A_659, %swap3A_660] {strides = array<i32>} : memref<32x1024xf32, #tpu.memory_space<vmem>>, vector<1x16xf32>,
      %swap3A_662 = vector.shape_cast %swap3A_661 : vector<1x16xf32> to vector<16xf32>
      %swap3A_663 = vector.shape_cast %add3A_658 : vector<16xf32> to vector<1x16xf32>
      tpu.vector_store %arg9[%swap3A_659, %swap3A_660], %swap3A_663 {strides = array<i32>} : memref<32x1024xf32, #tpu.memory_space<vmem>>, vector<1x16xf32>,
      %scan3A_664 = arith.constant 0 : i32
      %scan3A_665 = arith.constant 6 : i32
      %scan3A_666 = arith.addi %scan3A_313, %scan3A_665 : i32
      %jit3A_667 = arith.constant 64 : i32
      %div3A_668 = arith.divsi %scan3A_666, %jit3A_667 : i32
      %sign3A_669 = arith.constant 0 : i32
      %sign3A_670 = arith.cmpi sgt, %scan3A_666, %sign3A_669 : i32
      %sign3A_671 = arith.extui %sign3A_670 : i1 to i32
      %sign3A_672 = arith.constant 0 : i32
      %sign3A_673 = arith.cmpi slt, %scan3A_666, %sign3A_672 : i32
      %sign3A_674 = arith.extui %sign3A_673 : i1 to i32
      %sign3A_675 = arith.subi %sign3A_671, %sign3A_674 : i32
      %sign3A_676 = arith.constant 0 : i32
      %sign3A_677 = arith.cmpi sgt, %jit3A_667, %sign3A_676 : i32
      %sign3A_678 = arith.extui %sign3A_677 : i1 to i32
      %sign3A_679 = arith.constant 0 : i32
      %sign3A_680 = arith.cmpi slt, %jit3A_667, %sign3A_679 : i32
      %sign3A_681 = arith.extui %sign3A_680 : i1 to i32
      %sign3A_682 = arith.subi %sign3A_678, %sign3A_681 : i32
      %ne3A_683 = arith.cmpi ne, %sign3A_675, %sign3A_682 : i32
      %rem3A_684 = arith.remsi %scan3A_666, %jit3A_667 : i32
      %ne3A_685 = arith.constant 0 : i32
      %ne3A_686 = arith.cmpi ne, %rem3A_684, %ne3A_685 : i32
      %and3A_687 = arith.andi %ne3A_683, %ne3A_686 : i1
      %sub3A_688 = arith.constant 1 : i32
      %sub3A_689 = arith.subi %div3A_668, %sub3A_688 : i32
      %select_n3A_690 = arith.select %and3A_687, %sub3A_689, %div3A_668 : i32
      %jit3A_691 = arith.constant 64 : i32
      %eq3A_692 = arith.constant 0 : i32
      %eq3A_693 = arith.cmpi eq, %jit3A_691, %eq3A_692 : i32
      %jit3A_694 = arith.constant 1 : i32
      %select_n3A_695 = arith.select %eq3A_693, %jit3A_694, %jit3A_691 : i32
      %rem3A_696 = arith.remsi %scan3A_666, %select_n3A_695 : i32
      %ne3A_697 = arith.constant 0 : i32
      %ne3A_698 = arith.cmpi ne, %rem3A_696, %ne3A_697 : i32
      %lt3A_699 = arith.constant 0 : i32
      %lt3A_700 = arith.cmpi slt, %rem3A_696, %lt3A_699 : i32
      %lt3A_701 = arith.constant 0 : i32
      %lt3A_702 = arith.cmpi slt, %select_n3A_695, %lt3A_701 : i32
      %ne3A_703 = arith.xori %lt3A_700, %lt3A_702 : i1
      %and3A_704 = arith.andi %ne3A_703, %ne3A_698 : i1
      %add3A_705 = arith.addi %rem3A_696, %select_n3A_695 : i32
      %select_n3A_706 = arith.select %and3A_704, %add3A_705, %rem3A_696 : i32
      %mul3A_707 = arith.constant 16 : i32
      %mul3A_708 = arith.muli %select_n3A_706, %mul3A_707 : i32
      %get3A_709 = arith.index_cast %select_n3A_690 : i32 to index
      %get3A_710 = arith.index_cast %mul3A_708 : i32 to index
      %get3A_711 = tpu.vector_load %arg7[%get3A_709, %get3A_710] {strides = array<i32>} : memref<32x1024xf32, #tpu.memory_space<vmem>>, vector<1x16xf32>,
      %get3A_712 = vector.shape_cast %get3A_711 : vector<1x16xf32> to vector<16xf32>
      %get3A_713 = arith.index_cast %select_n3A_690 : i32 to index
      %get3A_714 = arith.index_cast %mul3A_708 : i32 to index
      %get3A_715 = tpu.vector_load %arg8[%get3A_713, %get3A_714] {strides = array<i32>} : memref<32x1024xf32, #tpu.memory_space<vmem>>, vector<1x16xf32>,
      %get3A_716 = vector.shape_cast %get3A_715 : vector<1x16xf32> to vector<16xf32>
      %add3A_717 = arith.addf %get3A_712, %get3A_716 : vector<16xf32>
      %swap3A_718 = arith.index_cast %select_n3A_690 : i32 to index
      %swap3A_719 = arith.index_cast %mul3A_708 : i32 to index
      %swap3A_720 = tpu.vector_load %arg9[%swap3A_718, %swap3A_719] {strides = array<i32>} : memref<32x1024xf32, #tpu.memory_space<vmem>>, vector<1x16xf32>,
      %swap3A_721 = vector.shape_cast %swap3A_720 : vector<1x16xf32> to vector<16xf32>
      %swap3A_722 = vector.shape_cast %add3A_717 : vector<16xf32> to vector<1x16xf32>
      tpu.vector_store %arg9[%swap3A_718, %swap3A_719], %swap3A_722 {strides = array<i32>} : memref<32x1024xf32, #tpu.memory_space<vmem>>, vector<1x16xf32>,
      %scan3A_723 = arith.constant 0 : i32
      %scan3A_724 = arith.constant 7 : i32
      %scan3A_725 = arith.addi %scan3A_313, %scan3A_724 : i32
      %jit3A_726 = arith.constant 64 : i32
      %div3A_727 = arith.divsi %scan3A_725, %jit3A_726 : i32
      %sign3A_728 = arith.constant 0 : i32
      %sign3A_729 = arith.cmpi sgt, %scan3A_725, %sign3A_728 : i32
      %sign3A_730 = arith.extui %sign3A_729 : i1 to i32
      %sign3A_731 = arith.constant 0 : i32
      %sign3A_732 = arith.cmpi slt, %scan3A_725, %sign3A_731 : i32
      %sign3A_733 = arith.extui %sign3A_732 : i1 to i32
      %sign3A_734 = arith.subi %sign3A_730, %sign3A_733 : i32
      %sign3A_735 = arith.constant 0 : i32
      %sign3A_736 = arith.cmpi sgt, %jit3A_726, %sign3A_735 : i32
      %sign3A_737 = arith.extui %sign3A_736 : i1 to i32
      %sign3A_738 = arith.constant 0 : i32
      %sign3A_739 = arith.cmpi slt, %jit3A_726, %sign3A_738 : i32
      %sign3A_740 = arith.extui %sign3A_739 : i1 to i32
      %sign3A_741 = arith.subi %sign3A_737, %sign3A_740 : i32
      %ne3A_742 = arith.cmpi ne, %sign3A_734, %sign3A_741 : i32
      %rem3A_743 = arith.remsi %scan3A_725, %jit3A_726 : i32
      %ne3A_744 = arith.constant 0 : i32
      %ne3A_745 = arith.cmpi ne, %rem3A_743, %ne3A_744 : i32
      %and3A_746 = arith.andi %ne3A_742, %ne3A_745 : i1
      %sub3A_747 = arith.constant 1 : i32
      %sub3A_748 = arith.subi %div3A_727, %sub3A_747 : i32
      %select_n3A_749 = arith.select %and3A_746, %sub3A_748, %div3A_727 : i32
      %jit3A_750 = arith.constant 64 : i32
      %eq3A_751 = arith.constant 0 : i32
      %eq3A_752 = arith.cmpi eq, %jit3A_750, %eq3A_751 : i32
      %jit3A_753 = arith.constant 1 : i32
      %select_n3A_754 = arith.select %eq3A_752, %jit3A_753, %jit3A_750 : i32
      %rem3A_755 = arith.remsi %scan3A_725, %select_n3A_754 : i32
      %ne3A_756 = arith.constant 0 : i32
      %ne3A_757 = arith.cmpi ne, %rem3A_755, %ne3A_756 : i32
      %lt3A_758 = arith.constant 0 : i32
      %lt3A_759 = arith.cmpi slt, %rem3A_755, %lt3A_758 : i32
      %lt3A_760 = arith.constant 0 : i32
      %lt3A_761 = arith.cmpi slt, %select_n3A_754, %lt3A_760 : i32
      %ne3A_762 = arith.xori %lt3A_759, %lt3A_761 : i1
      %and3A_763 = arith.andi %ne3A_762, %ne3A_757 : i1
      %add3A_764 = arith.addi %rem3A_755, %select_n3A_754 : i32
      %select_n3A_765 = arith.select %and3A_763, %add3A_764, %rem3A_755 : i32
      %mul3A_766 = arith.constant 16 : i32
      %mul3A_767 = arith.muli %select_n3A_765, %mul3A_766 : i32
      %get3A_768 = arith.index_cast %select_n3A_749 : i32 to index
      %get3A_769 = arith.index_cast %mul3A_767 : i32 to index
      %get3A_770 = tpu.vector_load %arg7[%get3A_768, %get3A_769] {strides = array<i32>} : memref<32x1024xf32, #tpu.memory_space<vmem>>, vector<1x16xf32>,
      %get3A_771 = vector.shape_cast %get3A_770 : vector<1x16xf32> to vector<16xf32>
      %get3A_772 = arith.index_cast %select_n3A_749 : i32 to index
      %get3A_773 = arith.index_cast %mul3A_767 : i32 to index
      %get3A_774 = tpu.vector_load %arg8[%get3A_772, %get3A_773] {strides = array<i32>} : memref<32x1024xf32, #tpu.memory_space<vmem>>, vector<1x16xf32>,
      %get3A_775 = vector.shape_cast %get3A_774 : vector<1x16xf32> to vector<16xf32>
      %add3A_776 = arith.addf %get3A_771, %get3A_775 : vector<16xf32>
      %swap3A_777 = arith.index_cast %select_n3A_749 : i32 to index
      %swap3A_778 = arith.index_cast %mul3A_767 : i32 to index
      %swap3A_779 = tpu.vector_load %arg9[%swap3A_777, %swap3A_778] {strides = array<i32>} : memref<32x1024xf32, #tpu.memory_space<vmem>>, vector<1x16xf32>,
      %swap3A_780 = vector.shape_cast %swap3A_779 : vector<1x16xf32> to vector<16xf32>
      %swap3A_781 = vector.shape_cast %add3A_776 : vector<16xf32> to vector<1x16xf32>
      tpu.vector_store %arg9[%swap3A_777, %swap3A_778], %swap3A_781 {strides = array<i32>} : memref<32x1024xf32, #tpu.memory_space<vmem>>, vector<1x16xf32>,
      %scan3A_782 = arith.constant 0 : i32
      scf.yield %scan3A_782 : i32
    }
    %scan3A_237 = arith.constant 2048 : i32
    "tpu.region"() ({
      %run_scoped3A_313 = tpu.sem_alloc : memref<!tpu.dma_semaphore, #tpu.memory_space<semaphore_mem>>
      %dma_start3A_314 = arith.constant 0 : i32
      %dma_start3A_315 = tpu.memref_slice %arg4[%add3A_164, %dma_start3A_314] : memref<4096x1024xf32, #tpu.memory_space<hbm>> -> memref<32x1024xf32, #tpu.memory_space<hbm>>
      %dma_start3A_316 = arith.constant 0 : i32
      %dma_start3A_317 = tpu.memref_slice %arg4[%add3A_164, %dma_start3A_316] : memref<4096x1024xf32, #tpu.memory_space<hbm>> -> memref<32x1024xf32, #tpu.memory_space<hbm>>
      tpu.enqueue_dma source(%arg9 : memref<32x1024xf32, #tpu.memory_space<vmem>>) target(%dma_start3A_317 : memref<32x1024xf32, #tpu.memory_space<hbm>>) target_semaphore(%run_scoped3A_313 : memref<!tpu.dma_semaphore, #tpu.memory_space<semaphore_mem>>)
      %dma_wait3A_318 = arith.constant 0 : i32
      %dma_wait3A_319 = tpu.memref_slice %arg4[%add3A_164, %dma_wait3A_318] : memref<4096x1024xf32, #tpu.memory_space<hbm>> -> memref<32x1024xf32, #tpu.memory_space<hbm>>
      %dma_wait3A_320 = arith.constant 0 : i32
      %dma_wait3A_321 = tpu.memref_slice %arg4[%add3A_164, %dma_wait3A_320] : memref<4096x1024xf32, #tpu.memory_space<hbm>> -> memref<32x1024xf32, #tpu.memory_space<hbm>>
      tpu.wait_dma2 semaphore(%run_scoped3A_313 : memref<!tpu.dma_semaphore, #tpu.memory_space<semaphore_mem>>) src(%arg9 : memref<32x1024xf32, #tpu.memory_space<vmem>>) dst(%dma_wait3A_321 : memref<32x1024xf32, #tpu.memory_space<hbm>>)
      tpu.yield
    }) : () -> ()
    %add3A_238 = arith.constant 96 : i32
    %add3A_239 = arith.addi %mul3A_2, %add3A_238 : i32
    %run_scoped3A_240 = arith.constant 0 : i32
    "tpu.region"() ({
      %run_scoped3A_313 = tpu.sem_alloc : memref<!tpu.dma_semaphore, #tpu.memory_space<semaphore_mem>>
      %dma_start3A_314 = tpu.memref_slice %arg3[%run_scoped3A_240, %add3A_239] : memref<2x4096xi32, #tpu.memory_space<hbm>> -> memref<1x32xi32, #tpu.memory_space<hbm>>
      %dma_start3A_315 = tpu.memref_squeeze %dma_start3A_314 : memref<1x32xi32, #tpu.memory_space<hbm>> -> memref<32xi32, #tpu.memory_space<hbm>>
      %dma_start3A_316 = tpu.memref_slice %arg3[%run_scoped3A_240, %add3A_239] : memref<2x4096xi32, #tpu.memory_space<hbm>> -> memref<1x32xi32, #tpu.memory_space<hbm>>
      %dma_start3A_317 = tpu.memref_squeeze %dma_start3A_316 : memref<1x32xi32, #tpu.memory_space<hbm>> -> memref<32xi32, #tpu.memory_space<hbm>>
      tpu.enqueue_dma source(%dma_start3A_317 : memref<32xi32, #tpu.memory_space<hbm>>) target(%arg5 : memref<32xi32, #tpu.memory_space<vmem>>) target_semaphore(%run_scoped3A_313 : memref<!tpu.dma_semaphore, #tpu.memory_space<semaphore_mem>>)
      %dma_wait3A_318 = tpu.memref_slice %arg3[%run_scoped3A_240, %add3A_239] : memref<2x4096xi32, #tpu.memory_space<hbm>> -> memref<1x32xi32, #tpu.memory_space<hbm>>
      %dma_wait3A_319 = tpu.memref_squeeze %dma_wait3A_318 : memref<1x32xi32, #tpu.memory_space<hbm>> -> memref<32xi32, #tpu.memory_space<hbm>>
      %dma_wait3A_320 = tpu.memref_slice %arg3[%run_scoped3A_240, %add3A_239] : memref<2x4096xi32, #tpu.memory_space<hbm>> -> memref<1x32xi32, #tpu.memory_space<hbm>>
      %dma_wait3A_321 = tpu.memref_squeeze %dma_wait3A_320 : memref<1x32xi32, #tpu.memory_space<hbm>> -> memref<32xi32, #tpu.memory_space<hbm>>
      tpu.wait_dma2 semaphore(%run_scoped3A_313 : memref<!tpu.dma_semaphore, #tpu.memory_space<semaphore_mem>>) src(%dma_wait3A_321 : memref<32xi32, #tpu.memory_space<hbm>>) dst(%arg5 : memref<32xi32, #tpu.memory_space<vmem>>)
      tpu.yield
    }) : () -> ()
    %run_scoped3A_241 = arith.constant 1 : i32
    "tpu.region"() ({
      %run_scoped3A_313 = tpu.sem_alloc : memref<!tpu.dma_semaphore, #tpu.memory_space<semaphore_mem>>
      %dma_start3A_314 = tpu.memref_slice %arg3[%run_scoped3A_241, %add3A_239] : memref<2x4096xi32, #tpu.memory_space<hbm>> -> memref<1x32xi32, #tpu.memory_space<hbm>>
      %dma_start3A_315 = tpu.memref_squeeze %dma_start3A_314 : memref<1x32xi32, #tpu.memory_space<hbm>> -> memref<32xi32, #tpu.memory_space<hbm>>
      %dma_start3A_316 = tpu.memref_slice %arg3[%run_scoped3A_241, %add3A_239] : memref<2x4096xi32, #tpu.memory_space<hbm>> -> memref<1x32xi32, #tpu.memory_space<hbm>>
      %dma_start3A_317 = tpu.memref_squeeze %dma_start3A_316 : memref<1x32xi32, #tpu.memory_space<hbm>> -> memref<32xi32, #tpu.memory_space<hbm>>
      tpu.enqueue_dma source(%dma_start3A_317 : memref<32xi32, #tpu.memory_space<hbm>>) target(%arg6 : memref<32xi32, #tpu.memory_space<vmem>>) target_semaphore(%run_scoped3A_313 : memref<!tpu.dma_semaphore, #tpu.memory_space<semaphore_mem>>)
      %dma_wait3A_318 = tpu.memref_slice %arg3[%run_scoped3A_241, %add3A_239] : memref<2x4096xi32, #tpu.memory_space<hbm>> -> memref<1x32xi32, #tpu.memory_space<hbm>>
      %dma_wait3A_319 = tpu.memref_squeeze %dma_wait3A_318 : memref<1x32xi32, #tpu.memory_space<hbm>> -> memref<32xi32, #tpu.memory_space<hbm>>
      %dma_wait3A_320 = tpu.memref_slice %arg3[%run_scoped3A_241, %add3A_239] : memref<2x4096xi32, #tpu.memory_space<hbm>> -> memref<1x32xi32, #tpu.memory_space<hbm>>
      %dma_wait3A_321 = tpu.memref_squeeze %dma_wait3A_320 : memref<1x32xi32, #tpu.memory_space<hbm>> -> memref<32xi32, #tpu.memory_space<hbm>>
      tpu.wait_dma2 semaphore(%run_scoped3A_313 : memref<!tpu.dma_semaphore, #tpu.memory_space<semaphore_mem>>) src(%dma_wait3A_321 : memref<32xi32, #tpu.memory_space<hbm>>) dst(%arg6 : memref<32xi32, #tpu.memory_space<vmem>>)
      tpu.yield
    }) : () -> ()
    %get3A_242 = arith.constant 0 : index
    %get3A_243 = tpu.vector_load %arg5[%get3A_242] {strides = array<i32>} : memref<32xi32, #tpu.memory_space<vmem>>, vector<16xi32>,
    %get3A_244 = vector.shape_cast %get3A_243 : vector<16xi32> to vector<16xi32>
    %add3A_245 = arith.constant 0 : i32
    %add3A_246 = arith.addi %add3A_245, %select_n3A : i32
    %mul3A_247 = arith.constant 512 : i32
    %mul3A_248 = arith.muli %add3A_246, %mul3A_247 : i32
    %add3A_249 = vector.broadcast %mul3A_248 : i32 to vector<16xi32>
    %add3A_250 = arith.addi %get3A_244, %add3A_249 : vector<16xi32>
    %swap3A_251 = arith.constant 0 : index
    %swap3A_252 = tpu.vector_load %arg5[%swap3A_251] {strides = array<i32>} : memref<32xi32, #tpu.memory_space<vmem>>, vector<16xi32>,
    %swap3A_253 = vector.shape_cast %swap3A_252 : vector<16xi32> to vector<16xi32>
    %swap3A_254 = vector.shape_cast %add3A_250 : vector<16xi32> to vector<16xi32>
    tpu.vector_store %arg5[%swap3A_251], %swap3A_254 {strides = array<i32>} : memref<32xi32, #tpu.memory_space<vmem>>, vector<16xi32>,
    %get3A_255 = arith.constant 0 : index
    %get3A_256 = tpu.vector_load %arg6[%get3A_255] {strides = array<i32>} : memref<32xi32, #tpu.memory_space<vmem>>, vector<16xi32>,
    %get3A_257 = vector.shape_cast %get3A_256 : vector<16xi32> to vector<16xi32>
    %add3A_258 = arith.constant 2 : i32
    %add3A_259 = arith.addi %add3A_258, %select_n3A : i32
    %mul3A_260 = arith.constant 512 : i32
    %mul3A_261 = arith.muli %add3A_259, %mul3A_260 : i32
    %add3A_262 = vector.broadcast %mul3A_261 : i32 to vector<16xi32>
    %add3A_263 = arith.addi %get3A_257, %add3A_262 : vector<16xi32>
    %swap3A_264 = arith.constant 0 : index
    %swap3A_265 = tpu.vector_load %arg6[%swap3A_264] {strides = array<i32>} : memref<32xi32, #tpu.memory_space<vmem>>, vector<16xi32>,
    %swap3A_266 = vector.shape_cast %swap3A_265 : vector<16xi32> to vector<16xi32>
    %swap3A_267 = vector.shape_cast %add3A_263 : vector<16xi32> to vector<16xi32>
    tpu.vector_store %arg6[%swap3A_264], %swap3A_267 {strides = array<i32>} : memref<32xi32, #tpu.memory_space<vmem>>, vector<16xi32>,
    %get3A_268 = arith.constant 16 : index
    %get3A_269 = tpu.vector_load %arg5[%get3A_268] {strides = array<i32>} : memref<32xi32, #tpu.memory_space<vmem>>, vector<16xi32>,
    %get3A_270 = vector.shape_cast %get3A_269 : vector<16xi32> to vector<16xi32>
    %add3A_271 = arith.constant 0 : i32
    %add3A_272 = arith.addi %add3A_271, %select_n3A : i32
    %mul3A_273 = arith.constant 512 : i32
    %mul3A_274 = arith.muli %add3A_272, %mul3A_273 : i32
    %add3A_275 = vector.broadcast %mul3A_274 : i32 to vector<16xi32>
    %add3A_276 = arith.addi %get3A_270, %add3A_275 : vector<16xi32>
    %swap3A_277 = arith.constant 16 : index
    %swap3A_278 = tpu.vector_load %arg5[%swap3A_277] {strides = array<i32>} : memref<32xi32, #tpu.memory_space<vmem>>, vector<16xi32>,
    %swap3A_279 = vector.shape_cast %swap3A_278 : vector<16xi32> to vector<16xi32>
    %swap3A_280 = vector.shape_cast %add3A_276 : vector<16xi32> to vector<16xi32>
    tpu.vector_store %arg5[%swap3A_277], %swap3A_280 {strides = array<i32>} : memref<32xi32, #tpu.memory_space<vmem>>, vector<16xi32>,
    %get3A_281 = arith.constant 16 : index
    %get3A_282 = tpu.vector_load %arg6[%get3A_281] {strides = array<i32>} : memref<32xi32, #tpu.memory_space<vmem>>, vector<16xi32>,
    %get3A_283 = vector.shape_cast %get3A_282 : vector<16xi32> to vector<16xi32>
    %add3A_284 = arith.constant 2 : i32
    %add3A_285 = arith.addi %add3A_284, %select_n3A : i32
    %mul3A_286 = arith.constant 512 : i32
    %mul3A_287 = arith.muli %add3A_285, %mul3A_286 : i32
    %add3A_288 = vector.broadcast %mul3A_287 : i32 to vector<16xi32>
    %add3A_289 = arith.addi %get3A_283, %add3A_288 : vector<16xi32>
    %swap3A_290 = arith.constant 16 : index
    %swap3A_291 = tpu.vector_load %arg6[%swap3A_290] {strides = array<i32>} : memref<32xi32, #tpu.memory_space<vmem>>, vector<16xi32>,
    %swap3A_292 = vector.shape_cast %swap3A_291 : vector<16xi32> to vector<16xi32>
    %swap3A_293 = vector.shape_cast %add3A_289 : vector<16xi32> to vector<16xi32>
    tpu.vector_store %arg6[%swap3A_290], %swap3A_293 {strides = array<i32>} : memref<32xi32, #tpu.memory_space<vmem>>, vector<16xi32>,
    %dma_start3A_294 = arith.constant 0 : i32
    %dma_start3A_295 = arith.constant 0 : i32
    %dma_start3A_296 = tpu.memref_slice %arg2[%dma_start3A_294, %dma_start3A_295] : memref<2048x1024xf32, #tpu.memory_space<hbm>> -> memref<2048x1024xf32, #tpu.memory_space<hbm>>
    tpu.enqueue_indirect_dma source(%dma_start3A_296 : memref<2048x1024xf32, #tpu.memory_space<hbm>>) target(%arg7 : memref<32x1024xf32, #tpu.memory_space<vmem>>) offsets(%arg5 : memref<32xi32, #tpu.memory_space<vmem>>) semaphore(%arg10 : memref<!tpu.dma_semaphore, #tpu.memory_space<semaphore_mem>>)
    %dma_start3A_297 = arith.constant 0 : i32
    %dma_start3A_298 = arith.constant 0 : i32
    %dma_start3A_299 = tpu.memref_slice %arg2[%dma_start3A_297, %dma_start3A_298] : memref<2048x1024xf32, #tpu.memory_space<hbm>> -> memref<2048x1024xf32, #tpu.memory_space<hbm>>
    tpu.enqueue_indirect_dma source(%dma_start3A_299 : memref<2048x1024xf32, #tpu.memory_space<hbm>>) target(%arg8 : memref<32x1024xf32, #tpu.memory_space<vmem>>) offsets(%arg6 : memref<32xi32, #tpu.memory_space<vmem>>) semaphore(%arg11 : memref<!tpu.dma_semaphore, #tpu.memory_space<semaphore_mem>>)
    %dma_wait3A_300 = arith.constant 0 : i32
    %dma_wait3A_301 = arith.constant 0 : i32
    %dma_wait3A_302 = tpu.memref_slice %arg2[%dma_wait3A_300, %dma_wait3A_301] : memref<2048x1024xf32, #tpu.memory_space<hbm>> -> memref<2048x1024xf32, #tpu.memory_space<hbm>>
    tpu.wait_indirect_dma semaphore(%arg10 : memref<!tpu.dma_semaphore, #tpu.memory_space<semaphore_mem>>) src(%dma_wait3A_302 : memref<2048x1024xf32, #tpu.memory_space<hbm>>) dst(%arg7 : memref<32x1024xf32, #tpu.memory_space<vmem>>)
    %dma_wait3A_303 = arith.constant 0 : i32
    %dma_wait3A_304 = arith.constant 0 : i32
    %dma_wait3A_305 = tpu.memref_slice %arg2[%dma_wait3A_303, %dma_wait3A_304] : memref<2048x1024xf32, #tpu.memory_space<hbm>> -> memref<2048x1024xf32, #tpu.memory_space<hbm>>
    tpu.wait_indirect_dma semaphore(%arg11 : memref<!tpu.dma_semaphore, #tpu.memory_space<semaphore_mem>>) src(%dma_wait3A_305 : memref<2048x1024xf32, #tpu.memory_space<hbm>>) dst(%arg8 : memref<32x1024xf32, #tpu.memory_space<vmem>>)
    %scan3A_306 = arith.constant 0 : i32
    %scan3A_307 = arith.constant 0 : i32
    %scan3A_308 = arith.constant 2048 : i32
    %scan3A_309 = arith.addi %scan3A_307, %scan3A_308 : i32
    %scan3A_310 = arith.constant 8 : i32
    %scan3A_311 = scf.for %scan3A_313 = %scan3A_307 to %scan3A_309 step %scan3A_310 iter_args(%scan3A_314 = %scan3A_306) -> (i32)  : i32 {
      %jit3A_315 = arith.constant 64 : i32
      %div3A_316 = arith.divsi %scan3A_313, %jit3A_315 : i32
      %sign3A_317 = arith.constant 0 : i32
      %sign3A_318 = arith.cmpi sgt, %scan3A_313, %sign3A_317 : i32
      %sign3A_319 = arith.extui %sign3A_318 : i1 to i32
      %sign3A_320 = arith.constant 0 : i32
      %sign3A_321 = arith.cmpi slt, %scan3A_313, %sign3A_320 : i32
      %sign3A_322 = arith.extui %sign3A_321 : i1 to i32
      %sign3A_323 = arith.subi %sign3A_319, %sign3A_322 : i32
      %sign3A_324 = arith.constant 0 : i32
      %sign3A_325 = arith.cmpi sgt, %jit3A_315, %sign3A_324 : i32
      %sign3A_326 = arith.extui %sign3A_325 : i1 to i32
      %sign3A_327 = arith.constant 0 : i32
      %sign3A_328 = arith.cmpi slt, %jit3A_315, %sign3A_327 : i32
      %sign3A_329 = arith.extui %sign3A_328 : i1 to i32
      %sign3A_330 = arith.subi %sign3A_326, %sign3A_329 : i32
      %ne3A_331 = arith.cmpi ne, %sign3A_323, %sign3A_330 : i32
      %rem3A_332 = arith.remsi %scan3A_313, %jit3A_315 : i32
      %ne3A_333 = arith.constant 0 : i32
      %ne3A_334 = arith.cmpi ne, %rem3A_332, %ne3A_333 : i32
      %and3A_335 = arith.andi %ne3A_331, %ne3A_334 : i1
      %sub3A_336 = arith.constant 1 : i32
      %sub3A_337 = arith.subi %div3A_316, %sub3A_336 : i32
      %select_n3A_338 = arith.select %and3A_335, %sub3A_337, %div3A_316 : i32
      %jit3A_339 = arith.constant 64 : i32
      %eq3A = arith.constant 0 : i32
      %eq3A_340 = arith.cmpi eq, %jit3A_339, %eq3A : i32
      %jit3A_341 = arith.constant 1 : i32
      %select_n3A_342 = arith.select %eq3A_340, %jit3A_341, %jit3A_339 : i32
      %rem3A_343 = arith.remsi %scan3A_313, %select_n3A_342 : i32
      %ne3A_344 = arith.constant 0 : i32
      %ne3A_345 = arith.cmpi ne, %rem3A_343, %ne3A_344 : i32
      %lt3A = arith.constant 0 : i32
      %lt3A_346 = arith.cmpi slt, %rem3A_343, %lt3A : i32
      %lt3A_347 = arith.constant 0 : i32
      %lt3A_348 = arith.cmpi slt, %select_n3A_342, %lt3A_347 : i32
      %ne3A_349 = arith.xori %lt3A_346, %lt3A_348 : i1
      %and3A_350 = arith.andi %ne3A_349, %ne3A_345 : i1
      %add3A_351 = arith.addi %rem3A_343, %select_n3A_342 : i32
      %select_n3A_352 = arith.select %and3A_350, %add3A_351, %rem3A_343 : i32
      %mul3A_353 = arith.constant 16 : i32
      %mul3A_354 = arith.muli %select_n3A_352, %mul3A_353 : i32
      %get3A_355 = arith.index_cast %select_n3A_338 : i32 to index
      %get3A_356 = arith.index_cast %mul3A_354 : i32 to index
      %get3A_357 = tpu.vector_load %arg7[%get3A_355, %get3A_356] {strides = array<i32>} : memref<32x1024xf32, #tpu.memory_space<vmem>>, vector<1x16xf32>,
      %get3A_358 = vector.shape_cast %get3A_357 : vector<1x16xf32> to vector<16xf32>
      %get3A_359 = arith.index_cast %select_n3A_338 : i32 to index
      %get3A_360 = arith.index_cast %mul3A_354 : i32 to index
      %get3A_361 = tpu.vector_load %arg8[%get3A_359, %get3A_360] {strides = array<i32>} : memref<32x1024xf32, #tpu.memory_space<vmem>>, vector<1x16xf32>,
      %get3A_362 = vector.shape_cast %get3A_361 : vector<1x16xf32> to vector<16xf32>
      %add3A_363 = arith.addf %get3A_358, %get3A_362 : vector<16xf32>
      %swap3A_364 = arith.index_cast %select_n3A_338 : i32 to index
      %swap3A_365 = arith.index_cast %mul3A_354 : i32 to index
      %swap3A_366 = tpu.vector_load %arg9[%swap3A_364, %swap3A_365] {strides = array<i32>} : memref<32x1024xf32, #tpu.memory_space<vmem>>, vector<1x16xf32>,
      %swap3A_367 = vector.shape_cast %swap3A_366 : vector<1x16xf32> to vector<16xf32>
      %swap3A_368 = vector.shape_cast %add3A_363 : vector<16xf32> to vector<1x16xf32>
      tpu.vector_store %arg9[%swap3A_364, %swap3A_365], %swap3A_368 {strides = array<i32>} : memref<32x1024xf32, #tpu.memory_space<vmem>>, vector<1x16xf32>,
      %scan3A_369 = arith.constant 0 : i32
      %scan3A_370 = arith.constant 1 : i32
      %scan3A_371 = arith.addi %scan3A_313, %scan3A_370 : i32
      %jit3A_372 = arith.constant 64 : i32
      %div3A_373 = arith.divsi %scan3A_371, %jit3A_372 : i32
      %sign3A_374 = arith.constant 0 : i32
      %sign3A_375 = arith.cmpi sgt, %scan3A_371, %sign3A_374 : i32
      %sign3A_376 = arith.extui %sign3A_375 : i1 to i32
      %sign3A_377 = arith.constant 0 : i32
      %sign3A_378 = arith.cmpi slt, %scan3A_371, %sign3A_377 : i32
      %sign3A_379 = arith.extui %sign3A_378 : i1 to i32
      %sign3A_380 = arith.subi %sign3A_376, %sign3A_379 : i32
      %sign3A_381 = arith.constant 0 : i32
      %sign3A_382 = arith.cmpi sgt, %jit3A_372, %sign3A_381 : i32
      %sign3A_383 = arith.extui %sign3A_382 : i1 to i32
      %sign3A_384 = arith.constant 0 : i32
      %sign3A_385 = arith.cmpi slt, %jit3A_372, %sign3A_384 : i32
      %sign3A_386 = arith.extui %sign3A_385 : i1 to i32
      %sign3A_387 = arith.subi %sign3A_383, %sign3A_386 : i32
      %ne3A_388 = arith.cmpi ne, %sign3A_380, %sign3A_387 : i32
      %rem3A_389 = arith.remsi %scan3A_371, %jit3A_372 : i32
      %ne3A_390 = arith.constant 0 : i32
      %ne3A_391 = arith.cmpi ne, %rem3A_389, %ne3A_390 : i32
      %and3A_392 = arith.andi %ne3A_388, %ne3A_391 : i1
      %sub3A_393 = arith.constant 1 : i32
      %sub3A_394 = arith.subi %div3A_373, %sub3A_393 : i32
      %select_n3A_395 = arith.select %and3A_392, %sub3A_394, %div3A_373 : i32
      %jit3A_396 = arith.constant 64 : i32
      %eq3A_397 = arith.constant 0 : i32
      %eq3A_398 = arith.cmpi eq, %jit3A_396, %eq3A_397 : i32
      %jit3A_399 = arith.constant 1 : i32
      %select_n3A_400 = arith.select %eq3A_398, %jit3A_399, %jit3A_396 : i32
      %rem3A_401 = arith.remsi %scan3A_371, %select_n3A_400 : i32
      %ne3A_402 = arith.constant 0 : i32
      %ne3A_403 = arith.cmpi ne, %rem3A_401, %ne3A_402 : i32
      %lt3A_404 = arith.constant 0 : i32
      %lt3A_405 = arith.cmpi slt, %rem3A_401, %lt3A_404 : i32
      %lt3A_406 = arith.constant 0 : i32
      %lt3A_407 = arith.cmpi slt, %select_n3A_400, %lt3A_406 : i32
      %ne3A_408 = arith.xori %lt3A_405, %lt3A_407 : i1
      %and3A_409 = arith.andi %ne3A_408, %ne3A_403 : i1
      %add3A_410 = arith.addi %rem3A_401, %select_n3A_400 : i32
      %select_n3A_411 = arith.select %and3A_409, %add3A_410, %rem3A_401 : i32
      %mul3A_412 = arith.constant 16 : i32
      %mul3A_413 = arith.muli %select_n3A_411, %mul3A_412 : i32
      %get3A_414 = arith.index_cast %select_n3A_395 : i32 to index
      %get3A_415 = arith.index_cast %mul3A_413 : i32 to index
      %get3A_416 = tpu.vector_load %arg7[%get3A_414, %get3A_415] {strides = array<i32>} : memref<32x1024xf32, #tpu.memory_space<vmem>>, vector<1x16xf32>,
      %get3A_417 = vector.shape_cast %get3A_416 : vector<1x16xf32> to vector<16xf32>
      %get3A_418 = arith.index_cast %select_n3A_395 : i32 to index
      %get3A_419 = arith.index_cast %mul3A_413 : i32 to index
      %get3A_420 = tpu.vector_load %arg8[%get3A_418, %get3A_419] {strides = array<i32>} : memref<32x1024xf32, #tpu.memory_space<vmem>>, vector<1x16xf32>,
      %get3A_421 = vector.shape_cast %get3A_420 : vector<1x16xf32> to vector<16xf32>
      %add3A_422 = arith.addf %get3A_417, %get3A_421 : vector<16xf32>
      %swap3A_423 = arith.index_cast %select_n3A_395 : i32 to index
      %swap3A_424 = arith.index_cast %mul3A_413 : i32 to index
      %swap3A_425 = tpu.vector_load %arg9[%swap3A_423, %swap3A_424] {strides = array<i32>} : memref<32x1024xf32, #tpu.memory_space<vmem>>, vector<1x16xf32>,
      %swap3A_426 = vector.shape_cast %swap3A_425 : vector<1x16xf32> to vector<16xf32>
      %swap3A_427 = vector.shape_cast %add3A_422 : vector<16xf32> to vector<1x16xf32>
      tpu.vector_store %arg9[%swap3A_423, %swap3A_424], %swap3A_427 {strides = array<i32>} : memref<32x1024xf32, #tpu.memory_space<vmem>>, vector<1x16xf32>,
      %scan3A_428 = arith.constant 0 : i32
      %scan3A_429 = arith.constant 2 : i32
      %scan3A_430 = arith.addi %scan3A_313, %scan3A_429 : i32
      %jit3A_431 = arith.constant 64 : i32
      %div3A_432 = arith.divsi %scan3A_430, %jit3A_431 : i32
      %sign3A_433 = arith.constant 0 : i32
      %sign3A_434 = arith.cmpi sgt, %scan3A_430, %sign3A_433 : i32
      %sign3A_435 = arith.extui %sign3A_434 : i1 to i32
      %sign3A_436 = arith.constant 0 : i32
      %sign3A_437 = arith.cmpi slt, %scan3A_430, %sign3A_436 : i32
      %sign3A_438 = arith.extui %sign3A_437 : i1 to i32
      %sign3A_439 = arith.subi %sign3A_435, %sign3A_438 : i32
      %sign3A_440 = arith.constant 0 : i32
      %sign3A_441 = arith.cmpi sgt, %jit3A_431, %sign3A_440 : i32
      %sign3A_442 = arith.extui %sign3A_441 : i1 to i32
      %sign3A_443 = arith.constant 0 : i32
      %sign3A_444 = arith.cmpi slt, %jit3A_431, %sign3A_443 : i32
      %sign3A_445 = arith.extui %sign3A_444 : i1 to i32
      %sign3A_446 = arith.subi %sign3A_442, %sign3A_445 : i32
      %ne3A_447 = arith.cmpi ne, %sign3A_439, %sign3A_446 : i32
      %rem3A_448 = arith.remsi %scan3A_430, %jit3A_431 : i32
      %ne3A_449 = arith.constant 0 : i32
      %ne3A_450 = arith.cmpi ne, %rem3A_448, %ne3A_449 : i32
      %and3A_451 = arith.andi %ne3A_447, %ne3A_450 : i1
      %sub3A_452 = arith.constant 1 : i32
      %sub3A_453 = arith.subi %div3A_432, %sub3A_452 : i32
      %select_n3A_454 = arith.select %and3A_451, %sub3A_453, %div3A_432 : i32
      %jit3A_455 = arith.constant 64 : i32
      %eq3A_456 = arith.constant 0 : i32
      %eq3A_457 = arith.cmpi eq, %jit3A_455, %eq3A_456 : i32
      %jit3A_458 = arith.constant 1 : i32
      %select_n3A_459 = arith.select %eq3A_457, %jit3A_458, %jit3A_455 : i32
      %rem3A_460 = arith.remsi %scan3A_430, %select_n3A_459 : i32
      %ne3A_461 = arith.constant 0 : i32
      %ne3A_462 = arith.cmpi ne, %rem3A_460, %ne3A_461 : i32
      %lt3A_463 = arith.constant 0 : i32
      %lt3A_464 = arith.cmpi slt, %rem3A_460, %lt3A_463 : i32
      %lt3A_465 = arith.constant 0 : i32
      %lt3A_466 = arith.cmpi slt, %select_n3A_459, %lt3A_465 : i32
      %ne3A_467 = arith.xori %lt3A_464, %lt3A_466 : i1
      %and3A_468 = arith.andi %ne3A_467, %ne3A_462 : i1
      %add3A_469 = arith.addi %rem3A_460, %select_n3A_459 : i32
      %select_n3A_470 = arith.select %and3A_468, %add3A_469, %rem3A_460 : i32
      %mul3A_471 = arith.constant 16 : i32
      %mul3A_472 = arith.muli %select_n3A_470, %mul3A_471 : i32
      %get3A_473 = arith.index_cast %select_n3A_454 : i32 to index
      %get3A_474 = arith.index_cast %mul3A_472 : i32 to index
      %get3A_475 = tpu.vector_load %arg7[%get3A_473, %get3A_474] {strides = array<i32>} : memref<32x1024xf32, #tpu.memory_space<vmem>>, vector<1x16xf32>,
      %get3A_476 = vector.shape_cast %get3A_475 : vector<1x16xf32> to vector<16xf32>
      %get3A_477 = arith.index_cast %select_n3A_454 : i32 to index
      %get3A_478 = arith.index_cast %mul3A_472 : i32 to index
      %get3A_479 = tpu.vector_load %arg8[%get3A_477, %get3A_478] {strides = array<i32>} : memref<32x1024xf32, #tpu.memory_space<vmem>>, vector<1x16xf32>,
      %get3A_480 = vector.shape_cast %get3A_479 : vector<1x16xf32> to vector<16xf32>
      %add3A_481 = arith.addf %get3A_476, %get3A_480 : vector<16xf32>
      %swap3A_482 = arith.index_cast %select_n3A_454 : i32 to index
      %swap3A_483 = arith.index_cast %mul3A_472 : i32 to index
      %swap3A_484 = tpu.vector_load %arg9[%swap3A_482, %swap3A_483] {strides = array<i32>} : memref<32x1024xf32, #tpu.memory_space<vmem>>, vector<1x16xf32>,
      %swap3A_485 = vector.shape_cast %swap3A_484 : vector<1x16xf32> to vector<16xf32>
      %swap3A_486 = vector.shape_cast %add3A_481 : vector<16xf32> to vector<1x16xf32>
      tpu.vector_store %arg9[%swap3A_482, %swap3A_483], %swap3A_486 {strides = array<i32>} : memref<32x1024xf32, #tpu.memory_space<vmem>>, vector<1x16xf32>,
      %scan3A_487 = arith.constant 0 : i32
      %scan3A_488 = arith.constant 3 : i32
      %scan3A_489 = arith.addi %scan3A_313, %scan3A_488 : i32
      %jit3A_490 = arith.constant 64 : i32
      %div3A_491 = arith.divsi %scan3A_489, %jit3A_490 : i32
      %sign3A_492 = arith.constant 0 : i32
      %sign3A_493 = arith.cmpi sgt, %scan3A_489, %sign3A_492 : i32
      %sign3A_494 = arith.extui %sign3A_493 : i1 to i32
      %sign3A_495 = arith.constant 0 : i32
      %sign3A_496 = arith.cmpi slt, %scan3A_489, %sign3A_495 : i32
      %sign3A_497 = arith.extui %sign3A_496 : i1 to i32
      %sign3A_498 = arith.subi %sign3A_494, %sign3A_497 : i32
      %sign3A_499 = arith.constant 0 : i32
      %sign3A_500 = arith.cmpi sgt, %jit3A_490, %sign3A_499 : i32
      %sign3A_501 = arith.extui %sign3A_500 : i1 to i32
      %sign3A_502 = arith.constant 0 : i32
      %sign3A_503 = arith.cmpi slt, %jit3A_490, %sign3A_502 : i32
      %sign3A_504 = arith.extui %sign3A_503 : i1 to i32
      %sign3A_505 = arith.subi %sign3A_501, %sign3A_504 : i32
      %ne3A_506 = arith.cmpi ne, %sign3A_498, %sign3A_505 : i32
      %rem3A_507 = arith.remsi %scan3A_489, %jit3A_490 : i32
      %ne3A_508 = arith.constant 0 : i32
      %ne3A_509 = arith.cmpi ne, %rem3A_507, %ne3A_508 : i32
      %and3A_510 = arith.andi %ne3A_506, %ne3A_509 : i1
      %sub3A_511 = arith.constant 1 : i32
      %sub3A_512 = arith.subi %div3A_491, %sub3A_511 : i32
      %select_n3A_513 = arith.select %and3A_510, %sub3A_512, %div3A_491 : i32
      %jit3A_514 = arith.constant 64 : i32
      %eq3A_515 = arith.constant 0 : i32
      %eq3A_516 = arith.cmpi eq, %jit3A_514, %eq3A_515 : i32
      %jit3A_517 = arith.constant 1 : i32
      %select_n3A_518 = arith.select %eq3A_516, %jit3A_517, %jit3A_514 : i32
      %rem3A_519 = arith.remsi %scan3A_489, %select_n3A_518 : i32
      %ne3A_520 = arith.constant 0 : i32
      %ne3A_521 = arith.cmpi ne, %rem3A_519, %ne3A_520 : i32
      %lt3A_522 = arith.constant 0 : i32
      %lt3A_523 = arith.cmpi slt, %rem3A_519, %lt3A_522 : i32
      %lt3A_524 = arith.constant 0 : i32
      %lt3A_525 = arith.cmpi slt, %select_n3A_518, %lt3A_524 : i32
      %ne3A_526 = arith.xori %lt3A_523, %lt3A_525 : i1
      %and3A_527 = arith.andi %ne3A_526, %ne3A_521 : i1
      %add3A_528 = arith.addi %rem3A_519, %select_n3A_518 : i32
      %select_n3A_529 = arith.select %and3A_527, %add3A_528, %rem3A_519 : i32
      %mul3A_530 = arith.constant 16 : i32
      %mul3A_531 = arith.muli %select_n3A_529, %mul3A_530 : i32
      %get3A_532 = arith.index_cast %select_n3A_513 : i32 to index
      %get3A_533 = arith.index_cast %mul3A_531 : i32 to index
      %get3A_534 = tpu.vector_load %arg7[%get3A_532, %get3A_533] {strides = array<i32>} : memref<32x1024xf32, #tpu.memory_space<vmem>>, vector<1x16xf32>,
      %get3A_535 = vector.shape_cast %get3A_534 : vector<1x16xf32> to vector<16xf32>
      %get3A_536 = arith.index_cast %select_n3A_513 : i32 to index
      %get3A_537 = arith.index_cast %mul3A_531 : i32 to index
      %get3A_538 = tpu.vector_load %arg8[%get3A_536, %get3A_537] {strides = array<i32>} : memref<32x1024xf32, #tpu.memory_space<vmem>>, vector<1x16xf32>,
      %get3A_539 = vector.shape_cast %get3A_538 : vector<1x16xf32> to vector<16xf32>
      %add3A_540 = arith.addf %get3A_535, %get3A_539 : vector<16xf32>
      %swap3A_541 = arith.index_cast %select_n3A_513 : i32 to index
      %swap3A_542 = arith.index_cast %mul3A_531 : i32 to index
      %swap3A_543 = tpu.vector_load %arg9[%swap3A_541, %swap3A_542] {strides = array<i32>} : memref<32x1024xf32, #tpu.memory_space<vmem>>, vector<1x16xf32>,
      %swap3A_544 = vector.shape_cast %swap3A_543 : vector<1x16xf32> to vector<16xf32>
      %swap3A_545 = vector.shape_cast %add3A_540 : vector<16xf32> to vector<1x16xf32>
      tpu.vector_store %arg9[%swap3A_541, %swap3A_542], %swap3A_545 {strides = array<i32>} : memref<32x1024xf32, #tpu.memory_space<vmem>>, vector<1x16xf32>,
      %scan3A_546 = arith.constant 0 : i32
      %scan3A_547 = arith.constant 4 : i32
      %scan3A_548 = arith.addi %scan3A_313, %scan3A_547 : i32
      %jit3A_549 = arith.constant 64 : i32
      %div3A_550 = arith.divsi %scan3A_548, %jit3A_549 : i32
      %sign3A_551 = arith.constant 0 : i32
      %sign3A_552 = arith.cmpi sgt, %scan3A_548, %sign3A_551 : i32
      %sign3A_553 = arith.extui %sign3A_552 : i1 to i32
      %sign3A_554 = arith.constant 0 : i32
      %sign3A_555 = arith.cmpi slt, %scan3A_548, %sign3A_554 : i32
      %sign3A_556 = arith.extui %sign3A_555 : i1 to i32
      %sign3A_557 = arith.subi %sign3A_553, %sign3A_556 : i32
      %sign3A_558 = arith.constant 0 : i32
      %sign3A_559 = arith.cmpi sgt, %jit3A_549, %sign3A_558 : i32
      %sign3A_560 = arith.extui %sign3A_559 : i1 to i32
      %sign3A_561 = arith.constant 0 : i32
      %sign3A_562 = arith.cmpi slt, %jit3A_549, %sign3A_561 : i32
      %sign3A_563 = arith.extui %sign3A_562 : i1 to i32
      %sign3A_564 = arith.subi %sign3A_560, %sign3A_563 : i32
      %ne3A_565 = arith.cmpi ne, %sign3A_557, %sign3A_564 : i32
      %rem3A_566 = arith.remsi %scan3A_548, %jit3A_549 : i32
      %ne3A_567 = arith.constant 0 : i32
      %ne3A_568 = arith.cmpi ne, %rem3A_566, %ne3A_567 : i32
      %and3A_569 = arith.andi %ne3A_565, %ne3A_568 : i1
      %sub3A_570 = arith.constant 1 : i32
      %sub3A_571 = arith.subi %div3A_550, %sub3A_570 : i32
      %select_n3A_572 = arith.select %and3A_569, %sub3A_571, %div3A_550 : i32
      %jit3A_573 = arith.constant 64 : i32
      %eq3A_574 = arith.constant 0 : i32
      %eq3A_575 = arith.cmpi eq, %jit3A_573, %eq3A_574 : i32
      %jit3A_576 = arith.constant 1 : i32
      %select_n3A_577 = arith.select %eq3A_575, %jit3A_576, %jit3A_573 : i32
      %rem3A_578 = arith.remsi %scan3A_548, %select_n3A_577 : i32
      %ne3A_579 = arith.constant 0 : i32
      %ne3A_580 = arith.cmpi ne, %rem3A_578, %ne3A_579 : i32
      %lt3A_581 = arith.constant 0 : i32
      %lt3A_582 = arith.cmpi slt, %rem3A_578, %lt3A_581 : i32
      %lt3A_583 = arith.constant 0 : i32
      %lt3A_584 = arith.cmpi slt, %select_n3A_577, %lt3A_583 : i32
      %ne3A_585 = arith.xori %lt3A_582, %lt3A_584 : i1
      %and3A_586 = arith.andi %ne3A_585, %ne3A_580 : i1
      %add3A_587 = arith.addi %rem3A_578, %select_n3A_577 : i32
      %select_n3A_588 = arith.select %and3A_586, %add3A_587, %rem3A_578 : i32
      %mul3A_589 = arith.constant 16 : i32
      %mul3A_590 = arith.muli %select_n3A_588, %mul3A_589 : i32
      %get3A_591 = arith.index_cast %select_n3A_572 : i32 to index
      %get3A_592 = arith.index_cast %mul3A_590 : i32 to index
      %get3A_593 = tpu.vector_load %arg7[%get3A_591, %get3A_592] {strides = array<i32>} : memref<32x1024xf32, #tpu.memory_space<vmem>>, vector<1x16xf32>,
      %get3A_594 = vector.shape_cast %get3A_593 : vector<1x16xf32> to vector<16xf32>
      %get3A_595 = arith.index_cast %select_n3A_572 : i32 to index
      %get3A_596 = arith.index_cast %mul3A_590 : i32 to index
      %get3A_597 = tpu.vector_load %arg8[%get3A_595, %get3A_596] {strides = array<i32>} : memref<32x1024xf32, #tpu.memory_space<vmem>>, vector<1x16xf32>,
      %get3A_598 = vector.shape_cast %get3A_597 : vector<1x16xf32> to vector<16xf32>
      %add3A_599 = arith.addf %get3A_594, %get3A_598 : vector<16xf32>
      %swap3A_600 = arith.index_cast %select_n3A_572 : i32 to index
      %swap3A_601 = arith.index_cast %mul3A_590 : i32 to index
      %swap3A_602 = tpu.vector_load %arg9[%swap3A_600, %swap3A_601] {strides = array<i32>} : memref<32x1024xf32, #tpu.memory_space<vmem>>, vector<1x16xf32>,
      %swap3A_603 = vector.shape_cast %swap3A_602 : vector<1x16xf32> to vector<16xf32>
      %swap3A_604 = vector.shape_cast %add3A_599 : vector<16xf32> to vector<1x16xf32>
      tpu.vector_store %arg9[%swap3A_600, %swap3A_601], %swap3A_604 {strides = array<i32>} : memref<32x1024xf32, #tpu.memory_space<vmem>>, vector<1x16xf32>,
      %scan3A_605 = arith.constant 0 : i32
      %scan3A_606 = arith.constant 5 : i32
      %scan3A_607 = arith.addi %scan3A_313, %scan3A_606 : i32
      %jit3A_608 = arith.constant 64 : i32
      %div3A_609 = arith.divsi %scan3A_607, %jit3A_608 : i32
      %sign3A_610 = arith.constant 0 : i32
      %sign3A_611 = arith.cmpi sgt, %scan3A_607, %sign3A_610 : i32
      %sign3A_612 = arith.extui %sign3A_611 : i1 to i32
      %sign3A_613 = arith.constant 0 : i32
      %sign3A_614 = arith.cmpi slt, %scan3A_607, %sign3A_613 : i32
      %sign3A_615 = arith.extui %sign3A_614 : i1 to i32
      %sign3A_616 = arith.subi %sign3A_612, %sign3A_615 : i32
      %sign3A_617 = arith.constant 0 : i32
      %sign3A_618 = arith.cmpi sgt, %jit3A_608, %sign3A_617 : i32
      %sign3A_619 = arith.extui %sign3A_618 : i1 to i32
      %sign3A_620 = arith.constant 0 : i32
      %sign3A_621 = arith.cmpi slt, %jit3A_608, %sign3A_620 : i32
      %sign3A_622 = arith.extui %sign3A_621 : i1 to i32
      %sign3A_623 = arith.subi %sign3A_619, %sign3A_622 : i32
      %ne3A_624 = arith.cmpi ne, %sign3A_616, %sign3A_623 : i32
      %rem3A_625 = arith.remsi %scan3A_607, %jit3A_608 : i32
      %ne3A_626 = arith.constant 0 : i32
      %ne3A_627 = arith.cmpi ne, %rem3A_625, %ne3A_626 : i32
      %and3A_628 = arith.andi %ne3A_624, %ne3A_627 : i1
      %sub3A_629 = arith.constant 1 : i32
      %sub3A_630 = arith.subi %div3A_609, %sub3A_629 : i32
      %select_n3A_631 = arith.select %and3A_628, %sub3A_630, %div3A_609 : i32
      %jit3A_632 = arith.constant 64 : i32
      %eq3A_633 = arith.constant 0 : i32
      %eq3A_634 = arith.cmpi eq, %jit3A_632, %eq3A_633 : i32
      %jit3A_635 = arith.constant 1 : i32
      %select_n3A_636 = arith.select %eq3A_634, %jit3A_635, %jit3A_632 : i32
      %rem3A_637 = arith.remsi %scan3A_607, %select_n3A_636 : i32
      %ne3A_638 = arith.constant 0 : i32
      %ne3A_639 = arith.cmpi ne, %rem3A_637, %ne3A_638 : i32
      %lt3A_640 = arith.constant 0 : i32
      %lt3A_641 = arith.cmpi slt, %rem3A_637, %lt3A_640 : i32
      %lt3A_642 = arith.constant 0 : i32
      %lt3A_643 = arith.cmpi slt, %select_n3A_636, %lt3A_642 : i32
      %ne3A_644 = arith.xori %lt3A_641, %lt3A_643 : i1
      %and3A_645 = arith.andi %ne3A_644, %ne3A_639 : i1
      %add3A_646 = arith.addi %rem3A_637, %select_n3A_636 : i32
      %select_n3A_647 = arith.select %and3A_645, %add3A_646, %rem3A_637 : i32
      %mul3A_648 = arith.constant 16 : i32
      %mul3A_649 = arith.muli %select_n3A_647, %mul3A_648 : i32
      %get3A_650 = arith.index_cast %select_n3A_631 : i32 to index
      %get3A_651 = arith.index_cast %mul3A_649 : i32 to index
      %get3A_652 = tpu.vector_load %arg7[%get3A_650, %get3A_651] {strides = array<i32>} : memref<32x1024xf32, #tpu.memory_space<vmem>>, vector<1x16xf32>,
      %get3A_653 = vector.shape_cast %get3A_652 : vector<1x16xf32> to vector<16xf32>
      %get3A_654 = arith.index_cast %select_n3A_631 : i32 to index
      %get3A_655 = arith.index_cast %mul3A_649 : i32 to index
      %get3A_656 = tpu.vector_load %arg8[%get3A_654, %get3A_655] {strides = array<i32>} : memref<32x1024xf32, #tpu.memory_space<vmem>>, vector<1x16xf32>,
      %get3A_657 = vector.shape_cast %get3A_656 : vector<1x16xf32> to vector<16xf32>
      %add3A_658 = arith.addf %get3A_653, %get3A_657 : vector<16xf32>
      %swap3A_659 = arith.index_cast %select_n3A_631 : i32 to index
      %swap3A_660 = arith.index_cast %mul3A_649 : i32 to index
      %swap3A_661 = tpu.vector_load %arg9[%swap3A_659, %swap3A_660] {strides = array<i32>} : memref<32x1024xf32, #tpu.memory_space<vmem>>, vector<1x16xf32>,
      %swap3A_662 = vector.shape_cast %swap3A_661 : vector<1x16xf32> to vector<16xf32>
      %swap3A_663 = vector.shape_cast %add3A_658 : vector<16xf32> to vector<1x16xf32>
      tpu.vector_store %arg9[%swap3A_659, %swap3A_660], %swap3A_663 {strides = array<i32>} : memref<32x1024xf32, #tpu.memory_space<vmem>>, vector<1x16xf32>,
      %scan3A_664 = arith.constant 0 : i32
      %scan3A_665 = arith.constant 6 : i32
      %scan3A_666 = arith.addi %scan3A_313, %scan3A_665 : i32
      %jit3A_667 = arith.constant 64 : i32
      %div3A_668 = arith.divsi %scan3A_666, %jit3A_667 : i32
      %sign3A_669 = arith.constant 0 : i32
      %sign3A_670 = arith.cmpi sgt, %scan3A_666, %sign3A_669 : i32
      %sign3A_671 = arith.extui %sign3A_670 : i1 to i32
      %sign3A_672 = arith.constant 0 : i32
      %sign3A_673 = arith.cmpi slt, %scan3A_666, %sign3A_672 : i32
      %sign3A_674 = arith.extui %sign3A_673 : i1 to i32
      %sign3A_675 = arith.subi %sign3A_671, %sign3A_674 : i32
      %sign3A_676 = arith.constant 0 : i32
      %sign3A_677 = arith.cmpi sgt, %jit3A_667, %sign3A_676 : i32
      %sign3A_678 = arith.extui %sign3A_677 : i1 to i32
      %sign3A_679 = arith.constant 0 : i32
      %sign3A_680 = arith.cmpi slt, %jit3A_667, %sign3A_679 : i32
      %sign3A_681 = arith.extui %sign3A_680 : i1 to i32
      %sign3A_682 = arith.subi %sign3A_678, %sign3A_681 : i32
      %ne3A_683 = arith.cmpi ne, %sign3A_675, %sign3A_682 : i32
      %rem3A_684 = arith.remsi %scan3A_666, %jit3A_667 : i32
      %ne3A_685 = arith.constant 0 : i32
      %ne3A_686 = arith.cmpi ne, %rem3A_684, %ne3A_685 : i32
      %and3A_687 = arith.andi %ne3A_683, %ne3A_686 : i1
      %sub3A_688 = arith.constant 1 : i32
      %sub3A_689 = arith.subi %div3A_668, %sub3A_688 : i32
      %select_n3A_690 = arith.select %and3A_687, %sub3A_689, %div3A_668 : i32
      %jit3A_691 = arith.constant 64 : i32
      %eq3A_692 = arith.constant 0 : i32
      %eq3A_693 = arith.cmpi eq, %jit3A_691, %eq3A_692 : i32
      %jit3A_694 = arith.constant 1 : i32
      %select_n3A_695 = arith.select %eq3A_693, %jit3A_694, %jit3A_691 : i32
      %rem3A_696 = arith.remsi %scan3A_666, %select_n3A_695 : i32
      %ne3A_697 = arith.constant 0 : i32
      %ne3A_698 = arith.cmpi ne, %rem3A_696, %ne3A_697 : i32
      %lt3A_699 = arith.constant 0 : i32
      %lt3A_700 = arith.cmpi slt, %rem3A_696, %lt3A_699 : i32
      %lt3A_701 = arith.constant 0 : i32
      %lt3A_702 = arith.cmpi slt, %select_n3A_695, %lt3A_701 : i32
      %ne3A_703 = arith.xori %lt3A_700, %lt3A_702 : i1
      %and3A_704 = arith.andi %ne3A_703, %ne3A_698 : i1
      %add3A_705 = arith.addi %rem3A_696, %select_n3A_695 : i32
      %select_n3A_706 = arith.select %and3A_704, %add3A_705, %rem3A_696 : i32
      %mul3A_707 = arith.constant 16 : i32
      %mul3A_708 = arith.muli %select_n3A_706, %mul3A_707 : i32
      %get3A_709 = arith.index_cast %select_n3A_690 : i32 to index
      %get3A_710 = arith.index_cast %mul3A_708 : i32 to index
      %get3A_711 = tpu.vector_load %arg7[%get3A_709, %get3A_710] {strides = array<i32>} : memref<32x1024xf32, #tpu.memory_space<vmem>>, vector<1x16xf32>,
      %get3A_712 = vector.shape_cast %get3A_711 : vector<1x16xf32> to vector<16xf32>
      %get3A_713 = arith.index_cast %select_n3A_690 : i32 to index
      %get3A_714 = arith.index_cast %mul3A_708 : i32 to index
      %get3A_715 = tpu.vector_load %arg8[%get3A_713, %get3A_714] {strides = array<i32>} : memref<32x1024xf32, #tpu.memory_space<vmem>>, vector<1x16xf32>,
      %get3A_716 = vector.shape_cast %get3A_715 : vector<1x16xf32> to vector<16xf32>
      %add3A_717 = arith.addf %get3A_712, %get3A_716 : vector<16xf32>
      %swap3A_718 = arith.index_cast %select_n3A_690 : i32 to index
      %swap3A_719 = arith.index_cast %mul3A_708 : i32 to index
      %swap3A_720 = tpu.vector_load %arg9[%swap3A_718, %swap3A_719] {strides = array<i32>} : memref<32x1024xf32, #tpu.memory_space<vmem>>, vector<1x16xf32>,
      %swap3A_721 = vector.shape_cast %swap3A_720 : vector<1x16xf32> to vector<16xf32>
      %swap3A_722 = vector.shape_cast %add3A_717 : vector<16xf32> to vector<1x16xf32>
      tpu.vector_store %arg9[%swap3A_718, %swap3A_719], %swap3A_722 {strides = array<i32>} : memref<32x1024xf32, #tpu.memory_space<vmem>>, vector<1x16xf32>,
      %scan3A_723 = arith.constant 0 : i32
      %scan3A_724 = arith.constant 7 : i32
      %scan3A_725 = arith.addi %scan3A_313, %scan3A_724 : i32
      %jit3A_726 = arith.constant 64 : i32
      %div3A_727 = arith.divsi %scan3A_725, %jit3A_726 : i32
      %sign3A_728 = arith.constant 0 : i32
      %sign3A_729 = arith.cmpi sgt, %scan3A_725, %sign3A_728 : i32
      %sign3A_730 = arith.extui %sign3A_729 : i1 to i32
      %sign3A_731 = arith.constant 0 : i32
      %sign3A_732 = arith.cmpi slt, %scan3A_725, %sign3A_731 : i32
      %sign3A_733 = arith.extui %sign3A_732 : i1 to i32
      %sign3A_734 = arith.subi %sign3A_730, %sign3A_733 : i32
      %sign3A_735 = arith.constant 0 : i32
      %sign3A_736 = arith.cmpi sgt, %jit3A_726, %sign3A_735 : i32
      %sign3A_737 = arith.extui %sign3A_736 : i1 to i32
      %sign3A_738 = arith.constant 0 : i32
      %sign3A_739 = arith.cmpi slt, %jit3A_726, %sign3A_738 : i32
      %sign3A_740 = arith.extui %sign3A_739 : i1 to i32
      %sign3A_741 = arith.subi %sign3A_737, %sign3A_740 : i32
      %ne3A_742 = arith.cmpi ne, %sign3A_734, %sign3A_741 : i32
      %rem3A_743 = arith.remsi %scan3A_725, %jit3A_726 : i32
      %ne3A_744 = arith.constant 0 : i32
      %ne3A_745 = arith.cmpi ne, %rem3A_743, %ne3A_744 : i32
      %and3A_746 = arith.andi %ne3A_742, %ne3A_745 : i1
      %sub3A_747 = arith.constant 1 : i32
      %sub3A_748 = arith.subi %div3A_727, %sub3A_747 : i32
      %select_n3A_749 = arith.select %and3A_746, %sub3A_748, %div3A_727 : i32
      %jit3A_750 = arith.constant 64 : i32
      %eq3A_751 = arith.constant 0 : i32
      %eq3A_752 = arith.cmpi eq, %jit3A_750, %eq3A_751 : i32
      %jit3A_753 = arith.constant 1 : i32
      %select_n3A_754 = arith.select %eq3A_752, %jit3A_753, %jit3A_750 : i32
      %rem3A_755 = arith.remsi %scan3A_725, %select_n3A_754 : i32
      %ne3A_756 = arith.constant 0 : i32
      %ne3A_757 = arith.cmpi ne, %rem3A_755, %ne3A_756 : i32
      %lt3A_758 = arith.constant 0 : i32
      %lt3A_759 = arith.cmpi slt, %rem3A_755, %lt3A_758 : i32
      %lt3A_760 = arith.constant 0 : i32
      %lt3A_761 = arith.cmpi slt, %select_n3A_754, %lt3A_760 : i32
      %ne3A_762 = arith.xori %lt3A_759, %lt3A_761 : i1
      %and3A_763 = arith.andi %ne3A_762, %ne3A_757 : i1
      %add3A_764 = arith.addi %rem3A_755, %select_n3A_754 : i32
      %select_n3A_765 = arith.select %and3A_763, %add3A_764, %rem3A_755 : i32
      %mul3A_766 = arith.constant 16 : i32
      %mul3A_767 = arith.muli %select_n3A_765, %mul3A_766 : i32
      %get3A_768 = arith.index_cast %select_n3A_749 : i32 to index
      %get3A_769 = arith.index_cast %mul3A_767 : i32 to index
      %get3A_770 = tpu.vector_load %arg7[%get3A_768, %get3A_769] {strides = array<i32>} : memref<32x1024xf32, #tpu.memory_space<vmem>>, vector<1x16xf32>,
      %get3A_771 = vector.shape_cast %get3A_770 : vector<1x16xf32> to vector<16xf32>
      %get3A_772 = arith.index_cast %select_n3A_749 : i32 to index
      %get3A_773 = arith.index_cast %mul3A_767 : i32 to index
      %get3A_774 = tpu.vector_load %arg8[%get3A_772, %get3A_773] {strides = array<i32>} : memref<32x1024xf32, #tpu.memory_space<vmem>>, vector<1x16xf32>,
      %get3A_775 = vector.shape_cast %get3A_774 : vector<1x16xf32> to vector<16xf32>
      %add3A_776 = arith.addf %get3A_771, %get3A_775 : vector<16xf32>
      %swap3A_777 = arith.index_cast %select_n3A_749 : i32 to index
      %swap3A_778 = arith.index_cast %mul3A_767 : i32 to index
      %swap3A_779 = tpu.vector_load %arg9[%swap3A_777, %swap3A_778] {strides = array<i32>} : memref<32x1024xf32, #tpu.memory_space<vmem>>, vector<1x16xf32>,
      %swap3A_780 = vector.shape_cast %swap3A_779 : vector<1x16xf32> to vector<16xf32>
      %swap3A_781 = vector.shape_cast %add3A_776 : vector<16xf32> to vector<1x16xf32>
      tpu.vector_store %arg9[%swap3A_777, %swap3A_778], %swap3A_781 {strides = array<i32>} : memref<32x1024xf32, #tpu.memory_space<vmem>>, vector<1x16xf32>,
      %scan3A_782 = arith.constant 0 : i32
      scf.yield %scan3A_782 : i32
    }
    %scan3A_312 = arith.constant 2048 : i32
    "tpu.region"() ({
      %run_scoped3A_313 = tpu.sem_alloc : memref<!tpu.dma_semaphore, #tpu.memory_space<semaphore_mem>>
      %dma_start3A_314 = arith.constant 0 : i32
      %dma_start3A_315 = tpu.memref_slice %arg4[%add3A_239, %dma_start3A_314] : memref<4096x1024xf32, #tpu.memory_space<hbm>> -> memref<32x1024xf32, #tpu.memory_space<hbm>>
      %dma_start3A_316 = arith.constant 0 : i32
      %dma_start3A_317 = tpu.memref_slice %arg4[%add3A_239, %dma_start3A_316] : memref<4096x1024xf32, #tpu.memory_space<hbm>> -> memref<32x1024xf32, #tpu.memory_space<hbm>>
      tpu.enqueue_dma source(%arg9 : memref<32x1024xf32, #tpu.memory_space<vmem>>) target(%dma_start3A_317 : memref<32x1024xf32, #tpu.memory_space<hbm>>) target_semaphore(%run_scoped3A_313 : memref<!tpu.dma_semaphore, #tpu.memory_space<semaphore_mem>>)
      %dma_wait3A_318 = arith.constant 0 : i32
      %dma_wait3A_319 = tpu.memref_slice %arg4[%add3A_239, %dma_wait3A_318] : memref<4096x1024xf32, #tpu.memory_space<hbm>> -> memref<32x1024xf32, #tpu.memory_space<hbm>>
      %dma_wait3A_320 = arith.constant 0 : i32
      %dma_wait3A_321 = tpu.memref_slice %arg4[%add3A_239, %dma_wait3A_320] : memref<4096x1024xf32, #tpu.memory_space<hbm>> -> memref<32x1024xf32, #tpu.memory_space<hbm>>
      tpu.wait_dma2 semaphore(%run_scoped3A_313 : memref<!tpu.dma_semaphore, #tpu.memory_space<semaphore_mem>>) src(%arg9 : memref<32x1024xf32, #tpu.memory_space<vmem>>) dst(%dma_wait3A_321 : memref<32x1024xf32, #tpu.memory_space<hbm>>)
      tpu.yield
    }) : () -> ()
    return
  }
}

module attributes {stable_mosaic.version = 14 : i64} {
  func.func @_ids_body(%arg0: i32, %arg1: memref<1024x1024xf32, #tpu.memory_space<vmem>>, %arg2: memref<2x512x1024xf32, #tpu.memory_space<vmem>>, %arg3: memref<2x512x1024xf32, #tpu.memory_space<vmem>>, %arg4: memref<2x512x1024xf32, #tpu.memory_space<vmem>>, %arg5: memref<1x1x6144xi32, #tpu.memory_space<vmem>>) attributes {dimension_semantics = [#tpu.dimension_semantics<arbitrary>], iteration_bounds = array<i64: 4>, scalar_prefetch = 0 : i64, scratch_operands = 0 : i64, tpu.core_type = #tpu.core_type<tc>, window_params = [{transform_indices = @transform_0, window_bounds = array<i64: 1024, 1024>}, {pipeline_mode = #tpu.pipeline_mode<synchronous>, transform_indices = @transform_1, window_bounds = array<i64: 2, 512, 1024>}, {pipeline_mode = #tpu.pipeline_mode<synchronous>, transform_indices = @transform_2, window_bounds = array<i64: 2, 512, 1024>}, {pipeline_mode = #tpu.pipeline_mode<synchronous>, transform_indices = @transform_3, window_bounds = array<i64: 2, 512, 1024>}, {transform_indices = @transform_4, window_bounds = array<i64: 1, 1, 6144>}]} {
    %get3A = arith.constant 0 : index
    %get3A_0 = arith.constant 0 : index
    %get3A_1 = vector.load %arg1[%get3A, %get3A_0] : memref<1024x1024xf32, #tpu.memory_space<vmem>>, vector<1024x1024xf32>
    %get3A_2 = arith.constant 0 : index
    %get3A_3 = arith.constant 0 : index
    %get3A_4 = arith.constant 0 : index
    %get3A_5 = vector.load %arg2[%get3A_2, %get3A_3, %get3A_4] : memref<2x512x1024xf32, #tpu.memory_space<vmem>>, vector<1x512x1024xf32>
    %get3A_6 = vector.shape_cast %get3A_5 : vector<1x512x1024xf32> to vector<512x1024xf32>
    %dot_general3A = arith.constant dense<0.000000e+00> : vector<1024x512xf32>
    %dot_general3A_7 = tpu.matmul %get3A_1, %get3A_6, %dot_general3A {dimension_numbers = #tpu.dot_dimension_numbers<[1], [1], [0], [0], [0, 0, 1, 0], [], []>, transpose_lhs_hint = false} : vector<1024x1024xf32>, vector<512x1024xf32>, vector<1024x512xf32> -> vector<1024x512xf32>
    %reduce_max3A = arith.constant dense<0xFF800000> : vector<1024xf32>
    %reduce_max3A_8 = vector.multi_reduction <maximumf>, %dot_general3A_7, %reduce_max3A [1] : vector<1024x512xf32> to vector<1024xf32>
    %broadcast_in_dim3A = vector.shape_cast %reduce_max3A_8 : vector<1024xf32> to vector<1024x1xf32>
    %iota3A = tpu.iota {dimensions = array<i32: 1>} : vector<1024x512xi32>
    %eq3A = vector.broadcast %broadcast_in_dim3A : vector<1024x1xf32> to vector<1024x512xf32>
    %eq3A_9 = arith.cmpf oeq, %dot_general3A_7, %eq3A : vector<1024x512xf32>
    %jit3A = arith.constant 512 : i32
    %broadcast_in_dim3A_10 = vector.broadcast %jit3A : i32 to vector<1024x512xi32>
    %select_n3A = arith.select %eq3A_9, %iota3A, %broadcast_in_dim3A_10 : vector<1024x512xi1>, vector<1024x512xi32>
    %reduce_min3A = arith.constant dense<2147483647> : vector<1024xi32>
    %reduce_min3A_11 = vector.multi_reduction <minsi>, %select_n3A, %reduce_min3A [1] : vector<1024x512xi32> to vector<1024xi32>
    %swap3A = arith.constant 0 : index
    %swap3A_12 = arith.constant 0 : index
    %swap3A_13 = arith.constant 0 : index
    %swap3A_14 = vector.load %arg5[%swap3A, %swap3A_12, %swap3A_13] : memref<1x1x6144xi32, #tpu.memory_space<vmem>>, vector<1x1x1024xi32>
    %swap3A_15 = vector.shape_cast %swap3A_14 : vector<1x1x1024xi32> to vector<1024xi32>
    %swap3A_16 = vector.shape_cast %reduce_min3A_11 : vector<1024xi32> to vector<1x1x1024xi32>
    tpu.vector_store %arg5[%swap3A, %swap3A_12, %swap3A_13], %swap3A_16 {strides = array<i32>} : memref<1x1x6144xi32, #tpu.memory_space<vmem>>, vector<1x1x1024xi32>,
    %get3A_17 = arith.constant 1 : index
    %get3A_18 = arith.constant 0 : index
    %get3A_19 = arith.constant 0 : index
    %get3A_20 = vector.load %arg2[%get3A_17, %get3A_18, %get3A_19] : memref<2x512x1024xf32, #tpu.memory_space<vmem>>, vector<1x512x1024xf32>
    %get3A_21 = vector.shape_cast %get3A_20 : vector<1x512x1024xf32> to vector<512x1024xf32>
    %dot_general3A_22 = arith.constant dense<0.000000e+00> : vector<1024x512xf32>
    %dot_general3A_23 = tpu.matmul %get3A_1, %get3A_21, %dot_general3A_22 {dimension_numbers = #tpu.dot_dimension_numbers<[1], [1], [0], [0], [0, 0, 1, 0], [], []>, transpose_lhs_hint = false} : vector<1024x1024xf32>, vector<512x1024xf32>, vector<1024x512xf32> -> vector<1024x512xf32>
    %reduce_max3A_24 = arith.constant dense<0xFF800000> : vector<1024xf32>
    %reduce_max3A_25 = vector.multi_reduction <maximumf>, %dot_general3A_23, %reduce_max3A_24 [1] : vector<1024x512xf32> to vector<1024xf32>
    %broadcast_in_dim3A_26 = vector.shape_cast %reduce_max3A_25 : vector<1024xf32> to vector<1024x1xf32>
    %iota3A_27 = tpu.iota {dimensions = array<i32: 1>} : vector<1024x512xi32>
    %eq3A_28 = vector.broadcast %broadcast_in_dim3A_26 : vector<1024x1xf32> to vector<1024x512xf32>
    %eq3A_29 = arith.cmpf oeq, %dot_general3A_23, %eq3A_28 : vector<1024x512xf32>
    %jit3A_30 = arith.constant 512 : i32
    %broadcast_in_dim3A_31 = vector.broadcast %jit3A_30 : i32 to vector<1024x512xi32>
    %select_n3A_32 = arith.select %eq3A_29, %iota3A_27, %broadcast_in_dim3A_31 : vector<1024x512xi1>, vector<1024x512xi32>
    %reduce_min3A_33 = arith.constant dense<2147483647> : vector<1024xi32>
    %reduce_min3A_34 = vector.multi_reduction <minsi>, %select_n3A_32, %reduce_min3A_33 [1] : vector<1024x512xi32> to vector<1024xi32>
    %swap3A_35 = arith.constant 0 : index
    %swap3A_36 = arith.constant 0 : index
    %swap3A_37 = arith.constant 1024 : index
    %swap3A_38 = vector.load %arg5[%swap3A_35, %swap3A_36, %swap3A_37] : memref<1x1x6144xi32, #tpu.memory_space<vmem>>, vector<1x1x1024xi32>
    %swap3A_39 = vector.shape_cast %swap3A_38 : vector<1x1x1024xi32> to vector<1024xi32>
    %swap3A_40 = vector.shape_cast %reduce_min3A_34 : vector<1024xi32> to vector<1x1x1024xi32>
    tpu.vector_store %arg5[%swap3A_35, %swap3A_36, %swap3A_37], %swap3A_40 {strides = array<i32>} : memref<1x1x6144xi32, #tpu.memory_space<vmem>>, vector<1x1x1024xi32>,
    %get3A_41 = arith.constant 0 : index
    %get3A_42 = arith.constant 0 : index
    %get3A_43 = arith.constant 0 : index
    %get3A_44 = vector.load %arg3[%get3A_41, %get3A_42, %get3A_43] : memref<2x512x1024xf32, #tpu.memory_space<vmem>>, vector<1x512x1024xf32>
    %get3A_45 = vector.shape_cast %get3A_44 : vector<1x512x1024xf32> to vector<512x1024xf32>
    %dot_general3A_46 = arith.constant dense<0.000000e+00> : vector<1024x512xf32>
    %dot_general3A_47 = tpu.matmul %get3A_1, %get3A_45, %dot_general3A_46 {dimension_numbers = #tpu.dot_dimension_numbers<[1], [1], [0], [0], [0, 0, 1, 0], [], []>, transpose_lhs_hint = false} : vector<1024x1024xf32>, vector<512x1024xf32>, vector<1024x512xf32> -> vector<1024x512xf32>
    %reduce_max3A_48 = arith.constant dense<0xFF800000> : vector<1024xf32>
    %reduce_max3A_49 = vector.multi_reduction <maximumf>, %dot_general3A_47, %reduce_max3A_48 [1] : vector<1024x512xf32> to vector<1024xf32>
    %broadcast_in_dim3A_50 = vector.shape_cast %reduce_max3A_49 : vector<1024xf32> to vector<1024x1xf32>
    %iota3A_51 = tpu.iota {dimensions = array<i32: 1>} : vector<1024x512xi32>
    %eq3A_52 = vector.broadcast %broadcast_in_dim3A_50 : vector<1024x1xf32> to vector<1024x512xf32>
    %eq3A_53 = arith.cmpf oeq, %dot_general3A_47, %eq3A_52 : vector<1024x512xf32>
    %jit3A_54 = arith.constant 512 : i32
    %broadcast_in_dim3A_55 = vector.broadcast %jit3A_54 : i32 to vector<1024x512xi32>
    %select_n3A_56 = arith.select %eq3A_53, %iota3A_51, %broadcast_in_dim3A_55 : vector<1024x512xi1>, vector<1024x512xi32>
    %reduce_min3A_57 = arith.constant dense<2147483647> : vector<1024xi32>
    %reduce_min3A_58 = vector.multi_reduction <minsi>, %select_n3A_56, %reduce_min3A_57 [1] : vector<1024x512xi32> to vector<1024xi32>
    %swap3A_59 = arith.constant 0 : index
    %swap3A_60 = arith.constant 0 : index
    %swap3A_61 = arith.constant 2048 : index
    %swap3A_62 = vector.load %arg5[%swap3A_59, %swap3A_60, %swap3A_61] : memref<1x1x6144xi32, #tpu.memory_space<vmem>>, vector<1x1x1024xi32>
    %swap3A_63 = vector.shape_cast %swap3A_62 : vector<1x1x1024xi32> to vector<1024xi32>
    %swap3A_64 = vector.shape_cast %reduce_min3A_58 : vector<1024xi32> to vector<1x1x1024xi32>
    tpu.vector_store %arg5[%swap3A_59, %swap3A_60, %swap3A_61], %swap3A_64 {strides = array<i32>} : memref<1x1x6144xi32, #tpu.memory_space<vmem>>, vector<1x1x1024xi32>,
    %get3A_65 = arith.constant 1 : index
    %get3A_66 = arith.constant 0 : index
    %get3A_67 = arith.constant 0 : index
    %get3A_68 = vector.load %arg3[%get3A_65, %get3A_66, %get3A_67] : memref<2x512x1024xf32, #tpu.memory_space<vmem>>, vector<1x512x1024xf32>
    %get3A_69 = vector.shape_cast %get3A_68 : vector<1x512x1024xf32> to vector<512x1024xf32>
    %dot_general3A_70 = arith.constant dense<0.000000e+00> : vector<1024x512xf32>
    %dot_general3A_71 = tpu.matmul %get3A_1, %get3A_69, %dot_general3A_70 {dimension_numbers = #tpu.dot_dimension_numbers<[1], [1], [0], [0], [0, 0, 1, 0], [], []>, transpose_lhs_hint = false} : vector<1024x1024xf32>, vector<512x1024xf32>, vector<1024x512xf32> -> vector<1024x512xf32>
    %reduce_max3A_72 = arith.constant dense<0xFF800000> : vector<1024xf32>
    %reduce_max3A_73 = vector.multi_reduction <maximumf>, %dot_general3A_71, %reduce_max3A_72 [1] : vector<1024x512xf32> to vector<1024xf32>
    %broadcast_in_dim3A_74 = vector.shape_cast %reduce_max3A_73 : vector<1024xf32> to vector<1024x1xf32>
    %iota3A_75 = tpu.iota {dimensions = array<i32: 1>} : vector<1024x512xi32>
    %eq3A_76 = vector.broadcast %broadcast_in_dim3A_74 : vector<1024x1xf32> to vector<1024x512xf32>
    %eq3A_77 = arith.cmpf oeq, %dot_general3A_71, %eq3A_76 : vector<1024x512xf32>
    %jit3A_78 = arith.constant 512 : i32
    %broadcast_in_dim3A_79 = vector.broadcast %jit3A_78 : i32 to vector<1024x512xi32>
    %select_n3A_80 = arith.select %eq3A_77, %iota3A_75, %broadcast_in_dim3A_79 : vector<1024x512xi1>, vector<1024x512xi32>
    %reduce_min3A_81 = arith.constant dense<2147483647> : vector<1024xi32>
    %reduce_min3A_82 = vector.multi_reduction <minsi>, %select_n3A_80, %reduce_min3A_81 [1] : vector<1024x512xi32> to vector<1024xi32>
    %swap3A_83 = arith.constant 0 : index
    %swap3A_84 = arith.constant 0 : index
    %swap3A_85 = arith.constant 3072 : index
    %swap3A_86 = vector.load %arg5[%swap3A_83, %swap3A_84, %swap3A_85] : memref<1x1x6144xi32, #tpu.memory_space<vmem>>, vector<1x1x1024xi32>
    %swap3A_87 = vector.shape_cast %swap3A_86 : vector<1x1x1024xi32> to vector<1024xi32>
    %swap3A_88 = vector.shape_cast %reduce_min3A_82 : vector<1024xi32> to vector<1x1x1024xi32>
    tpu.vector_store %arg5[%swap3A_83, %swap3A_84, %swap3A_85], %swap3A_88 {strides = array<i32>} : memref<1x1x6144xi32, #tpu.memory_space<vmem>>, vector<1x1x1024xi32>,
    %get3A_89 = arith.constant 0 : index
    %get3A_90 = arith.constant 0 : index
    %get3A_91 = arith.constant 0 : index
    %get3A_92 = vector.load %arg4[%get3A_89, %get3A_90, %get3A_91] : memref<2x512x1024xf32, #tpu.memory_space<vmem>>, vector<1x512x1024xf32>
    %get3A_93 = vector.shape_cast %get3A_92 : vector<1x512x1024xf32> to vector<512x1024xf32>
    %dot_general3A_94 = arith.constant dense<0.000000e+00> : vector<1024x512xf32>
    %dot_general3A_95 = tpu.matmul %get3A_1, %get3A_93, %dot_general3A_94 {dimension_numbers = #tpu.dot_dimension_numbers<[1], [1], [0], [0], [0, 0, 1, 0], [], []>, transpose_lhs_hint = false} : vector<1024x1024xf32>, vector<512x1024xf32>, vector<1024x512xf32> -> vector<1024x512xf32>
    %reduce_max3A_96 = arith.constant dense<0xFF800000> : vector<1024xf32>
    %reduce_max3A_97 = vector.multi_reduction <maximumf>, %dot_general3A_95, %reduce_max3A_96 [1] : vector<1024x512xf32> to vector<1024xf32>
    %broadcast_in_dim3A_98 = vector.shape_cast %reduce_max3A_97 : vector<1024xf32> to vector<1024x1xf32>
    %iota3A_99 = tpu.iota {dimensions = array<i32: 1>} : vector<1024x512xi32>
    %eq3A_100 = vector.broadcast %broadcast_in_dim3A_98 : vector<1024x1xf32> to vector<1024x512xf32>
    %eq3A_101 = arith.cmpf oeq, %dot_general3A_95, %eq3A_100 : vector<1024x512xf32>
    %jit3A_102 = arith.constant 512 : i32
    %broadcast_in_dim3A_103 = vector.broadcast %jit3A_102 : i32 to vector<1024x512xi32>
    %select_n3A_104 = arith.select %eq3A_101, %iota3A_99, %broadcast_in_dim3A_103 : vector<1024x512xi1>, vector<1024x512xi32>
    %reduce_min3A_105 = arith.constant dense<2147483647> : vector<1024xi32>
    %reduce_min3A_106 = vector.multi_reduction <minsi>, %select_n3A_104, %reduce_min3A_105 [1] : vector<1024x512xi32> to vector<1024xi32>
    %swap3A_107 = arith.constant 0 : index
    %swap3A_108 = arith.constant 0 : index
    %swap3A_109 = arith.constant 4096 : index
    %swap3A_110 = vector.load %arg5[%swap3A_107, %swap3A_108, %swap3A_109] : memref<1x1x6144xi32, #tpu.memory_space<vmem>>, vector<1x1x1024xi32>
    %swap3A_111 = vector.shape_cast %swap3A_110 : vector<1x1x1024xi32> to vector<1024xi32>
    %swap3A_112 = vector.shape_cast %reduce_min3A_106 : vector<1024xi32> to vector<1x1x1024xi32>
    tpu.vector_store %arg5[%swap3A_107, %swap3A_108, %swap3A_109], %swap3A_112 {strides = array<i32>} : memref<1x1x6144xi32, #tpu.memory_space<vmem>>, vector<1x1x1024xi32>,
    %get3A_113 = arith.constant 1 : index
    %get3A_114 = arith.constant 0 : index
    %get3A_115 = arith.constant 0 : index
    %get3A_116 = vector.load %arg4[%get3A_113, %get3A_114, %get3A_115] : memref<2x512x1024xf32, #tpu.memory_space<vmem>>, vector<1x512x1024xf32>
    %get3A_117 = vector.shape_cast %get3A_116 : vector<1x512x1024xf32> to vector<512x1024xf32>
    %dot_general3A_118 = arith.constant dense<0.000000e+00> : vector<1024x512xf32>
    %dot_general3A_119 = tpu.matmul %get3A_1, %get3A_117, %dot_general3A_118 {dimension_numbers = #tpu.dot_dimension_numbers<[1], [1], [0], [0], [0, 0, 1, 0], [], []>, transpose_lhs_hint = false} : vector<1024x1024xf32>, vector<512x1024xf32>, vector<1024x512xf32> -> vector<1024x512xf32>
    %reduce_max3A_120 = arith.constant dense<0xFF800000> : vector<1024xf32>
    %reduce_max3A_121 = vector.multi_reduction <maximumf>, %dot_general3A_119, %reduce_max3A_120 [1] : vector<1024x512xf32> to vector<1024xf32>
    %broadcast_in_dim3A_122 = vector.shape_cast %reduce_max3A_121 : vector<1024xf32> to vector<1024x1xf32>
    %iota3A_123 = tpu.iota {dimensions = array<i32: 1>} : vector<1024x512xi32>
    %eq3A_124 = vector.broadcast %broadcast_in_dim3A_122 : vector<1024x1xf32> to vector<1024x512xf32>
    %eq3A_125 = arith.cmpf oeq, %dot_general3A_119, %eq3A_124 : vector<1024x512xf32>
    %jit3A_126 = arith.constant 512 : i32
    %broadcast_in_dim3A_127 = vector.broadcast %jit3A_126 : i32 to vector<1024x512xi32>
    %select_n3A_128 = arith.select %eq3A_125, %iota3A_123, %broadcast_in_dim3A_127 : vector<1024x512xi1>, vector<1024x512xi32>
    %reduce_min3A_129 = arith.constant dense<2147483647> : vector<1024xi32>
    %reduce_min3A_130 = vector.multi_reduction <minsi>, %select_n3A_128, %reduce_min3A_129 [1] : vector<1024x512xi32> to vector<1024xi32>
    %swap3A_131 = arith.constant 0 : index
    %swap3A_132 = arith.constant 0 : index
    %swap3A_133 = arith.constant 5120 : index
    %swap3A_134 = vector.load %arg5[%swap3A_131, %swap3A_132, %swap3A_133] : memref<1x1x6144xi32, #tpu.memory_space<vmem>>, vector<1x1x1024xi32>
    %swap3A_135 = vector.shape_cast %swap3A_134 : vector<1x1x1024xi32> to vector<1024xi32>
    %swap3A_136 = vector.shape_cast %reduce_min3A_130 : vector<1024xi32> to vector<1x1x1024xi32>
    tpu.vector_store %arg5[%swap3A_131, %swap3A_132, %swap3A_133], %swap3A_136 {strides = array<i32>} : memref<1x1x6144xi32, #tpu.memory_space<vmem>>, vector<1x1x1024xi32>,
    return
  }
  func.func @transform_0(%arg0: i32) -> (i32, i32) {
    %c0_i32 = arith.constant 0 : i32
    %c0_i32_0 = arith.constant 0 : i32
    return %arg0, %c0_i32 : i32, i32
  }
  func.func @transform_1(%arg0: i32) -> (i32, i32, i32) {
    %c0_i32 = arith.constant 0 : i32
    %c0_i32_0 = arith.constant 0 : i32
    %c0_i32_1 = arith.constant 0 : i32
    %c0_i32_2 = arith.constant 0 : i32
    return %c0_i32, %c0_i32_0, %c0_i32_1 : i32, i32, i32
  }
  func.func @transform_2(%arg0: i32) -> (i32, i32, i32) {
    %c0_i32 = arith.constant 0 : i32
    %c0_i32_0 = arith.constant 0 : i32
    %c0_i32_1 = arith.constant 0 : i32
    %c0_i32_2 = arith.constant 0 : i32
    return %c0_i32, %c0_i32_0, %c0_i32_1 : i32, i32, i32
  }
  func.func @transform_3(%arg0: i32) -> (i32, i32, i32) {
    %c0_i32 = arith.constant 0 : i32
    %c0_i32_0 = arith.constant 0 : i32
    %c0_i32_1 = arith.constant 0 : i32
    %c0_i32_2 = arith.constant 0 : i32
    return %c0_i32, %c0_i32_0, %c0_i32_1 : i32, i32, i32
  }
  func.func @transform_4(%arg0: i32) -> (i32, i32, i32) {
    %c0_i32 = arith.constant 0 : i32
    %c0_i32_0 = arith.constant 0 : i32
    %c0_i32_1 = arith.constant 0 : i32
    return %arg0, %c0_i32, %c0_i32_0 : i32, i32, i32
  }
}

module attributes {stable_mosaic.version = 14 : i64} {
  func.func @_rosa_body(%arg0: i32, %arg1: i32, %arg2: memref<1x1x1x2048xi32, #tpu.memory_space<vmem>>, %arg3: memref<1x1x1x2048xi32, #tpu.memory_space<vmem>>, %arg4: memref<1x513x1024xf32, #tpu.memory_space<vmem>>, %arg5: memref<1x1x1xf32, #tpu.memory_space<vmem>>, %arg6: memref<1x512x1024xf32, #tpu.memory_space<vmem>>, %arg7: memref<1x2048xi32, #tpu.memory_space<vmem>>, %arg8: memref<1x2048xi32, #tpu.memory_space<vmem>>, %arg9: memref<1x2048xi32, #tpu.memory_space<vmem>>) attributes {dimension_semantics = [#tpu.dimension_semantics<parallel>, #tpu.dimension_semantics<arbitrary>], iteration_bounds = array<i64: 2, 2>, scalar_prefetch = 0 : i64, scratch_operands = 3 : i64, tpu.core_type = #tpu.core_type<tc>, window_params = [{transform_indices = @transform_0, window_bounds = array<i64: 1, 1, 1, 2048>}, {transform_indices = @transform_1, window_bounds = array<i64: 1, 1, 1, 2048>}, {transform_indices = @transform_2, window_bounds = array<i64: 1, 513, 1024>}, {transform_indices = @transform_3, window_bounds = array<i64: 1, 1, 1>}, {transform_indices = @transform_4, window_bounds = array<i64: 1, 512, 1024>}]} {
    %get3A = arith.constant 0 : index
    %get3A_0 = arith.constant 0 : index
    %get3A_1 = arith.constant 0 : index
    %get3A_2 = arith.constant 0 : index
    %get3A_3 = vector.load %arg2[%get3A, %get3A_0, %get3A_1, %get3A_2] : memref<1x1x1x2048xi32, #tpu.memory_space<vmem>>, vector<1x1x1x2048xi32>
    %get3A_4 = vector.shape_cast %get3A_3 : vector<1x1x1x2048xi32> to vector<1x2048xi32>
    %get3A_5 = arith.constant 0 : index
    %get3A_6 = arith.constant 0 : index
    %get3A_7 = arith.constant 0 : index
    %get3A_8 = arith.constant 0 : index
    %get3A_9 = vector.load %arg3[%get3A_5, %get3A_6, %get3A_7, %get3A_8] : memref<1x1x1x2048xi32, #tpu.memory_space<vmem>>, vector<1x1x1x2048xi32>
    %get3A_10 = vector.shape_cast %get3A_9 : vector<1x1x1x2048xi32> to vector<1x2048xi32>
    %iota3A = tpu.iota {dimensions = array<i32: 1>} : vector<1x2048xi32>
    %eq3A = arith.constant 0 : i32
    %eq3A_11 = vector.broadcast %eq3A : i32 to vector<1x2048xi32>
    %eq3A_12 = arith.cmpi eq, %iota3A, %eq3A_11 : vector<1x2048xi32>
    %roll3A = arith.constant 1 : i32
    %roll3A_13 = tpu.dynamic_rotate %get3A_4 by %roll3A dim 1 : vector<1x2048xi32>, i32 -> vector<1x2048xi32>
    %jit3A = arith.constant -1 : i32
    %broadcast_in_dim3A = vector.broadcast %jit3A : i32 to vector<1x2048xi32>
    %select_n3A = arith.select %eq3A_12, %broadcast_in_dim3A, %roll3A_13 : vector<1x2048xi1>, vector<1x2048xi32>
    %swap3A = arith.constant 0 : index
    %swap3A_14 = arith.constant 0 : index
    %swap3A_15 = vector.load %arg7[%swap3A, %swap3A_14] : memref<1x2048xi32, #tpu.memory_space<vmem>>, vector<1x2048xi32>
    tpu.vector_store %arg7[%swap3A, %swap3A_14], %select_n3A {strides = array<i32>} : memref<1x2048xi32, #tpu.memory_space<vmem>>, vector<1x2048xi32>,
    %broadcast_in_dim3A_16 = arith.constant 1 : i32
    %broadcast_in_dim3A_17 = vector.broadcast %broadcast_in_dim3A_16 : i32 to vector<1x2048xi32>
    %swap3A_18 = arith.constant 0 : index
    %swap3A_19 = arith.constant 0 : index
    %swap3A_20 = vector.load %arg8[%swap3A_18, %swap3A_19] : memref<1x2048xi32, #tpu.memory_space<vmem>>, vector<1x2048xi32>
    tpu.vector_store %arg8[%swap3A_18, %swap3A_19], %broadcast_in_dim3A_17 {strides = array<i32>} : memref<1x2048xi32, #tpu.memory_space<vmem>>, vector<1x2048xi32>,
    %broadcast_in_dim3A_21 = arith.constant 0 : i32
    %broadcast_in_dim3A_22 = vector.broadcast %broadcast_in_dim3A_21 : i32 to vector<1x2048xi32>
    %swap3A_23 = arith.constant 0 : index
    %swap3A_24 = arith.constant 0 : index
    %swap3A_25 = vector.load %arg9[%swap3A_23, %swap3A_24] : memref<1x2048xi32, #tpu.memory_space<vmem>>, vector<1x2048xi32>
    tpu.vector_store %arg9[%swap3A_23, %swap3A_24], %broadcast_in_dim3A_22 {strides = array<i32>} : memref<1x2048xi32, #tpu.memory_space<vmem>>, vector<1x2048xi32>,
    %while3A = arith.constant 0 : i32
    %while3A_26 = arith.constant 1 : i32
    %while3A_27:2 = scf.while (%while3A_263 = %while3A, %while3A_264 = %while3A_26) : (i32, i32) -> (i32, i32) {
      %gt3A = arith.constant 0 : i32
      %gt3A_265 = arith.cmpi sgt, %while3A_264, %gt3A : i32
      scf.condition(%gt3A_265) %while3A_263, %while3A_264 : i32, i32
    } do {
    ^bb0(%while3A_263: i32, %while3A_264: i32):
      %get3A_265 = arith.constant 0 : index
      %get3A_266 = arith.constant 0 : index
      %get3A_267 = vector.load %arg7[%get3A_265, %get3A_266] : memref<1x2048xi32, #tpu.memory_space<vmem>>, vector<1x2048xi32>
      %sub3A_268 = arith.constant 2047 : i32
      %sub3A_269 = arith.subi %sub3A_268, %while3A_263 : i32
      %eq3A_270 = vector.broadcast %sub3A_269 : i32 to vector<1x2048xi32>
      %eq3A_271 = arith.cmpi eq, %iota3A, %eq3A_270 : vector<1x2048xi32>
      %jit3A_272 = arith.constant -1 : i32
      %broadcast_in_dim3A_273 = vector.broadcast %jit3A_272 : i32 to vector<1x2048xi32>
      %select_n3A_274 = arith.select %eq3A_271, %get3A_4, %broadcast_in_dim3A_273 : vector<1x2048xi1>, vector<1x2048xi32>
      %reduce_max3A_275 = arith.constant dense<-2147483648> : vector<1xi32>
      %reduce_max3A_276 = vector.multi_reduction <maxsi>, %select_n3A_274, %reduce_max3A_275 [1] : vector<1x2048xi32> to vector<1xi32>
      %broadcast_in_dim3A_277 = vector.shape_cast %reduce_max3A_276 : vector<1xi32> to vector<1x1xi32>
      %eq3A_278 = vector.broadcast %broadcast_in_dim3A_277 : vector<1x1xi32> to vector<1x2048xi32>
      %eq3A_279 = arith.cmpi eq, %get3A_267, %eq3A_278 : vector<1x2048xi32>
      %get3A_280 = arith.constant 0 : index
      %get3A_281 = arith.constant 0 : index
      %get3A_282 = vector.load %arg8[%get3A_280, %get3A_281] : memref<1x2048xi32, #tpu.memory_space<vmem>>, vector<1x2048xi32>
      %jit3A_283 = arith.constant 0 : i32
      %broadcast_in_dim3A_284 = vector.broadcast %jit3A_283 : i32 to vector<1x2048xi32>
      %select_n3A_285 = arith.select %eq3A_279, %get3A_282, %broadcast_in_dim3A_284 : vector<1x2048xi1>, vector<1x2048xi32>
      %swap3A_286 = arith.constant 0 : index
      %swap3A_287 = arith.constant 0 : index
      %swap3A_288 = vector.load %arg8[%swap3A_286, %swap3A_287] : memref<1x2048xi32, #tpu.memory_space<vmem>>, vector<1x2048xi32>
      tpu.vector_store %arg8[%swap3A_286, %swap3A_287], %select_n3A_285 {strides = array<i32>} : memref<1x2048xi32, #tpu.memory_space<vmem>>, vector<1x2048xi32>,
      %get3A_289 = arith.constant 0 : index
      %get3A_290 = arith.constant 0 : index
      %get3A_291 = vector.load %arg9[%get3A_289, %get3A_290] : memref<1x2048xi32, #tpu.memory_space<vmem>>, vector<1x2048xi32>
      %add3A_292 = arith.addi %get3A_291, %select_n3A_285 : vector<1x2048xi32>
      %swap3A_293 = arith.constant 0 : index
      %swap3A_294 = arith.constant 0 : index
      %swap3A_295 = vector.load %arg9[%swap3A_293, %swap3A_294] : memref<1x2048xi32, #tpu.memory_space<vmem>>, vector<1x2048xi32>
      tpu.vector_store %arg9[%swap3A_293, %swap3A_294], %add3A_292 {strides = array<i32>} : memref<1x2048xi32, #tpu.memory_space<vmem>>, vector<1x2048xi32>,
      %eq3A_296 = arith.constant 0 : i32
      %eq3A_297 = vector.broadcast %eq3A_296 : i32 to vector<1x2048xi32>
      %eq3A_298 = arith.cmpi eq, %iota3A, %eq3A_297 : vector<1x2048xi32>
      %roll3A_299 = arith.constant 1 : i32
      %roll3A_300 = tpu.dynamic_rotate %get3A_267 by %roll3A_299 dim 1 : vector<1x2048xi32>, i32 -> vector<1x2048xi32>
      %jit3A_301 = arith.constant -1 : i32
      %broadcast_in_dim3A_302 = vector.broadcast %jit3A_301 : i32 to vector<1x2048xi32>
      %select_n3A_303 = arith.select %eq3A_298, %broadcast_in_dim3A_302, %roll3A_300 : vector<1x2048xi1>, vector<1x2048xi32>
      %swap3A_304 = arith.constant 0 : index
      %swap3A_305 = arith.constant 0 : index
      %swap3A_306 = vector.load %arg7[%swap3A_304, %swap3A_305] : memref<1x2048xi32, #tpu.memory_space<vmem>>, vector<1x2048xi32>
      tpu.vector_store %arg7[%swap3A_304, %swap3A_305], %select_n3A_303 {strides = array<i32>} : memref<1x2048xi32, #tpu.memory_space<vmem>>, vector<1x2048xi32>,
      %add3A_307 = arith.constant 1 : i32
      %add3A_308 = arith.addi %while3A_263, %add3A_307 : i32
      %reduce_sum3A = vector.shape_cast %select_n3A_285 : vector<1x2048xi32> to vector<1x1x2048xi32>
      %reduce_sum3A_309 = arith.constant dense<0> : vector<1xi32>
      %reduce_sum3A_310 = vector.multi_reduction <add>, %reduce_sum3A, %reduce_sum3A_309 [1, 2] : vector<1x1x2048xi32> to vector<1xi32>
      %reduce_sum3A_311 = vector.shape_cast %reduce_sum3A_310 : vector<1xi32> to vector<1x1x1xi32>
      %reduce_sum3A_312 = vector.extract %reduce_sum3A_311[0, 0, 0] : i32 from vector<1x1x1xi32>
      scf.yield %add3A_308, %reduce_sum3A_312 : i32, i32
    }
    %get3A_28 = arith.constant 0 : index
    %get3A_29 = arith.constant 0 : index
    %get3A_30 = vector.load %arg9[%get3A_28, %get3A_29] : memref<1x2048xi32, #tpu.memory_space<vmem>>, vector<1x2048xi32>
    %mul3A = arith.constant 2048 : i32
    %mul3A_31 = vector.broadcast %mul3A : i32 to vector<1x2048xi32>
    %mul3A_32 = arith.muli %get3A_30, %mul3A_31 : vector<1x2048xi32>
    %sub3A = arith.constant 2047 : i32
    %sub3A_33 = vector.broadcast %sub3A : i32 to vector<1x2048xi32>
    %sub3A_34 = arith.subi %sub3A_33, %iota3A : vector<1x2048xi32>
    %add3A = arith.addi %mul3A_32, %sub3A_34 : vector<1x2048xi32>
    %iota3A_35 = tpu.iota {dimensions = array<i32: 0>} : vector<512x1xi32>
    %eq3A_36 = vector.broadcast %get3A_4 : vector<1x2048xi32> to vector<512x2048xi32>
    %eq3A_37 = vector.broadcast %iota3A_35 : vector<512x1xi32> to vector<512x2048xi32>
    %eq3A_38 = arith.cmpi eq, %eq3A_36, %eq3A_37 : vector<512x2048xi32>
    %jit3A_39 = arith.constant -1 : i32
    %broadcast_in_dim3A_40 = vector.shape_cast %add3A : vector<1x2048xi32> to vector<1x2048xi32>
    %broadcast_in_dim3A_41 = vector.broadcast %broadcast_in_dim3A_40 : vector<1x2048xi32> to vector<512x2048xi32>
    %broadcast_in_dim3A_42 = vector.broadcast %jit3A_39 : i32 to vector<512x2048xi32>
    %select_n3A_43 = arith.select %eq3A_38, %broadcast_in_dim3A_41, %broadcast_in_dim3A_42 : vector<512x2048xi1>, vector<512x2048xi32>
    %reduce_max3A = arith.constant dense<-2147483648> : vector<512xi32>
    %reduce_max3A_44 = vector.multi_reduction <maxsi>, %select_n3A_43, %reduce_max3A [1] : vector<512x2048xi32> to vector<512xi32>
    %broadcast_in_dim3A_45 = vector.shape_cast %reduce_max3A_44 : vector<512xi32> to vector<512x1xi32>
    %ge3A = arith.constant 0 : i32
    %ge3A_46 = vector.broadcast %ge3A : i32 to vector<512x1xi32>
    %ge3A_47 = arith.cmpi sge, %broadcast_in_dim3A_45, %ge3A_46 : vector<512x1xi32>
    %and3A = arith.constant 2047 : i32
    %and3A_48 = vector.broadcast %and3A : i32 to vector<512x1xi32>
    %and3A_49 = arith.andi %broadcast_in_dim3A_45, %and3A_48 : vector<512x1xi32>
    %sub3A_50 = arith.constant 2047 : i32
    %sub3A_51 = vector.broadcast %sub3A_50 : i32 to vector<512x1xi32>
    %sub3A_52 = arith.subi %sub3A_51, %and3A_49 : vector<512x1xi32>
    %iota3A_53 = tpu.iota {dimensions = array<i32: 1>} : vector<1x513xi32>
    %add3A_54 = arith.constant 1 : i32
    %add3A_55 = vector.broadcast %add3A_54 : i32 to vector<512x1xi32>
    %add3A_56 = arith.addi %sub3A_52, %add3A_55 : vector<512x1xi32>
    %lt3A = arith.constant 2048 : i32
    %lt3A_57 = vector.broadcast %lt3A : i32 to vector<512x1xi32>
    %lt3A_58 = arith.cmpi slt, %add3A_56, %lt3A_57 : vector<512x1xi32>
    %and3A_59 = arith.andi %ge3A_47, %lt3A_58 : vector<512x1xi1>
    %eq3A_60 = vector.broadcast %iota3A : vector<1x2048xi32> to vector<512x2048xi32>
    %eq3A_61 = vector.broadcast %add3A_56 : vector<512x1xi32> to vector<512x2048xi32>
    %eq3A_62 = arith.cmpi eq, %eq3A_60, %eq3A_61 : vector<512x2048xi32>
    %jit3A_63 = arith.constant 0 : i32
    %broadcast_in_dim3A_64 = vector.shape_cast %get3A_4 : vector<1x2048xi32> to vector<1x2048xi32>
    %broadcast_in_dim3A_65 = vector.broadcast %broadcast_in_dim3A_64 : vector<1x2048xi32> to vector<512x2048xi32>
    %broadcast_in_dim3A_66 = vector.broadcast %jit3A_63 : i32 to vector<512x2048xi32>
    %select_n3A_67 = arith.select %eq3A_62, %broadcast_in_dim3A_65, %broadcast_in_dim3A_66 : vector<512x2048xi1>, vector<512x2048xi32>
    %reduce_max3A_68 = arith.constant dense<-2147483648> : vector<512xi32>
    %reduce_max3A_69 = vector.multi_reduction <maxsi>, %select_n3A_67, %reduce_max3A_68 [1] : vector<512x2048xi32> to vector<512xi32>
    %broadcast_in_dim3A_70 = vector.shape_cast %reduce_max3A_69 : vector<512xi32> to vector<512x1xi32>
    %jit3A_71 = arith.constant 0 : i32
    %broadcast_in_dim3A_72 = vector.shape_cast %get3A_10 : vector<1x2048xi32> to vector<1x2048xi32>
    %broadcast_in_dim3A_73 = vector.broadcast %broadcast_in_dim3A_72 : vector<1x2048xi32> to vector<512x2048xi32>
    %broadcast_in_dim3A_74 = vector.broadcast %jit3A_71 : i32 to vector<512x2048xi32>
    %select_n3A_75 = arith.select %eq3A_62, %broadcast_in_dim3A_73, %broadcast_in_dim3A_74 : vector<512x2048xi1>, vector<512x2048xi32>
    %reduce_max3A_76 = arith.constant dense<-2147483648> : vector<512xi32>
    %reduce_max3A_77 = vector.multi_reduction <maxsi>, %select_n3A_75, %reduce_max3A_76 [1] : vector<512x2048xi32> to vector<512xi32>
    %broadcast_in_dim3A_78 = vector.shape_cast %reduce_max3A_77 : vector<512xi32> to vector<512x1xi32>
    %ne3A = arith.cmpi ne, %broadcast_in_dim3A_70, %iota3A_35 : vector<512x1xi32>
    %and3A_79 = arith.andi %and3A_59, %ne3A : vector<512x1xi1>
    %jit3A_80 = arith.constant 0 : i32
    %broadcast_in_dim3A_81 = vector.broadcast %jit3A_80 : i32 to vector<512x1xi32>
    %select_n3A_82 = arith.select %and3A_79, %broadcast_in_dim3A_70, %broadcast_in_dim3A_81 : vector<512x1xi1>, vector<512x1xi32>
    %jit3A_83 = arith.constant 0 : i32
    %broadcast_in_dim3A_84 = vector.broadcast %jit3A_83 : i32 to vector<512x1xi32>
    %select_n3A_85 = arith.select %and3A_79, %broadcast_in_dim3A_78, %broadcast_in_dim3A_84 : vector<512x1xi1>, vector<512x1xi32>
    %eq3A_86 = vector.broadcast %select_n3A_85 : vector<512x1xi32> to vector<512x513xi32>
    %eq3A_87 = vector.broadcast %iota3A_53 : vector<1x513xi32> to vector<512x513xi32>
    %eq3A_88 = arith.cmpi eq, %eq3A_86, %eq3A_87 : vector<512x513xi32>
    %convert_element_type3A = arith.extui %eq3A_88 : vector<512x513xi1> to vector<512x513xi32>
    %convert_element_type3A_89 = arith.sitofp %convert_element_type3A : vector<512x513xi32> to vector<512x513xf32>
    %eq3A_90 = vector.broadcast %select_n3A_82 : vector<512x1xi32> to vector<512x513xi32>
    %eq3A_91 = vector.broadcast %iota3A_53 : vector<1x513xi32> to vector<512x513xi32>
    %eq3A_92 = arith.cmpi eq, %eq3A_90, %eq3A_91 : vector<512x513xi32>
    %convert_element_type3A_93 = arith.extui %eq3A_92 : vector<512x513xi1> to vector<512x513xi32>
    %convert_element_type3A_94 = arith.sitofp %convert_element_type3A_93 : vector<512x513xi32> to vector<512x513xf32>
    %add3A_95 = arith.constant 2 : i32
    %add3A_96 = vector.broadcast %add3A_95 : i32 to vector<512x1xi32>
    %add3A_97 = arith.addi %sub3A_52, %add3A_96 : vector<512x1xi32>
    %lt3A_98 = arith.constant 2048 : i32
    %lt3A_99 = vector.broadcast %lt3A_98 : i32 to vector<512x1xi32>
    %lt3A_100 = arith.cmpi slt, %add3A_97, %lt3A_99 : vector<512x1xi32>
    %and3A_101 = arith.andi %ge3A_47, %lt3A_100 : vector<512x1xi1>
    %eq3A_102 = vector.broadcast %iota3A : vector<1x2048xi32> to vector<512x2048xi32>
    %eq3A_103 = vector.broadcast %add3A_97 : vector<512x1xi32> to vector<512x2048xi32>
    %eq3A_104 = arith.cmpi eq, %eq3A_102, %eq3A_103 : vector<512x2048xi32>
    %jit3A_105 = arith.constant 0 : i32
    %broadcast_in_dim3A_106 = vector.shape_cast %get3A_4 : vector<1x2048xi32> to vector<1x2048xi32>
    %broadcast_in_dim3A_107 = vector.broadcast %broadcast_in_dim3A_106 : vector<1x2048xi32> to vector<512x2048xi32>
    %broadcast_in_dim3A_108 = vector.broadcast %jit3A_105 : i32 to vector<512x2048xi32>
    %select_n3A_109 = arith.select %eq3A_104, %broadcast_in_dim3A_107, %broadcast_in_dim3A_108 : vector<512x2048xi1>, vector<512x2048xi32>
    %reduce_max3A_110 = arith.constant dense<-2147483648> : vector<512xi32>
    %reduce_max3A_111 = vector.multi_reduction <maxsi>, %select_n3A_109, %reduce_max3A_110 [1] : vector<512x2048xi32> to vector<512xi32>
    %broadcast_in_dim3A_112 = vector.shape_cast %reduce_max3A_111 : vector<512xi32> to vector<512x1xi32>
    %jit3A_113 = arith.constant 0 : i32
    %broadcast_in_dim3A_114 = vector.shape_cast %get3A_10 : vector<1x2048xi32> to vector<1x2048xi32>
    %broadcast_in_dim3A_115 = vector.broadcast %broadcast_in_dim3A_114 : vector<1x2048xi32> to vector<512x2048xi32>
    %broadcast_in_dim3A_116 = vector.broadcast %jit3A_113 : i32 to vector<512x2048xi32>
    %select_n3A_117 = arith.select %eq3A_104, %broadcast_in_dim3A_115, %broadcast_in_dim3A_116 : vector<512x2048xi1>, vector<512x2048xi32>
    %reduce_max3A_118 = arith.constant dense<-2147483648> : vector<512xi32>
    %reduce_max3A_119 = vector.multi_reduction <maxsi>, %select_n3A_117, %reduce_max3A_118 [1] : vector<512x2048xi32> to vector<512xi32>
    %broadcast_in_dim3A_120 = vector.shape_cast %reduce_max3A_119 : vector<512xi32> to vector<512x1xi32>
    %ne3A_121 = arith.cmpi ne, %broadcast_in_dim3A_112, %iota3A_35 : vector<512x1xi32>
    %and3A_122 = arith.andi %and3A_101, %ne3A_121 : vector<512x1xi1>
    %jit3A_123 = arith.constant 0 : i32
    %broadcast_in_dim3A_124 = vector.broadcast %jit3A_123 : i32 to vector<512x1xi32>
    %select_n3A_125 = arith.select %and3A_122, %broadcast_in_dim3A_112, %broadcast_in_dim3A_124 : vector<512x1xi1>, vector<512x1xi32>
    %jit3A_126 = arith.constant 0 : i32
    %broadcast_in_dim3A_127 = vector.broadcast %jit3A_126 : i32 to vector<512x1xi32>
    %select_n3A_128 = arith.select %and3A_122, %broadcast_in_dim3A_120, %broadcast_in_dim3A_127 : vector<512x1xi1>, vector<512x1xi32>
    %eq3A_129 = vector.broadcast %select_n3A_128 : vector<512x1xi32> to vector<512x513xi32>
    %eq3A_130 = vector.broadcast %iota3A_53 : vector<1x513xi32> to vector<512x513xi32>
    %eq3A_131 = arith.cmpi eq, %eq3A_129, %eq3A_130 : vector<512x513xi32>
    %convert_element_type3A_132 = arith.extui %eq3A_131 : vector<512x513xi1> to vector<512x513xi32>
    %convert_element_type3A_133 = arith.sitofp %convert_element_type3A_132 : vector<512x513xi32> to vector<512x513xf32>
    %eq3A_134 = vector.broadcast %select_n3A_125 : vector<512x1xi32> to vector<512x513xi32>
    %eq3A_135 = vector.broadcast %iota3A_53 : vector<1x513xi32> to vector<512x513xi32>
    %eq3A_136 = arith.cmpi eq, %eq3A_134, %eq3A_135 : vector<512x513xi32>
    %convert_element_type3A_137 = arith.extui %eq3A_136 : vector<512x513xi1> to vector<512x513xi32>
    %convert_element_type3A_138 = arith.sitofp %convert_element_type3A_137 : vector<512x513xi32> to vector<512x513xf32>
    %add3A_139 = arith.constant 3 : i32
    %add3A_140 = vector.broadcast %add3A_139 : i32 to vector<512x1xi32>
    %add3A_141 = arith.addi %sub3A_52, %add3A_140 : vector<512x1xi32>
    %lt3A_142 = arith.constant 2048 : i32
    %lt3A_143 = vector.broadcast %lt3A_142 : i32 to vector<512x1xi32>
    %lt3A_144 = arith.cmpi slt, %add3A_141, %lt3A_143 : vector<512x1xi32>
    %and3A_145 = arith.andi %ge3A_47, %lt3A_144 : vector<512x1xi1>
    %eq3A_146 = vector.broadcast %iota3A : vector<1x2048xi32> to vector<512x2048xi32>
    %eq3A_147 = vector.broadcast %add3A_141 : vector<512x1xi32> to vector<512x2048xi32>
    %eq3A_148 = arith.cmpi eq, %eq3A_146, %eq3A_147 : vector<512x2048xi32>
    %jit3A_149 = arith.constant 0 : i32
    %broadcast_in_dim3A_150 = vector.shape_cast %get3A_4 : vector<1x2048xi32> to vector<1x2048xi32>
    %broadcast_in_dim3A_151 = vector.broadcast %broadcast_in_dim3A_150 : vector<1x2048xi32> to vector<512x2048xi32>
    %broadcast_in_dim3A_152 = vector.broadcast %jit3A_149 : i32 to vector<512x2048xi32>
    %select_n3A_153 = arith.select %eq3A_148, %broadcast_in_dim3A_151, %broadcast_in_dim3A_152 : vector<512x2048xi1>, vector<512x2048xi32>
    %reduce_max3A_154 = arith.constant dense<-2147483648> : vector<512xi32>
    %reduce_max3A_155 = vector.multi_reduction <maxsi>, %select_n3A_153, %reduce_max3A_154 [1] : vector<512x2048xi32> to vector<512xi32>
    %broadcast_in_dim3A_156 = vector.shape_cast %reduce_max3A_155 : vector<512xi32> to vector<512x1xi32>
    %jit3A_157 = arith.constant 0 : i32
    %broadcast_in_dim3A_158 = vector.shape_cast %get3A_10 : vector<1x2048xi32> to vector<1x2048xi32>
    %broadcast_in_dim3A_159 = vector.broadcast %broadcast_in_dim3A_158 : vector<1x2048xi32> to vector<512x2048xi32>
    %broadcast_in_dim3A_160 = vector.broadcast %jit3A_157 : i32 to vector<512x2048xi32>
    %select_n3A_161 = arith.select %eq3A_148, %broadcast_in_dim3A_159, %broadcast_in_dim3A_160 : vector<512x2048xi1>, vector<512x2048xi32>
    %reduce_max3A_162 = arith.constant dense<-2147483648> : vector<512xi32>
    %reduce_max3A_163 = vector.multi_reduction <maxsi>, %select_n3A_161, %reduce_max3A_162 [1] : vector<512x2048xi32> to vector<512xi32>
    %broadcast_in_dim3A_164 = vector.shape_cast %reduce_max3A_163 : vector<512xi32> to vector<512x1xi32>
    %ne3A_165 = arith.cmpi ne, %broadcast_in_dim3A_156, %iota3A_35 : vector<512x1xi32>
    %and3A_166 = arith.andi %and3A_145, %ne3A_165 : vector<512x1xi1>
    %jit3A_167 = arith.constant 0 : i32
    %broadcast_in_dim3A_168 = vector.broadcast %jit3A_167 : i32 to vector<512x1xi32>
    %select_n3A_169 = arith.select %and3A_166, %broadcast_in_dim3A_156, %broadcast_in_dim3A_168 : vector<512x1xi1>, vector<512x1xi32>
    %jit3A_170 = arith.constant 0 : i32
    %broadcast_in_dim3A_171 = vector.broadcast %jit3A_170 : i32 to vector<512x1xi32>
    %select_n3A_172 = arith.select %and3A_166, %broadcast_in_dim3A_164, %broadcast_in_dim3A_171 : vector<512x1xi1>, vector<512x1xi32>
    %eq3A_173 = vector.broadcast %select_n3A_172 : vector<512x1xi32> to vector<512x513xi32>
    %eq3A_174 = vector.broadcast %iota3A_53 : vector<1x513xi32> to vector<512x513xi32>
    %eq3A_175 = arith.cmpi eq, %eq3A_173, %eq3A_174 : vector<512x513xi32>
    %convert_element_type3A_176 = arith.extui %eq3A_175 : vector<512x513xi1> to vector<512x513xi32>
    %convert_element_type3A_177 = arith.sitofp %convert_element_type3A_176 : vector<512x513xi32> to vector<512x513xf32>
    %eq3A_178 = vector.broadcast %select_n3A_169 : vector<512x1xi32> to vector<512x513xi32>
    %eq3A_179 = vector.broadcast %iota3A_53 : vector<1x513xi32> to vector<512x513xi32>
    %eq3A_180 = arith.cmpi eq, %eq3A_178, %eq3A_179 : vector<512x513xi32>
    %convert_element_type3A_181 = arith.extui %eq3A_180 : vector<512x513xi1> to vector<512x513xi32>
    %convert_element_type3A_182 = arith.sitofp %convert_element_type3A_181 : vector<512x513xi32> to vector<512x513xf32>
    %add3A_183 = arith.constant 4 : i32
    %add3A_184 = vector.broadcast %add3A_183 : i32 to vector<512x1xi32>
    %add3A_185 = arith.addi %sub3A_52, %add3A_184 : vector<512x1xi32>
    %lt3A_186 = arith.constant 2048 : i32
    %lt3A_187 = vector.broadcast %lt3A_186 : i32 to vector<512x1xi32>
    %lt3A_188 = arith.cmpi slt, %add3A_185, %lt3A_187 : vector<512x1xi32>
    %and3A_189 = arith.andi %ge3A_47, %lt3A_188 : vector<512x1xi1>
    %eq3A_190 = vector.broadcast %iota3A : vector<1x2048xi32> to vector<512x2048xi32>
    %eq3A_191 = vector.broadcast %add3A_185 : vector<512x1xi32> to vector<512x2048xi32>
    %eq3A_192 = arith.cmpi eq, %eq3A_190, %eq3A_191 : vector<512x2048xi32>
    %jit3A_193 = arith.constant 0 : i32
    %broadcast_in_dim3A_194 = vector.shape_cast %get3A_4 : vector<1x2048xi32> to vector<1x2048xi32>
    %broadcast_in_dim3A_195 = vector.broadcast %broadcast_in_dim3A_194 : vector<1x2048xi32> to vector<512x2048xi32>
    %broadcast_in_dim3A_196 = vector.broadcast %jit3A_193 : i32 to vector<512x2048xi32>
    %select_n3A_197 = arith.select %eq3A_192, %broadcast_in_dim3A_195, %broadcast_in_dim3A_196 : vector<512x2048xi1>, vector<512x2048xi32>
    %reduce_max3A_198 = arith.constant dense<-2147483648> : vector<512xi32>
    %reduce_max3A_199 = vector.multi_reduction <maxsi>, %select_n3A_197, %reduce_max3A_198 [1] : vector<512x2048xi32> to vector<512xi32>
    %broadcast_in_dim3A_200 = vector.shape_cast %reduce_max3A_199 : vector<512xi32> to vector<512x1xi32>
    %jit3A_201 = arith.constant 0 : i32
    %broadcast_in_dim3A_202 = vector.shape_cast %get3A_10 : vector<1x2048xi32> to vector<1x2048xi32>
    %broadcast_in_dim3A_203 = vector.broadcast %broadcast_in_dim3A_202 : vector<1x2048xi32> to vector<512x2048xi32>
    %broadcast_in_dim3A_204 = vector.broadcast %jit3A_201 : i32 to vector<512x2048xi32>
    %select_n3A_205 = arith.select %eq3A_192, %broadcast_in_dim3A_203, %broadcast_in_dim3A_204 : vector<512x2048xi1>, vector<512x2048xi32>
    %reduce_max3A_206 = arith.constant dense<-2147483648> : vector<512xi32>
    %reduce_max3A_207 = vector.multi_reduction <maxsi>, %select_n3A_205, %reduce_max3A_206 [1] : vector<512x2048xi32> to vector<512xi32>
    %broadcast_in_dim3A_208 = vector.shape_cast %reduce_max3A_207 : vector<512xi32> to vector<512x1xi32>
    %ne3A_209 = arith.cmpi ne, %broadcast_in_dim3A_200, %iota3A_35 : vector<512x1xi32>
    %and3A_210 = arith.andi %and3A_189, %ne3A_209 : vector<512x1xi1>
    %jit3A_211 = arith.constant 0 : i32
    %broadcast_in_dim3A_212 = vector.broadcast %jit3A_211 : i32 to vector<512x1xi32>
    %select_n3A_213 = arith.select %and3A_210, %broadcast_in_dim3A_200, %broadcast_in_dim3A_212 : vector<512x1xi1>, vector<512x1xi32>
    %jit3A_214 = arith.constant 0 : i32
    %broadcast_in_dim3A_215 = vector.broadcast %jit3A_214 : i32 to vector<512x1xi32>
    %select_n3A_216 = arith.select %and3A_210, %broadcast_in_dim3A_208, %broadcast_in_dim3A_215 : vector<512x1xi1>, vector<512x1xi32>
    %eq3A_217 = vector.broadcast %select_n3A_216 : vector<512x1xi32> to vector<512x513xi32>
    %eq3A_218 = vector.broadcast %iota3A_53 : vector<1x513xi32> to vector<512x513xi32>
    %eq3A_219 = arith.cmpi eq, %eq3A_217, %eq3A_218 : vector<512x513xi32>
    %convert_element_type3A_220 = arith.extui %eq3A_219 : vector<512x513xi1> to vector<512x513xi32>
    %convert_element_type3A_221 = arith.sitofp %convert_element_type3A_220 : vector<512x513xi32> to vector<512x513xf32>
    %eq3A_222 = vector.broadcast %select_n3A_213 : vector<512x1xi32> to vector<512x513xi32>
    %eq3A_223 = vector.broadcast %iota3A_53 : vector<1x513xi32> to vector<512x513xi32>
    %eq3A_224 = arith.cmpi eq, %eq3A_222, %eq3A_223 : vector<512x513xi32>
    %convert_element_type3A_225 = arith.extui %eq3A_224 : vector<512x513xi1> to vector<512x513xi32>
    %convert_element_type3A_226 = arith.sitofp %convert_element_type3A_225 : vector<512x513xi32> to vector<512x513xf32>
    %concatenate3A = tpu.concatenate %convert_element_type3A_89, %convert_element_type3A_94, %convert_element_type3A_133, %convert_element_type3A_138, %convert_element_type3A_177, %convert_element_type3A_182, %convert_element_type3A_221, %convert_element_type3A_226 in 0 : vector<512x513xf32>, vector<512x513xf32>, vector<512x513xf32>, vector<512x513xf32>, vector<512x513xf32>, vector<512x513xf32>, vector<512x513xf32>, vector<512x513xf32> -> vector<4096x513xf32>
    %get3A_227 = arith.constant 0 : index
    %get3A_228 = arith.constant 0 : index
    %get3A_229 = arith.constant 0 : index
    %get3A_230 = vector.load %arg4[%get3A_227, %get3A_228, %get3A_229] : memref<1x513x1024xf32, #tpu.memory_space<vmem>>, vector<1x513x1024xf32>
    %get3A_231 = vector.shape_cast %get3A_230 : vector<1x513x1024xf32> to vector<513x1024xf32>
    %dot_general3A = arith.constant dense<0.000000e+00> : vector<4096x1024xf32>
    %dot_general3A_232 = tpu.matmul %concatenate3A, %get3A_231, %dot_general3A {dimension_numbers = #tpu.dot_dimension_numbers<[1], [0], [0], [1], [0, 0, 1, 1], [], []>, transpose_lhs_hint = false} : vector<4096x513xf32>, vector<513x1024xf32>, vector<4096x1024xf32> -> vector<4096x1024xf32>
    %broadcast_in_dim3A_233 = arith.constant 0.000000e+00 : f32
    %broadcast_in_dim3A_234 = vector.broadcast %broadcast_in_dim3A_233 : f32 to vector<512x1024xf32>
    %slice3A = vector.extract_strided_slice %dot_general3A_232 {offsets = [0, 0], sizes = [512, 1024], strides = [1, 1]} : vector<4096x1024xf32> to vector<512x1024xf32>
    %slice3A_235 = vector.extract_strided_slice %dot_general3A_232 {offsets = [512, 0], sizes = [512, 1024], strides = [1, 1]} : vector<4096x1024xf32> to vector<512x1024xf32>
    %mul3A_236 = arith.mulf %slice3A, %slice3A_235 : vector<512x1024xf32>
    %add3A_237 = arith.addf %broadcast_in_dim3A_234, %mul3A_236 : vector<512x1024xf32>
    %slice3A_238 = vector.extract_strided_slice %dot_general3A_232 {offsets = [1024, 0], sizes = [512, 1024], strides = [1, 1]} : vector<4096x1024xf32> to vector<512x1024xf32>
    %slice3A_239 = vector.extract_strided_slice %dot_general3A_232 {offsets = [1536, 0], sizes = [512, 1024], strides = [1, 1]} : vector<4096x1024xf32> to vector<512x1024xf32>
    %mul3A_240 = arith.mulf %slice3A_238, %slice3A_239 : vector<512x1024xf32>
    %add3A_241 = arith.addf %add3A_237, %mul3A_240 : vector<512x1024xf32>
    %slice3A_242 = vector.extract_strided_slice %dot_general3A_232 {offsets = [2048, 0], sizes = [512, 1024], strides = [1, 1]} : vector<4096x1024xf32> to vector<512x1024xf32>
    %slice3A_243 = vector.extract_strided_slice %dot_general3A_232 {offsets = [2560, 0], sizes = [512, 1024], strides = [1, 1]} : vector<4096x1024xf32> to vector<512x1024xf32>
    %mul3A_244 = arith.mulf %slice3A_242, %slice3A_243 : vector<512x1024xf32>
    %add3A_245 = arith.addf %add3A_241, %mul3A_244 : vector<512x1024xf32>
    %slice3A_246 = vector.extract_strided_slice %dot_general3A_232 {offsets = [3072, 0], sizes = [512, 1024], strides = [1, 1]} : vector<4096x1024xf32> to vector<512x1024xf32>
    %slice3A_247 = vector.extract_strided_slice %dot_general3A_232 {offsets = [3584, 0], sizes = [512, 1024], strides = [1, 1]} : vector<4096x1024xf32> to vector<512x1024xf32>
    %mul3A_248 = arith.mulf %slice3A_246, %slice3A_247 : vector<512x1024xf32>
    %add3A_249 = arith.addf %add3A_245, %mul3A_248 : vector<512x1024xf32>
    %get3A_250 = arith.constant 0 : index
    %get3A_251 = arith.constant 0 : index
    %get3A_252 = arith.constant 0 : index
    %get3A_253 = vector.load %arg5[%get3A_250, %get3A_251, %get3A_252] : memref<1x1x1xf32, #tpu.memory_space<vmem>>, vector<1x1x1xf32>
    %get3A_254 = vector.extract %get3A_253[0, 0, 0] : f32 from vector<1x1x1xf32>
    %mul3A_255 = vector.broadcast %get3A_254 : f32 to vector<512x1024xf32>
    %mul3A_256 = arith.mulf %add3A_249, %mul3A_255 : vector<512x1024xf32>
    %swap3A_257 = arith.constant 0 : index
    %swap3A_258 = arith.constant 0 : index
    %swap3A_259 = arith.constant 0 : index
    %swap3A_260 = vector.load %arg6[%swap3A_257, %swap3A_258, %swap3A_259] : memref<1x512x1024xf32, #tpu.memory_space<vmem>>, vector<1x512x1024xf32>
    %swap3A_261 = vector.shape_cast %swap3A_260 : vector<1x512x1024xf32> to vector<512x1024xf32>
    %swap3A_262 = vector.shape_cast %mul3A_256 : vector<512x1024xf32> to vector<1x512x1024xf32>
    tpu.vector_store %arg6[%swap3A_257, %swap3A_258, %swap3A_259], %swap3A_262 {strides = array<i32>} : memref<1x512x1024xf32, #tpu.memory_space<vmem>>, vector<1x512x1024xf32>,
    return
  }
  func.func @transform_0(%arg0: i32, %arg1: i32) -> (i32, i32, i32, i32) {
    %c0_i32 = arith.constant 0 : i32
    %c0_i32_0 = arith.constant 0 : i32
    %c0_i32_1 = arith.constant 0 : i32
    return %arg1, %arg0, %c0_i32, %c0_i32_0 : i32, i32, i32, i32
  }
  func.func @transform_1(%arg0: i32, %arg1: i32) -> (i32, i32, i32, i32) {
    %c0_i32 = arith.constant 0 : i32
    %c0_i32_0 = arith.constant 0 : i32
    %c0_i32_1 = arith.constant 0 : i32
    return %arg1, %arg0, %c0_i32, %c0_i32_0 : i32, i32, i32, i32
  }
  func.func @transform_2(%arg0: i32, %arg1: i32) -> (i32, i32, i32) {
    %c0_i32 = arith.constant 0 : i32
    %c0_i32_0 = arith.constant 0 : i32
    %c0_i32_1 = arith.constant 0 : i32
    return %arg1, %c0_i32, %c0_i32_0 : i32, i32, i32
  }
  func.func @transform_3(%arg0: i32, %arg1: i32) -> (i32, i32, i32) {
    %c0_i32 = arith.constant 0 : i32
    %c0_i32_0 = arith.constant 0 : i32
    %c0_i32_1 = arith.constant 0 : i32
    return %arg1, %c0_i32, %c0_i32_0 : i32, i32, i32
  }
  func.func @transform_4(%arg0: i32, %arg1: i32) -> (i32, i32, i32) {
    %mul3A = arith.constant 2 : i32
    %mul3A_0 = arith.muli %mul3A, %arg1 : i32
    %add3A = arith.addi %mul3A_0, %arg0 : i32
    %c0_i32 = arith.constant 0 : i32
    %c0_i32_1 = arith.constant 0 : i32
    %c0_i32_2 = arith.constant 0 : i32
    return %add3A, %c0_i32, %c0_i32_1 : i32, i32, i32
  }
}

</mosaic_0001>

<sc_bundles>
// kernel: kernel.5.cloned.1.call-start
scs
__scs_entry_jumppad:
0x0: {  	(pc) =	sbr.rel $0x88, $3  }
0x1: {  	(tag) =	ssettag $0x0;
	lr =	simm.s32 $0x1  }
0x2: {  	[smem:$0x3F9B] =	sst lr;
	_ =	strace $0xD0000000  }
0x3: {  	_ = 	snop  }
0x4: {  	_ = 	snop  }
0x5: {  	_ = 	snop  }
0x6: {  	_ = 	snop  }
0x7: {  	_ = 	snop  }
__scs_overlays_trampoline_lowered:
0x8: {  	[smem:$0x3FAA] =	sst s0  }
0x9: {  	[smem:$0x3FAB] =	sst s1  }
0xa: {  	[smem:$0x3FAC] =	sst s2  }
0xb: {  	[smem:$0x3FAD] =	sst s3  }
0xc: {  	[smem:$0x3FAE] =	sst s4  }
0xd: {  	[smem:$0x3FAF] =	sst s5  }
0xe: {  	[smem:$0x3FB0] =	sst s6  }
0xf: {  	[smem:$0x3FB1] =	sst s7  }
0x10: {  	[smem:$0x3FB2] =	sst s8  }
0x11: {  	[smem:$0x3FB3] =	sst s9;
	s0 =	simm.s32 @!p0 $0x0  }
0x12: {  	s1 =	sld [smem:$0x3F99];
	s0 =	simm.s32 @p0 $0x1  }
0x13: {  	[smem:$0x3FB4] =	sst s0;
	s0 =	simm.s32 @!p1 $0x0  }
0x14: {  	s2 =	sld [smem:$0x3F98];
	s0 =	simm.s32 @p1 $0x1  }
0x15: {  	[smem:$0x3FB5] =	sst s0;
	s0 =	simm.s32 @!p2 $0x0  }
0x16: {  	s3 =	sld [smem:$0x3FDB];
	s0 =	simm.s32 @p2 $0x1  }
0x17: {  	s4 =	simm.s32 $0x1BF5;
	[smem:$0x3FB7] =	sst s0  }
0x18: {  	s0 =	sld [smem:$0x3F9A];
	_ =	swait.ge [sflag:s4], $0x0  }
0x19: {  	s7 =	sld [smem:$0x3F9B]  }
0x1a: {  	s8 =	sadd.s32 $0xFFFFE003, lr  }
0x1b: {  	s9 =	sadd.s32 $0xFFFFFEF7, lr;
	s5 =	simm.s32 $0xFFFFFFFF;
	p2 =	slt.u32 s8, $0xFFFFF086  }
0x1c: {  	p1 =	slt.u32 s9, $0xF7A;
	s5 =	simm.s32 @!p2 $0x0  }
0x1d: {  	s5 =	simm.s32 @p1 $0x1;
	p0 =	seq.s32 s7, s2  }
0x1e: {  	s7 =	smul.u32 @!p0 $0xF7A, s2;
	p2 =	seq.s32 @!p0 s5, $0x0  }
0x1f: {  	s9 =	smul.u32 $0xF7A, s1;
	s8 =	simm.s32 @!p0 $0x1BF5;
	p2 =	por !p2, p0  }
0x20: {  	[sflag:s8] =	ssyncset.s32 @!p0 $0xFFFFF086;
	s6 =	sadd.s32 @!p0 s3, s7;
	s7 =	simm.s32 @!p0 $0x108  }
0x21: {  	s3 =	sadd.s32 s3, s9;
	s6 =	sadd.s32 @!p0 $0x88, s6;
	s7 =	simm.s32 @p2 $0x1082  }
0x22: {  	[simem:s7], [sflag:s8] =	dma.local @!p0 [hbm:s6], $0xF7A  }
0x23: {  	s9 =	sor.u32 $0xD0000000, s2;
	s6 =	simm.s32 $0x108;
	_ =	swait.ge @!p0 [sflag:s8], $0x0  }
0x24: {  	s3 =	sadd.s32 $0x88, s3;
	s6 =	simm.s32 @!p1 $0x1082;
	[sflag:s4] =	ssyncset.s32 $0xFFFFF086  }
0x25: {  	[simem:s6], [sflag:s4] =	dma.local [hbm:s3], $0xF7A  }
0x26: {  	[smem:$0x3F9B] =	sst s1;
	(tag) =	ssettag s2;
	_ =	strace s9  }
0x27: {  	s1 =	sld [smem:$0x3FAB]  }
0x28: {  	s2 =	sld [smem:$0x3FAC]  }
0x29: {  	s4 =	sld [smem:$0x3FAE]  }
0x2a: {  	p0 =	seq.s32 s5, $0x0;
	s5 =	sld [smem:$0x3FAF]  }
0x2b: {  	s6 =	sld [smem:$0x3FB0]  }
0x2c: {  	s7 =	sld [smem:$0x3FB1]  }
0x2d: {  	s3 =	simm.s32 $0x108;
	s8 =	sld [smem:$0x3FB2]  }
0x2e: {  	s3 =	simm.s32 @!p0 $0x1082;
	s9 =	sld [smem:$0x3FB3]  }
0x2f: {  	lr =	sadd.s32 s0, s3;
	s0 =	sld [smem:$0x3FAA]  }
0x30: {  	s3 =	sld [smem:$0x3FAD]  }
0x31: {  	[smem:$0x3FB6] =	sst s10  }
0x32: {  	s10 =	sld [smem:$0x3FB4];
	_ =	sdelay $0x3  }
0x33: {  	p0 =	seq.s32 s10, $0x1;
	s10 =	sld [smem:$0x3FB6];
	_ =	sdelay $0x3  }
0x34: {  	[smem:$0x3FB6] =	sst s10  }
0x35: {  	s10 =	sld [smem:$0x3FB5];
	_ =	sdelay $0x3  }
0x36: {  	p1 =	seq.s32 s10, $0x1;
	s10 =	sld [smem:$0x3FB6];
	_ =	sdelay $0x3  }
0x37: {  	[smem:$0x3FB6] =	sst s10  }
0x38: {  	s10 =	sld [smem:$0x3FB7]  }
0x39: {  	_ = 	snop;
	(pc) =	sbr.ind lr, $3  }
0x3a: {  	_ = 	snop  }
0x3b: {  	_ = 	snop  }
0x3c: {  	p2 =	seq.s32 s10, $0x1;
	s10 =	sld [smem:$0x3FB6]  }
0x3d: {  	_ =	shalt  }
0x3e: {  	_ =	shalt  }
0x3f: {  	_ =	shalt  }
0x40: {  	_ =	shalt  }
0x41: {  	_ =	shalt  }
0x42: {  	_ =	shalt  }
0x43: {  	_ =	shalt  }
0x44: {  	_ =	shalt  }
0x45: {  	_ =	shalt  }
0x46: {  	_ =	shalt  }
0x47: {  	_ =	shalt  }
0x48: {  	_ =	shalt  }
0x49: {  	_ =	shalt  }
0x4a: {  	_ =	shalt  }
0x4b: {  	_ =	shalt  }
0x4c: {  	_ =	shalt  }
0x4d: {  	_ =	shalt  }
0x4e: {  	_ =	shalt  }
0x4f: {  	_ =	shalt  }
0x50: {  	_ =	shalt  }
0x51: {  	_ =	shalt  }
0x52: {  	_ =	shalt  }
0x53: {  	_ =	shalt  }
0x54: {  	_ =	shalt  }
0x55: {  	_ =	shalt  }
0x56: {  	_ =	shalt  }
0x57: {  	_ =	shalt  }
0x58: {  	_ =	shalt  }
0x59: {  	_ =	shalt  }
0x5a: {  	_ =	shalt  }
0x5b: {  	_ =	shalt  }
0x5c: {  	_ =	shalt  }
0x5d: {  	_ =	shalt  }
0x5e: {  	_ =	shalt  }
0x5f: {  	_ =	shalt  }
0x60: {  	_ =	shalt  }
0x61: {  	_ =	shalt  }
0x62: {  	_ =	shalt  }
0x63: {  	_ =	shalt  }
0x64: {  	_ =	shalt  }
0x65: {  	_ =	shalt  }
0x66: {  	_ =	shalt  }
0x67: {  	_ =	shalt  }
0x68: {  	_ =	shalt  }
0x69: {  	_ =	shalt  }
0x6a: {  	_ =	shalt  }
0x6b: {  	_ =	shalt  }
0x6c: {  	_ =	shalt  }
0x6d: {  	_ =	shalt  }
0x6e: {  	_ =	shalt  }
0x6f: {  	_ =	shalt  }
0x70: {  	_ =	shalt  }
0x71: {  	_ =	shalt  }
0x72: {  	_ =	shalt  }
0x73: {  	_ =	shalt  }
0x74: {  	_ =	shalt  }
0x75: {  	_ =	shalt  }
0x76: {  	_ =	shalt  }
0x77: {  	_ =	shalt  }
0x78: {  	_ =	shalt  }
0x79: {  	_ =	shalt  }
0x7a: {  	_ =	shalt  }
0x7b: {  	_ =	shalt  }
0x7c: {  	_ =	shalt  }
0x7d: {  	_ =	shalt  }
0x7e: {  	_ =	shalt  }
0x7f: {  	_ =	shalt  }
0x80: {  	_ =	shalt  }
0x81: {  	_ =	shalt  }
0x82: {  	_ =	shalt  }
0x83: {  	_ =	shalt  }
0x84: {  	_ =	shalt  }
0x85: {  	_ =	shalt  }
0x86: {  	_ =	shalt  }
0x87: {  	_ =	shalt  }
.Lfunc_end0:
.L_simem_size_0:
called_computation_lowered:
.L_overlay_start_0:
0x88: {  	s2 =	sld [smem:$0x3FD9]  }
0x89: {  	s3 =	sld [smem:$0x3FFE];
	_ =	sdelay $0x1  }
0x8a: {  	s1 =	srdreg.scid  }
0x8b: {  	s0 =	sand.u32 $0x1, s1  }
0x8c: {  	s17 =	sshll.u32 s0, $0xA;
	s2 =	sadd.s32 s3, s2  }
0x8d: {  	s2 =	sadd.s32 s2, s17  }
0x8e: {  	[smem:$0x3FC2] =	sst s2  }
0x8f: {  	_ = 	snop  }
0x90: {  	s2 =	sld [smem:$0x3FD0];
	(tm) =	ssettm $0x1  }
0x91: {  	s18 =	sld [smem:$0x3FFB];
	_ =	sdelay $0x3  }
0x92: {  	_ =	strace s18  }
0x93: {  	s3 =	sld [smem:$0x3FFC];
	_ =	sdelay $0x3  }
0x94: {  	_ =	strace s3  }
0x95: {  	s3 =	sld [smem:$0x3FFD];
	_ =	sdelay $0x3  }
0x96: {  	_ =	strace s3  }
0x97: {  	_ =	strace $0x8FFFFFFF  }
0x98: {  	s19 =	sld [smem:$0x3FDB];
	_ =	sdelay $0x1  }
0x99: {  	s4 =	simm.s32 $_scs_section_size  }
0x9a: {  	s5 =	simm.s32 $_size__tile_overlayer_lowered;
	s6 =	simm.s32 $_tile_overlayer_lowered  }
0x9b: {  	s22 =	simm.s32 $0x1BFF;
	s21 =	sshll.u32 s6, $0x1;
	s3 =	sadd.s32 s4, s19  }
0x9c: {  	s7 =	simm.s32 $0x0;
	s20 =	sshll.u32 s5, $0x1;
	s5 =	sadd.s32 s21, s3  }
0x9d: {  	[timem:s7], [sflag:s22] =	dma.local [hbm:s5], s20  }
0x9e: {  	_ =	swait.ge [sflag:s22], s20  }
0x9f: {  	s4 =	ssub.s32 $0x0, s20;
	[sflag:s22] =	ssyncset.done $0x0  }
0xa0: {  	[sflag:s22] =	ssyncadd.s32 s4;
	_ =	sdelay $0x1  }
0xa1: {  	s23 =	simm.s32 $0x1B8B  }
0xa2: {  	_ =	swait.ge [sflag:s23], $0x1  }
0xa3: {  	[sflag:s23] =	ssyncset.done $0x0  }
0xa4: {  	s25 =	simm.s32 $0x1B8E;
	s24 =	sld [smem:$0x3FFE];
	[sflag:s23] =	ssyncadd.s32 $0xFFFFFFFF  }
0xa5: {  	s26 =	simm.s32 $execute0_lowered;
	[smem:$0x3FD2] =	sst s25  }
0xa6: {  	s5 =	sshll.u32 s26, $0x1;
	_ =	strace $0x80000046;
	[dreg:$0x1] =	wrdreg $0xFFFFFFFF  }
0xa7: {  	s28 =	simm.s32 $_size_execute0_lowered;
	s3 =	sadd.s32 s3, s5;
	[dreg:$0x0] =	wrdreg $0x0  }
0xa8: {  	s5 =	sshll.u32 s28, $0x1;
	[dreg:$0x2] =	wrdreg s3  }
0xa9: {  	[dreg:$0x3] =	wrdreg s5  }
0xaa: {  	[dreg:$0x4] =	wrdreg $0xC0  }
0xab: {  	_ =	task [dreg:s7], $0x5FFFF  }
0xac: {  	[dreg:$0x1] =	wrdreg $0xFFFFFFFF  }
0xad: {  	[dreg:$0x0] =	wrdreg $0x60  }
0xae: {  	[dreg:$0x2] =	wrdreg s24  }
0xaf: {  	[dreg:$0x3] =	wrdreg s2  }
0xb0: {  	[dreg:$0x4] =	wrdreg $0x9  }
0xb1: {  	_ =	task.clear_ibuf [dreg:s7], $0x5FFFF;
	_ =	strace $0x90000046  }
0xb2: {  	s29 =	simm.s32 $0x9;
	_ =	strace $0x80000048  }
0xb3: {  	_ =	swait.ge [sflag:s29], $0x1  }
0xb4: {  	[sflag:s29] =	ssyncadd.s32 $0xFFFFFFFF  }
0xb5: {  	_ =	strace $0x90000048  }
0xb6: {  	_ =	sfence  }
0xb7: {  	s30 =	sld [smem:$0x0];
	_ =	sdelay $0x2  }
0xb8: {  	s31 =	sshll.u32 s1, $0xD;
	s1 =	sshrl.u32 s1, $0x2  }
0xb9: {  	s3 =	sand.u32 $0x4000, s31;
	s1 =	sadd.s32 s1, s30  }
0xba: {  	s0 =	sor.u32 s3, s0;
	s1 =	sshll.u32 s1, $0x11  }
0xbb: {  	s0 =	sor.u32 s1, s0  }
0xbc: {  	s0 =	sadd.s32 $0x8F2B, s0  }
0xbd: {  	[sflag:s0] =	ssyncadd.remote.s32 $0x1  }
0xbe: {  	_ =	sfence.sel $0xFFFF  }
0xbf: {  	[dreg:$0x0] =	wrdreg $0xFFFFFFFF;
	(pc) =	sbr.abs _section_cstart, $3  }
0xc0: {  	[dreg:$0x1] =	wrdreg $0xFFFFFFFF  }
0xc1: {  	_ =	task.clear_ibuf [dreg:s7], $0x2FFFF;
	_ =	strace $0x9FFFFFFF  }
0xc2: {  	(tm) =	ssettm $0x7FFFFFFF  }
0xc3: {  	_ =	shalt  }
tec
execute0_lowered:
.L_overlay_start_1:
0x0: {  	(tag) =	ssettag $0x1  }
0x1: {  	s0 =	rddreg [dreg:$0x0]  }
0x2: {  	s1 =	rddreg [dreg:$0x1];
	s3 =	srdreg.scid;
	s2 =	simm.s32 $0x0  }
0x3: {  	s8 =	stileid.u32;
	s29 =	simm.s32 $0xF900;
	s30 =	simm.s32 $0x1  }
0x4: {  	s31 =	simm.s32 $0x2;
	s3 =	sand.u32 $0x1, s3;
	[smem:$0x7FF] =	sst s2  }
0x5: {  	s4 =	sshll.u32 s8, $0x8;
	s14 =	sshll.u32 s8, $0x6;
	s5 =	sshll.u32 s3, $0x7  }
0x6: {  	s8 =	sadd.s32 $0x1700, s0;
	s13 =	ssub.s32 $0x2, s3;
	s4 =	sor.u32 s5, s4  }
0x7: {  	s7 =	sshrl.u32 s13, $0x1;
	s6 =	sshrl.u32 s4, $0x2;
	s4 =	sshll.u32 s4, $0x7  }
0x8: {  	_ =	strace $0x80000047;
	s5 =	ssub.s32 s13, s7;
	s17 =	sadd.s32 s1, s4  }
0x9: {  	s9 =	sadd.s32 s6, s0;
	s26 =	smax.u32 s5, $0x1;
	[dreg:$0x5] =	wrdreg s17  }
0xa: {  	s3 =	sadd.s32 $0x1400, s0;
	s15 =	sadd.s32 $0x1000, s9;
	[dreg:$0xf] =	wrdreg s26  }
0xb: {  	s10 =	sand.u32 $0x200, s14;
	s16 =	sadd.s32 $0x1010, s9;
	[dreg:$0x3] =	wrdreg s15  }
0xc: {  	s14 =	simm.s32 $0x8900;
	s18 =	sadd.s32 $0x1004, s9;
	[dreg:$0x4] =	wrdreg s16  }
0xd: {  	s28 =	sor.u32 $0x400, s10;
	s19 =	sadd.s32 $0x1014, s9;
	[dreg:$0x6] =	wrdreg s18  }
0xe: {  	s7 =	sadd.s32 $0x1600, s0;
	s20 =	sadd.s32 $0x1000, s17;
	[dreg:$0x7] =	wrdreg s19  }
0xf: {  	v1 =	vmov s28;
	s28 =	simm.s32 $0xF100;
	s21 =	sadd.s32 $0x1008, s9;
	[dreg:$0x8] =	wrdreg s20  }
0x10: {  	s6 =	sadd.s32 $0x1500, s0;
	s22 =	sadd.s32 $0x1018, s9;
	[dreg:$0x9] =	wrdreg s21  }
0x11: {  	s1 =	simm.s32 $0x0;
	s23 =	sadd.s32 $0x2000, s17;
	[dreg:$0xa] =	wrdreg s22  }
0x12: {  	s24 =	sadd.s32 $0x100C, s9;
	s25 =	sadd.s32 $0x101C, s9;
	[dreg:$0xb] =	wrdreg s23  }
0x13: {  	s0 =	sadd.s32 $0x3000, s17;
	s17 =	simm.s32 $0xA100;
	[dreg:$0xc] =	wrdreg s24  }
0x14: {  	s9 =	simm.s32 $0xB900;
	s26 =	simm.s32 $0xE900;
	[dreg:$0xd] =	wrdreg s25  }
0x15: {  	[dreg:$0xe] =	wrdreg s0;
	s20 =	simm.s32 $0x3;
	s15 =	simm.s32 $0x9100  }
0x16: {  	v4 =	vlaneseq.u32;
	s16 =	simm.s32 $0x9900;
	s18 =	simm.s32 $0xA900;
	s19 =	simm.s32 $0xB100  }
0x17: {  	vm0 =	vmmov $0xffff;
	v2 =	vand.u32 $0x7, v4;
	v3 =	vshrl.u32 v4, $0x3;
	s21 =	simm.s32 $0xC100;
	s22 =	simm.s32 $0xC900;
	s23 =	simm.s32 $0xD100  }
0x18: {  	v4 =	vor.u32 $0x8, v4;
	v3 =	vmul.u32 $0x8, v3;
	v0 =	vmov s10;
	s24 =	simm.s32 $0xD900;
	s25 =	simm.s32 $0xE100;
	s0 =	simm.s32 $0x10100  }
.LBB2_1:
0x19: {  	s4 =	rddreg [dreg:$0x3]  }
0x1a: {  	[tilespmem:s2], [sflag:$0x3] =	stream.linear.gather [hbm4b:s4+s2], $0x20, $0x38;
	[tilespmem:$0x18100] =	vst v63  }
0x1b: {  	_ =	swait.ge [sflag:s20], $0x20  }
0x1c: {  	[sflag:s20] =	ssyncset.done $0x0  }
0x1d: {  	s5 =	simm.s32 $0x80;
	s13 =	rddreg [dreg:$0x4];
	[sflag:s20] =	ssyncadd.s32 $0xFFFFFFE0  }
0x1e: {  	[tilespmem:s5], [sflag:$0x3] =	stream.linear.gather [hbm4b:s13+s2], $0x20, $0x38;
	[tilespmem:$0x18100] =	vst v63  }
0x1f: {  	_ =	swait.ge [sflag:s20], $0x20  }
0x20: {  	[sflag:s20] =	ssyncset.done $0x0  }
0x21: {  	[sflag:s20] =	ssyncadd.s32 $0xFFFFFFE0  }
0x22: {  	v5 =	vld [tilespmem:$0x0];
	_ =	sdelay $0x4  }
0x23: {  	v5 =	vadd.s32 v0, v5  }
0x24: {  	[tilespmem:$0x0] =	vst v5  }
0x25: {  	v5 =	vld [tilespmem:$0x0];
	_ =	sdelay $0x4  }
0x26: {  	v6 =	vshll.u32 v5, $0x3  }
0x27: {  	v7 =	vld [tilespmem:$0x80];
	v5 =	vand.u32 $0x7, v5;
	v6 =	vand.u32 $0xFFFFFFC0, v6  }
0x28: {  	v8 =	vld [tilespmem:$0x10];
	v5 =	vor.u32 v5, v6  }
0x29: {  	v6 =	vld [tilespmem:$0x90];
	v9 =	vperm.xlane v5, v2;
	_ =	sdelay $0x1  }
0x2a: {  	v9 =	vadd.s32 v3, v9  }
0x2b: {  	v7 =	vadd.s32 v1, v7  }
0x2c: {  	[tilespmem:$0x80] =	vst v7;
	v7 =	vadd.s32 v0, v8  }
0x2d: {  	[tilespmem:$0x10] =	vst v7;
	v6 =	vadd.s32 v1, v6  }
0x2e: {  	s5 =	simm.s32 $0x100;
	[tilespmem:$0x90] =	vst v6  }
0x2f: {  	[tilespmem:s5], [sflag:$0x1] =	stream.indirect_vreg.gather [hbm4b:s3+s2], $0x80, v9, vm0, $0xb8;
	[tilespmem:$0x18100] =	vst v63  }
0x30: {  	s10 =	simm.s32 $0x900;
	v5 =	vperm.xlane v5, v4  }
0x31: {  	[tilespmem:s10], [sflag:$0x1] =	stream.indirect_vreg.gather [hbm4b:s6+s2], $0x80, v9, vm0, $0xb8;
	[tilespmem:$0x18100] =	vst v63  }
0x32: {  	s11 =	simm.s32 $0x1100;
	v5 =	vadd.s32 v3, v5  }
0x33: {  	[tilespmem:s11], [sflag:$0x1] =	stream.indirect_vreg.gather [hbm4b:s7+s2], $0x80, v9, vm0, $0xb8;
	[tilespmem:$0x18100] =	vst v63  }
0x34: {  	s12 =	simm.s32 $0x1900  }
0x35: {  	[tilespmem:s12], [sflag:$0x1] =	stream.indirect_vreg.gather [hbm4b:s8+s2], $0x80, v9, vm0, $0xb8;
	[tilespmem:$0x18100] =	vst v63  }
0x36: {  	s13 =	simm.s32 $0x2100  }
0x37: {  	[tilespmem:s13], [sflag:$0x1] =	stream.indirect_vreg.gather [hbm4b:s3+s2], $0x80, v5, vm0, $0xb8;
	[tilespmem:$0x18100] =	vst v63  }
0x38: {  	s5 =	simm.s32 $0x2900  }
0x39: {  	[tilespmem:s5], [sflag:$0x1] =	stream.indirect_vreg.gather [hbm4b:s6+s2], $0x80, v5, vm0, $0xb8;
	[tilespmem:$0x18100] =	vst v63  }
0x3a: {  	s10 =	simm.s32 $0x3100  }
0x3b: {  	[tilespmem:s10], [sflag:$0x1] =	stream.indirect_vreg.gather [hbm4b:s7+s2], $0x80, v5, vm0, $0xb8;
	[tilespmem:$0x18100] =	vst v63  }
0x3c: {  	s11 =	simm.s32 $0x3900  }
0x3d: {  	[tilespmem:s11], [sflag:$0x1] =	stream.indirect_vreg.gather [hbm4b:s8+s2], $0x80, v5, vm0, $0xb8;
	[tilespmem:$0x18100] =	vst v63  }
0x3e: {  	v5 =	vld [tilespmem:$0x10];
	_ =	sdelay $0x4  }
0x3f: {  	v6 =	vshll.u32 v5, $0x3  }
0x40: {  	v5 =	vand.u32 $0x7, v5;
	v6 =	vand.u32 $0xFFFFFFC0, v6  }
0x41: {  	v5 =	vor.u32 v5, v6  }
0x42: {  	v6 =	vperm.xlane v5, v2;
	_ =	sdelay $0x1  }
0x43: {  	v6 =	vadd.s32 v3, v6;
	_ =	sdelay $0x3  }
0x44: {  	s12 =	simm.s32 $0x4100  }
0x45: {  	[tilespmem:s12], [sflag:$0x1] =	stream.indirect_vreg.gather [hbm4b:s3+s2], $0x80, v6, vm0, $0xb8;
	[tilespmem:$0x18100] =	vst v63  }
0x46: {  	s13 =	simm.s32 $0x4900;
	v5 =	vperm.xlane v5, v4  }
0x47: {  	[tilespmem:s13], [sflag:$0x1] =	stream.indirect_vreg.gather [hbm4b:s6+s2], $0x80, v6, vm0, $0xb8;
	[tilespmem:$0x18100] =	vst v63  }
0x48: {  	s5 =	simm.s32 $0x5100;
	v5 =	vadd.s32 v3, v5  }
0x49: {  	[tilespmem:s5], [sflag:$0x1] =	stream.indirect_vreg.gather [hbm4b:s7+s2], $0x80, v6, vm0, $0xb8;
	[tilespmem:$0x18100] =	vst v63  }
0x4a: {  	s10 =	simm.s32 $0x5900  }
0x4b: {  	[tilespmem:s10], [sflag:$0x1] =	stream.indirect_vreg.gather [hbm4b:s8+s2], $0x80, v6, vm0, $0xb8;
	[tilespmem:$0x18100] =	vst v63  }
0x4c: {  	s11 =	simm.s32 $0x6100  }
0x4d: {  	[tilespmem:s11], [sflag:$0x1] =	stream.indirect_vreg.gather [hbm4b:s3+s2], $0x80, v5, vm0, $0xb8;
	[tilespmem:$0x18100] =	vst v63  }
0x4e: {  	s12 =	simm.s32 $0x6900  }
0x4f: {  	[tilespmem:s12], [sflag:$0x1] =	stream.indirect_vreg.gather [hbm4b:s6+s2], $0x80, v5, vm0, $0xb8;
	[tilespmem:$0x18100] =	vst v63  }
0x50: {  	s13 =	simm.s32 $0x7100  }
0x51: {  	[tilespmem:s13], [sflag:$0x1] =	stream.indirect_vreg.gather [hbm4b:s7+s2], $0x80, v5, vm0, $0xb8;
	[tilespmem:$0x18100] =	vst v63  }
0x52: {  	s5 =	simm.s32 $0x7900  }
0x53: {  	[tilespmem:s5], [sflag:$0x1] =	stream.indirect_vreg.gather [hbm4b:s8+s2], $0x80, v5, vm0, $0xb8;
	[tilespmem:$0x18100] =	vst v63  }
0x54: {  	v5 =	vld [tilespmem:$0x80];
	_ =	sdelay $0x4  }
0x55: {  	v6 =	vshll.u32 v5, $0x3  }
0x56: {  	v5 =	vand.u32 $0x7, v5;
	v6 =	vand.u32 $0xFFFFFFC0, v6  }
0x57: {  	v5 =	vor.u32 v5, v6  }
0x58: {  	v6 =	vperm.xlane v5, v2;
	_ =	sdelay $0x1  }
0x59: {  	v6 =	vadd.s32 v3, v6;
	_ =	sdelay $0x3  }
0x5a: {  	s10 =	simm.s32 $0x8100  }
0x5b: {  	[tilespmem:s10], [sflag:$0x2] =	stream.indirect_vreg.gather [hbm4b:s3+s2], $0x80, v6, vm0, $0xb8;
	[tilespmem:$0x18100] =	vst v63  }
0x5c: {  	v5 =	vperm.xlane v5, v4  }
0x5d: {  	[tilespmem:s14], [sflag:$0x2] =	stream.indirect_vreg.gather [hbm4b:s6+s2], $0x80, v6, vm0, $0xb8;
	[tilespmem:$0x18100] =	vst v63  }
0x5e: {  	v5 =	vadd.s32 v3, v5  }
0x5f: {  	[tilespmem:s15], [sflag:$0x2] =	stream.indirect_vreg.gather [hbm4b:s7+s2], $0x80, v6, vm0, $0xb8;
	[tilespmem:$0x18100] =	vst v63  }
0x60: {  	_ = 	snop  }
0x61: {  	[tilespmem:s16], [sflag:$0x2] =	stream.indirect_vreg.gather [hbm4b:s8+s2], $0x80, v6, vm0, $0xb8;
	[tilespmem:$0x18100] =	vst v63  }
0x62: {  	_ = 	snop  }
0x63: {  	[tilespmem:s17], [sflag:$0x2] =	stream.indirect_vreg.gather [hbm4b:s3+s2], $0x80, v5, vm0, $0xb8;
	[tilespmem:$0x18100] =	vst v63  }
0x64: {  	_ = 	snop  }
0x65: {  	[tilespmem:s18], [sflag:$0x2] =	stream.indirect_vreg.gather [hbm4b:s6+s2], $0x80, v5, vm0, $0xb8;
	[tilespmem:$0x18100] =	vst v63  }
0x66: {  	_ = 	snop  }
0x67: {  	[tilespmem:s19], [sflag:$0x2] =	stream.indirect_vreg.gather [hbm4b:s7+s2], $0x80, v5, vm0, $0xb8;
	[tilespmem:$0x18100] =	vst v63  }
0x68: {  	_ = 	snop  }
0x69: {  	[tilespmem:s9], [sflag:$0x2] =	stream.indirect_vreg.gather [hbm4b:s8+s2], $0x80, v5, vm0, $0xb8;
	[tilespmem:$0x18100] =	vst v63  }
0x6a: {  	v5 =	vld [tilespmem:$0x90];
	_ =	sdelay $0x4  }
0x6b: {  	v6 =	vshll.u32 v5, $0x3  }
0x6c: {  	v5 =	vand.u32 $0x7, v5;
	v6 =	vand.u32 $0xFFFFFFC0, v6  }
0x6d: {  	v5 =	vor.u32 v5, v6  }
0x6e: {  	v6 =	vperm.xlane v5, v2;
	_ =	sdelay $0x1  }
0x6f: {  	v6 =	vadd.s32 v3, v6;
	_ =	sdelay $0x4  }
0x70: {  	[tilespmem:s21], [sflag:$0x2] =	stream.indirect_vreg.gather [hbm4b:s3+s2], $0x80, v6, vm0, $0xb8;
	[tilespmem:$0x18100] =	vst v63  }
0x71: {  	v5 =	vperm.xlane v5, v4  }
0x72: {  	[tilespmem:s22], [sflag:$0x2] =	stream.indirect_vreg.gather [hbm4b:s6+s2], $0x80, v6, vm0, $0xb8;
	[tilespmem:$0x18100] =	vst v63  }
0x73: {  	v5 =	vadd.s32 v3, v5  }
0x74: {  	[tilespmem:s23], [sflag:$0x2] =	stream.indirect_vreg.gather [hbm4b:s7+s2], $0x80, v6, vm0, $0xb8;
	[tilespmem:$0x18100] =	vst v63  }
0x75: {  	_ = 	snop  }
0x76: {  	[tilespmem:s24], [sflag:$0x2] =	stream.indirect_vreg.gather [hbm4b:s8+s2], $0x80, v6, vm0, $0xb8;
	[tilespmem:$0x18100] =	vst v63  }
0x77: {  	_ = 	snop  }
0x78: {  	[tilespmem:s25], [sflag:$0x2] =	stream.indirect_vreg.gather [hbm4b:s3+s2], $0x80, v5, vm0, $0xb8;
	[tilespmem:$0x18100] =	vst v63  }
0x79: {  	_ = 	snop  }
0x7a: {  	[tilespmem:s26], [sflag:$0x2] =	stream.indirect_vreg.gather [hbm4b:s6+s2], $0x80, v5, vm0, $0xb8;
	[tilespmem:$0x18100] =	vst v63  }
0x7b: {  	_ = 	snop  }
0x7c: {  	[tilespmem:s28], [sflag:$0x2] =	stream.indirect_vreg.gather [hbm4b:s7+s2], $0x80, v5, vm0, $0xb8;
	[tilespmem:$0x18100] =	vst v63  }
0x7d: {  	_ = 	snop  }
0x7e: {  	[tilespmem:s29], [sflag:$0x2] =	stream.indirect_vreg.gather [hbm4b:s8+s2], $0x80, v5, vm0, $0xb8;
	[tilespmem:$0x18100] =	vst v63  }
0x7f: {  	_ =	swait.ge [sflag:s30], $0x8000  }
0x80: {  	s11 =	simm.s32 $0x0;
	[sflag:s30] =	ssyncset.done $0x0  }
0x81: {  	s4 =	sand.u32 $0x6000, s11;
	[sflag:s30] =	ssyncadd.s32 $0xFFFF8000  }
0x82: {  	s12 =	sand.u32 $0x1C00, s2;
	s10 =	simm.s32 $0x0;
	_ =	swait.ge [sflag:s31], $0x8000  }
0x83: {  	s4 =	sor.u32 s12, s4;
	s13 =	sand.u32 $0x380, s10;
	[sflag:s31] =	ssyncset.done $0x0  }
0x84: {  	s4 =	sor.u32 s13, s4;
	[sflag:s31] =	ssyncadd.s32 $0xFFFF8000  }
0x85: {  	v5 =	vld [tilespmem:s4+$0x170]  }
0x86: {  	v6 =	vld [tilespmem:s4+$0x8170]  }
0x87: {  	v7 =	vld [tilespmem:s4+$0x100]  }
0x88: {  	v10 =	vld [tilespmem:s4+$0x8100]  }
0x89: {  	v11 =	vld [tilespmem:s4+$0x110]  }
0x8a: {  	v12 =	vld [tilespmem:s4+$0x8110]  }
0x8b: {  	v8 =	vld [tilespmem:s4+$0x120]  }
0x8c: {  	v9 =	vld [tilespmem:s4+$0x8120];
	v6 =	vadd.f32 v6, v5  }
0x8d: {  	v5 =	vld [tilespmem:s4+$0x130];
	v10 =	vadd.f32 v10, v7  }
0x8e: {  	v7 =	vld [tilespmem:s4+$0x8130];
	[tilespmem:s4+$0x10170] =	vst v6  }
0x8f: {  	s5 =	simm.s32 $0x0;
	s10 =	simm.s32 $0x0;
	[tilespmem:s4+$0x10100] =	vst v10;
	v10 =	vadd.f32 v12, v11;
	v6 =	vld [tilespmem:s4+$0x140]  }
.LBB2_2:
0x90: {  	s5 =	sadd.s32 $0x8, s5;
	v11 =	vld [tilespmem:s4+$0x8140]  }
0x91: {  	s10 =	sadd.s32 $0x400, s10;
	s11 =	sshll.u32 s5, $0x4;
	p0 =	slt.u32 s5, $0x7F8;
	[tilespmem:s4+$0x10110] =	vst v10;
	v8 =	vadd.f32 v9, v8;
	v9 =	vld [tilespmem:s4+$0x150]  }
0x92: {  	s12 =	sand.u32 $0x1C00, s10;
	s13 =	sshll.u32 s5, $0x1;
	s11 =	sand.u32 $0x6000, s11;
	v10 =	vld [tilespmem:s4+$0x8150]  }
0x93: {  	s11 =	sor.u32 s12, s11;
	s12 =	sand.u32 $0x380, s13;
	[tilespmem:s4+$0x10120] =	vst v8;
	v5 =	vadd.f32 v7, v5;
	v7 =	vld [tilespmem:s4+$0x160]  }
0x94: {  	s11 =	sor.u32 s12, s11;
	v8 =	vld [tilespmem:s4+$0x8160]  }
0x95: {  	v12 =	vld [tilespmem:s11+$0x170];
	[tilespmem:s4+$0x10130] =	vst v5;
	v5 =	vadd.f32 v11, v6  }
0x96: {  	v6 =	vld [tilespmem:s11+$0x8170]  }
0x97: {  	v11 =	vld [tilespmem:s11+$0x100];
	[tilespmem:s4+$0x10140] =	vst v5;
	v5 =	vadd.f32 v10, v9  }
0x98: {  	v10 =	vld [tilespmem:s11+$0x8100]  }
0x99: {  	v13 =	vld [tilespmem:s11+$0x110];
	[tilespmem:s4+$0x10150] =	vst v5;
	v5 =	vadd.f32 v8, v7  }
0x9a: {  	v14 =	vld [tilespmem:s11+$0x8110]  }
.Ltmp0:
0x9b: {  	v8 =	vld [tilespmem:s11+$0x120];
	v6 =	vadd.f32 v6, v12;
	[tilespmem:s4+$0x10160] =	vst v5;
	s4 =	smov.u32 s11;
	(pc) =	sbr.rel @p0 .LBB2_2-.Ltmp0, $4  }
0x9c: {  	v9 =	vld [tilespmem:s4+$0x8120]  }
0x9d: {  	v10 =	vadd.f32 v10, v11;
	v5 =	vld [tilespmem:s4+$0x130];
	[tilespmem:s4+$0x10170] =	vst v6  }
0x9e: {  	v7 =	vld [tilespmem:s4+$0x8130]  }
0x9f: {  	[tilespmem:s4+$0x10100] =	vst v10;
	v10 =	vadd.f32 v14, v13;
	v6 =	vld [tilespmem:s4+$0x140]  }
0xa0: {  	v11 =	vld [tilespmem:s4+$0x8140]  }
0xa1: {  	v12 =	vld [tilespmem:s4+$0x8160]  }
0xa2: {  	v8 =	vadd.f32 v9, v8;
	v9 =	vld [tilespmem:s4+$0x150]  }
0xa3: {  	[tilespmem:s4+$0x10110] =	vst v10;
	v10 =	vld [tilespmem:s4+$0x8150]  }
0xa4: {  	[tilespmem:s4+$0x10120] =	vst v8;
	v8 =	vld [tilespmem:s4+$0x160];
	_ =	sdelay $0x1  }
0xa5: {  	v5 =	vadd.f32 v7, v5  }
0xa6: {  	v6 =	vadd.f32 v11, v6  }
0xa7: {  	[tilespmem:s4+$0x10130] =	vst v5;
	v5 =	vadd.f32 v10, v9  }
0xa8: {  	[tilespmem:s4+$0x10140] =	vst v6;
	v6 =	vadd.f32 v12, v8  }
0xa9: {  	[tilespmem:s4+$0x10150] =	vst v5  }
0xaa: {  	s5 =	rddreg [dreg:$0x5];
	[tilespmem:s4+$0x10160] =	vst v6;
	s4 =	simm.s32 $0x0  }
0xab: {  	[hbm4b:s5+s4] =	stream.linear.scatter [tilespmem:s0], [sflag:$0x3], $0x8000, $0x38;
	[tilespmem:$0x18100] =	vst v63  }
0xac: {  	_ =	swait.ge [sflag:s20], $0x8000  }
0xad: {  	[sflag:s20] =	ssyncset.done $0x0  }
0xae: {  	s12 =	rddreg [dreg:$0x6];
	[sflag:s20] =	ssyncadd.s32 $0xFFFF8000  }
0xaf: {  	[tilespmem:s4], [sflag:$0x3] =	stream.linear.gather [hbm4b:s12+s4], $0x20, $0x38;
	[tilespmem:$0x18100] =	vst v63  }
0xb0: {  	_ =	swait.ge [sflag:s20], $0x20  }
0xb1: {  	[sflag:s20] =	ssyncset.done $0x0  }
0xb2: {  	s10 =	simm.s32 $0x80;
	s13 =	rddreg [dreg:$0x7];
	[sflag:s20] =	ssyncadd.s32 $0xFFFFFFE0  }
0xb3: {  	[tilespmem:s10], [sflag:$0x3] =	stream.linear.gather [hbm4b:s13+s4], $0x20, $0x38;
	[tilespmem:$0x18100] =	vst v63  }
0xb4: {  	_ =	swait.ge [sflag:s20], $0x20  }
0xb5: {  	[sflag:s20] =	ssyncset.done $0x0  }
0xb6: {  	[sflag:s20] =	ssyncadd.s32 $0xFFFFFFE0  }
0xb7: {  	v5 =	vld [tilespmem:$0x0];
	_ =	sdelay $0x4  }
0xb8: {  	v5 =	vadd.s32 v0, v5  }
0xb9: {  	[tilespmem:$0x0] =	vst v5  }
0xba: {  	v5 =	vld [tilespmem:$0x0];
	_ =	sdelay $0x4  }
0xbb: {  	v6 =	vshll.u32 v5, $0x3  }
0xbc: {  	v7 =	vld [tilespmem:$0x80];
	v5 =	vand.u32 $0x7, v5;
	v6 =	vand.u32 $0xFFFFFFC0, v6  }
0xbd: {  	v8 =	vld [tilespmem:$0x10];
	v5 =	vor.u32 v5, v6  }
0xbe: {  	v6 =	vld [tilespmem:$0x90];
	v9 =	vperm.xlane v5, v2;
	_ =	sdelay $0x1  }
0xbf: {  	v9 =	vadd.s32 v3, v9  }
0xc0: {  	v7 =	vadd.s32 v1, v7  }
0xc1: {  	[tilespmem:$0x80] =	vst v7;
	v7 =	vadd.s32 v0, v8  }
0xc2: {  	[tilespmem:$0x10] =	vst v7;
	v6 =	vadd.s32 v1, v6  }
0xc3: {  	s10 =	simm.s32 $0x100;
	[tilespmem:$0x90] =	vst v6  }
0xc4: {  	[tilespmem:s10], [sflag:$0x1] =	stream.indirect_vreg.gather [hbm4b:s3+s4], $0x80, v9, vm0, $0xb8;
	[tilespmem:$0x18100] =	vst v63  }
0xc5: {  	s11 =	simm.s32 $0x900;
	v5 =	vperm.xlane v5, v4  }
0xc6: {  	[tilespmem:s11], [sflag:$0x1] =	stream.indirect_vreg.gather [hbm4b:s6+s4], $0x80, v9, vm0, $0xb8;
	[tilespmem:$0x18100] =	vst v63  }
0xc7: {  	s12 =	simm.s32 $0x1100;
	v5 =	vadd.s32 v3, v5  }
0xc8: {  	[tilespmem:s12], [sflag:$0x1] =	stream.indirect_vreg.gather [hbm4b:s7+s4], $0x80, v9, vm0, $0xb8;
	[tilespmem:$0x18100] =	vst v63  }
0xc9: {  	s13 =	simm.s32 $0x1900  }
0xca: {  	[tilespmem:s13], [sflag:$0x1] =	stream.indirect_vreg.gather [hbm4b:s8+s4], $0x80, v9, vm0, $0xb8;
	[tilespmem:$0x18100] =	vst v63  }
0xcb: {  	s10 =	simm.s32 $0x2100  }
0xcc: {  	[tilespmem:s10], [sflag:$0x1] =	stream.indirect_vreg.gather [hbm4b:s3+s4], $0x80, v5, vm0, $0xb8;
	[tilespmem:$0x18100] =	vst v63  }
0xcd: {  	s11 =	simm.s32 $0x2900  }
0xce: {  	[tilespmem:s11], [sflag:$0x1] =	stream.indirect_vreg.gather [hbm4b:s6+s4], $0x80, v5, vm0, $0xb8;
	[tilespmem:$0x18100] =	vst v63  }
0xcf: {  	s12 =	simm.s32 $0x3100  }
0xd0: {  	[tilespmem:s12], [sflag:$0x1] =	stream.indirect_vreg.gather [hbm4b:s7+s4], $0x80, v5, vm0, $0xb8;
	[tilespmem:$0x18100] =	vst v63  }
0xd1: {  	s13 =	simm.s32 $0x3900  }
0xd2: {  	[tilespmem:s13], [sflag:$0x1] =	stream.indirect_vreg.gather [hbm4b:s8+s4], $0x80, v5, vm0, $0xb8;
	[tilespmem:$0x18100] =	vst v63  }
0xd3: {  	v5 =	vld [tilespmem:$0x10];
	_ =	sdelay $0x4  }
0xd4: {  	v6 =	vshll.u32 v5, $0x3  }
0xd5: {  	v5 =	vand.u32 $0x7, v5;
	v6 =	vand.u32 $0xFFFFFFC0, v6  }
0xd6: {  	v5 =	vor.u32 v5, v6  }
0xd7: {  	v6 =	vperm.xlane v5, v2;
	_ =	sdelay $0x1  }
0xd8: {  	v6 =	vadd.s32 v3, v6;
	_ =	sdelay $0x3  }
0xd9: {  	s10 =	simm.s32 $0x4100  }
0xda: {  	[tilespmem:s10], [sflag:$0x1] =	stream.indirect_vreg.gather [hbm4b:s3+s4], $0x80, v6, vm0, $0xb8;
	[tilespmem:$0x18100] =	vst v63  }
0xdb: {  	s11 =	simm.s32 $0x4900;
	v5 =	vperm.xlane v5, v4  }
0xdc: {  	[tilespmem:s11], [sflag:$0x1] =	stream.indirect_vreg.gather [hbm4b:s6+s4], $0x80, v6, vm0, $0xb8;
	[tilespmem:$0x18100] =	vst v63  }
0xdd: {  	s12 =	simm.s32 $0x5100;
	v5 =	vadd.s32 v3, v5  }
0xde: {  	[tilespmem:s12], [sflag:$0x1] =	stream.indirect_vreg.gather [hbm4b:s7+s4], $0x80, v6, vm0, $0xb8;
	[tilespmem:$0x18100] =	vst v63  }
0xdf: {  	s13 =	simm.s32 $0x5900  }
0xe0: {  	[tilespmem:s13], [sflag:$0x1] =	stream.indirect_vreg.gather [hbm4b:s8+s4], $0x80, v6, vm0, $0xb8;
	[tilespmem:$0x18100] =	vst v63  }
0xe1: {  	s10 =	simm.s32 $0x6100  }
0xe2: {  	[tilespmem:s10], [sflag:$0x1] =	stream.indirect_vreg.gather [hbm4b:s3+s4], $0x80, v5, vm0, $0xb8;
	[tilespmem:$0x18100] =	vst v63  }
0xe3: {  	s11 =	simm.s32 $0x6900  }
0xe4: {  	[tilespmem:s11], [sflag:$0x1] =	stream.indirect_vreg.gather [hbm4b:s6+s4], $0x80, v5, vm0, $0xb8;
	[tilespmem:$0x18100] =	vst v63  }
0xe5: {  	s12 =	simm.s32 $0x7100  }
0xe6: {  	[tilespmem:s12], [sflag:$0x1] =	stream.indirect_vreg.gather [hbm4b:s7+s4], $0x80, v5, vm0, $0xb8;
	[tilespmem:$0x18100] =	vst v63  }
0xe7: {  	s13 =	simm.s32 $0x7900  }
0xe8: {  	[tilespmem:s13], [sflag:$0x1] =	stream.indirect_vreg.gather [hbm4b:s8+s4], $0x80, v5, vm0, $0xb8;
	[tilespmem:$0x18100] =	vst v63  }
0xe9: {  	v5 =	vld [tilespmem:$0x80];
	_ =	sdelay $0x4  }
0xea: {  	v6 =	vshll.u32 v5, $0x3  }
0xeb: {  	v5 =	vand.u32 $0x7, v5;
	v6 =	vand.u32 $0xFFFFFFC0, v6  }
0xec: {  	v5 =	vor.u32 v5, v6  }
0xed: {  	v6 =	vperm.xlane v5, v2;
	_ =	sdelay $0x1  }
0xee: {  	v6 =	vadd.s32 v3, v6;
	_ =	sdelay $0x3  }
0xef: {  	s10 =	simm.s32 $0x8100  }
0xf0: {  	[tilespmem:s10], [sflag:$0x2] =	stream.indirect_vreg.gather [hbm4b:s3+s4], $0x80, v6, vm0, $0xb8;
	[tilespmem:$0x18100] =	vst v63  }
0xf1: {  	v5 =	vperm.xlane v5, v4  }
0xf2: {  	[tilespmem:s14], [sflag:$0x2] =	stream.indirect_vreg.gather [hbm4b:s6+s4], $0x80, v6, vm0, $0xb8;
	[tilespmem:$0x18100] =	vst v63  }
0xf3: {  	v5 =	vadd.s32 v3, v5  }
0xf4: {  	[tilespmem:s15], [sflag:$0x2] =	stream.indirect_vreg.gather [hbm4b:s7+s4], $0x80, v6, vm0, $0xb8;
	[tilespmem:$0x18100] =	vst v63  }
0xf5: {  	_ = 	snop  }
0xf6: {  	[tilespmem:s16], [sflag:$0x2] =	stream.indirect_vreg.gather [hbm4b:s8+s4], $0x80, v6, vm0, $0xb8;
	[tilespmem:$0x18100] =	vst v63  }
0xf7: {  	_ = 	snop  }
0xf8: {  	[tilespmem:s17], [sflag:$0x2] =	stream.indirect_vreg.gather [hbm4b:s3+s4], $0x80, v5, vm0, $0xb8;
	[tilespmem:$0x18100] =	vst v63  }
0xf9: {  	_ = 	snop  }
0xfa: {  	[tilespmem:s18], [sflag:$0x2] =	stream.indirect_vreg.gather [hbm4b:s6+s4], $0x80, v5, vm0, $0xb8;
	[tilespmem:$0x18100] =	vst v63  }
0xfb: {  	_ = 	snop  }
0xfc: {  	[tilespmem:s19], [sflag:$0x2] =	stream.indirect_vreg.gather [hbm4b:s7+s4], $0x80, v5, vm0, $0xb8;
	[tilespmem:$0x18100] =	vst v63  }
0xfd: {  	_ = 	snop  }
0xfe: {  	[tilespmem:s9], [sflag:$0x2] =	stream.indirect_vreg.gather [hbm4b:s8+s4], $0x80, v5, vm0, $0xb8;
	[tilespmem:$0x18100] =	vst v63  }
0xff: {  	v5 =	vld [tilespmem:$0x90];
	_ =	sdelay $0x4  }
0x100: {  	v6 =	vshll.u32 v5, $0x3  }
0x101: {  	v5 =	vand.u32 $0x7, v5;
	v6 =	vand.u32 $0xFFFFFFC0, v6  }
0x102: {  	v5 =	vor.u32 v5, v6  }
0x103: {  	v6 =	vperm.xlane v5, v2;
	_ =	sdelay $0x1  }
0x104: {  	v6 =	vadd.s32 v3, v6;
	_ =	sdelay $0x4  }
0x105: {  	[tilespmem:s21], [sflag:$0x2] =	stream.indirect_vreg.gather [hbm4b:s3+s4], $0x80, v6, vm0, $0xb8;
	[tilespmem:$0x18100] =	vst v63  }
0x106: {  	v5 =	vperm.xlane v5, v4  }
0x107: {  	[tilespmem:s22], [sflag:$0x2] =	stream.indirect_vreg.gather [hbm4b:s6+s4], $0x80, v6, vm0, $0xb8;
	[tilespmem:$0x18100] =	vst v63  }
0x108: {  	v5 =	vadd.s32 v3, v5  }
0x109: {  	[tilespmem:s23], [sflag:$0x2] =	stream.indirect_vreg.gather [hbm4b:s7+s4], $0x80, v6, vm0, $0xb8;
	[tilespmem:$0x18100] =	vst v63  }
0x10a: {  	_ = 	snop  }
0x10b: {  	[tilespmem:s24], [sflag:$0x2] =	stream.indirect_vreg.gather [hbm4b:s8+s4], $0x80, v6, vm0, $0xb8;
	[tilespmem:$0x18100] =	vst v63  }
0x10c: {  	_ = 	snop  }
0x10d: {  	[tilespmem:s25], [sflag:$0x2] =	stream.indirect_vreg.gather [hbm4b:s3+s4], $0x80, v5, vm0, $0xb8;
	[tilespmem:$0x18100] =	vst v63  }
0x10e: {  	_ = 	snop  }
0x10f: {  	[tilespmem:s26], [sflag:$0x2] =	stream.indirect_vreg.gather [hbm4b:s6+s4], $0x80, v5, vm0, $0xb8;
	[tilespmem:$0x18100] =	vst v63  }
0x110: {  	_ = 	snop  }
0x111: {  	[tilespmem:s28], [sflag:$0x2] =	stream.indirect_vreg.gather [hbm4b:s7+s4], $0x80, v5, vm0, $0xb8;
	[tilespmem:$0x18100] =	vst v63  }
0x112: {  	_ = 	snop  }
0x113: {  	[tilespmem:s29], [sflag:$0x2] =	stream.indirect_vreg.gather [hbm4b:s8+s4], $0x80, v5, vm0, $0xb8;
	[tilespmem:$0x18100] =	vst v63  }
0x114: {  	_ =	swait.ge [sflag:s30], $0x8000  }
0x115: {  	s11 =	simm.s32 $0x0;
	[sflag:s30] =	ssyncset.done $0x0  }
0x116: {  	s5 =	sand.u32 $0x6000, s11;
	[sflag:s30] =	ssyncadd.s32 $0xFFFF8000  }
0x117: {  	s11 =	simm.s32 $0x0;
	s12 =	sand.u32 $0x1C00, s4;
	_ =	swait.ge [sflag:s31], $0x8000  }
0x118: {  	s5 =	sor.u32 s12, s5;
	s13 =	sand.u32 $0x380, s11;
	[sflag:s31] =	ssyncset.done $0x0  }
0x119: {  	s5 =	sor.u32 s13, s5;
	[sflag:s31] =	ssyncadd.s32 $0xFFFF8000  }
0x11a: {  	v5 =	vld [tilespmem:s5+$0x170]  }
0x11b: {  	v6 =	vld [tilespmem:s5+$0x8170]  }
0x11c: {  	v7 =	vld [tilespmem:s5+$0x100]  }
0x11d: {  	v10 =	vld [tilespmem:s5+$0x8100]  }
0x11e: {  	v11 =	vld [tilespmem:s5+$0x110]  }
0x11f: {  	v63 =	vld [tilespmem:s5+$0x8110]  }
0x120: {  	v8 =	vld [tilespmem:s5+$0x120]  }
0x121: {  	v9 =	vld [tilespmem:s5+$0x8120];
	v6 =	vadd.f32 v6, v5  }
0x122: {  	v5 =	vld [tilespmem:s5+$0x130];
	v10 =	vadd.f32 v10, v7  }
0x123: {  	v7 =	vld [tilespmem:s5+$0x8130];
	[tilespmem:s5+$0x10170] =	vst v6  }
0x124: {  	s10 =	simm.s32 $0x0;
	[tilespmem:s5+$0x10100] =	vst v10;
	v10 =	vadd.f32 v63, v11;
	v6 =	vld [tilespmem:s5+$0x140]  }
.LBB2_4:
0x125: {  	s10 =	sadd.s32 $0x8, s10;
	v11 =	vld [tilespmem:s5+$0x8140]  }
0x126: {  	s4 =	sadd.s32 $0x400, s4;
	s11 =	sshll.u32 s10, $0x4;
	p0 =	slt.u32 s10, $0x7F8;
	[tilespmem:s5+$0x10110] =	vst v10;
	v8 =	vadd.f32 v9, v8;
	v9 =	vld [tilespmem:s5+$0x150]  }
0x127: {  	s12 =	sand.u32 $0x1C00, s4;
	s13 =	sshll.u32 s10, $0x1;
	s11 =	sand.u32 $0x6000, s11;
	v10 =	vld [tilespmem:s5+$0x8150]  }
0x128: {  	s11 =	sor.u32 s12, s11;
	s12 =	sand.u32 $0x380, s13;
	[tilespmem:s5+$0x10120] =	vst v8;
	v5 =	vadd.f32 v7, v5;
	v7 =	vld [tilespmem:s5+$0x160]  }
0x129: {  	s11 =	sor.u32 s12, s11;
	v8 =	vld [tilespmem:s5+$0x8160]  }
0x12a: {  	v12 =	vld [tilespmem:s11+$0x170];
	[tilespmem:s5+$0x10130] =	vst v5;
	v5 =	vadd.f32 v11, v6  }
0x12b: {  	v6 =	vld [tilespmem:s11+$0x8170]  }
0x12c: {  	v11 =	vld [tilespmem:s11+$0x100];
	[tilespmem:s5+$0x10140] =	vst v5;
	v5 =	vadd.f32 v10, v9  }
0x12d: {  	v10 =	vld [tilespmem:s11+$0x8100]  }
0x12e: {  	v13 =	vld [tilespmem:s11+$0x110];
	[tilespmem:s5+$0x10150] =	vst v5;
	v5 =	vadd.f32 v8, v7  }
0x12f: {  	v14 =	vld [tilespmem:s11+$0x8110]  }
.Ltmp1:
0x130: {  	v8 =	vld [tilespmem:s11+$0x120];
	v6 =	vadd.f32 v6, v12;
	[tilespmem:s5+$0x10160] =	vst v5;
	s5 =	smov.u32 s11;
	(pc) =	sbr.rel @p0 .LBB2_4-.Ltmp1, $4  }
0x131: {  	v9 =	vld [tilespmem:s5+$0x8120]  }
0x132: {  	v10 =	vadd.f32 v10, v11;
	v5 =	vld [tilespmem:s5+$0x130];
	[tilespmem:s5+$0x10170] =	vst v6  }
0x133: {  	v7 =	vld [tilespmem:s5+$0x8130]  }
0x134: {  	[tilespmem:s5+$0x10100] =	vst v10;
	v10 =	vadd.f32 v14, v13;
	v6 =	vld [tilespmem:s5+$0x140]  }
0x135: {  	v11 =	vld [tilespmem:s5+$0x8140]  }
0x136: {  	v12 =	vld [tilespmem:s5+$0x8160]  }
0x137: {  	v8 =	vadd.f32 v9, v8;
	v9 =	vld [tilespmem:s5+$0x150]  }
0x138: {  	[tilespmem:s5+$0x10110] =	vst v10;
	v10 =	vld [tilespmem:s5+$0x8150]  }
0x139: {  	[tilespmem:s5+$0x10120] =	vst v8;
	v8 =	vld [tilespmem:s5+$0x160];
	_ =	sdelay $0x1  }
0x13a: {  	v5 =	vadd.f32 v7, v5  }
0x13b: {  	v6 =	vadd.f32 v11, v6  }
0x13c: {  	[tilespmem:s5+$0x10130] =	vst v5;
	v5 =	vadd.f32 v10, v9  }
0x13d: {  	[tilespmem:s5+$0x10140] =	vst v6;
	v6 =	vadd.f32 v12, v8  }
0x13e: {  	[tilespmem:s5+$0x10150] =	vst v5  }
0x13f: {  	s4 =	simm.s32 $0x0;
	s11 =	rddreg [dreg:$0x8];
	[tilespmem:s5+$0x10160] =	vst v6  }
0x140: {  	[hbm4b:s11+s4] =	stream.linear.scatter [tilespmem:s0], [sflag:$0x3], $0x8000, $0x38;
	[tilespmem:$0x18100] =	vst v63  }
0x141: {  	_ =	swait.ge [sflag:s20], $0x8000  }
0x142: {  	[sflag:s20] =	ssyncset.done $0x0  }
0x143: {  	s12 =	rddreg [dreg:$0x9];
	[sflag:s20] =	ssyncadd.s32 $0xFFFF8000  }
0x144: {  	[tilespmem:s4], [sflag:$0x3] =	stream.linear.gather [hbm4b:s12+s4], $0x20, $0x38;
	[tilespmem:$0x18100] =	vst v63  }
0x145: {  	_ =	swait.ge [sflag:s20], $0x20  }
0x146: {  	[sflag:s20] =	ssyncset.done $0x0  }
0x147: {  	s10 =	simm.s32 $0x80;
	s13 =	rddreg [dreg:$0xa];
	[sflag:s20] =	ssyncadd.s32 $0xFFFFFFE0  }
0x148: {  	[tilespmem:s10], [sflag:$0x3] =	stream.linear.gather [hbm4b:s13+s4], $0x20, $0x38;
	[tilespmem:$0x18100] =	vst v63  }
0x149: {  	_ =	swait.ge [sflag:s20], $0x20  }
0x14a: {  	[sflag:s20] =	ssyncset.done $0x0  }
0x14b: {  	[sflag:s20] =	ssyncadd.s32 $0xFFFFFFE0  }
0x14c: {  	v5 =	vld [tilespmem:$0x0];
	_ =	sdelay $0x4  }
0x14d: {  	v5 =	vadd.s32 v0, v5  }
0x14e: {  	[tilespmem:$0x0] =	vst v5  }
0x14f: {  	v5 =	vld [tilespmem:$0x0];
	_ =	sdelay $0x4  }
0x150: {  	v6 =	vshll.u32 v5, $0x3  }
0x151: {  	v7 =	vld [tilespmem:$0x80];
	v5 =	vand.u32 $0x7, v5;
	v6 =	vand.u32 $0xFFFFFFC0, v6  }
0x152: {  	v8 =	vld [tilespmem:$0x10];
	v5 =	vor.u32 v5, v6  }
0x153: {  	v6 =	vld [tilespmem:$0x90];
	v9 =	vperm.xlane v5, v2;
	_ =	sdelay $0x1  }
0x154: {  	v9 =	vadd.s32 v3, v9  }
0x155: {  	v7 =	vadd.s32 v1, v7  }
0x156: {  	[tilespmem:$0x80] =	vst v7;
	v7 =	vadd.s32 v0, v8  }
0x157: {  	[tilespmem:$0x10] =	vst v7;
	v6 =	vadd.s32 v1, v6  }
0x158: {  	s10 =	simm.s32 $0x100;
	[tilespmem:$0x90] =	vst v6  }
0x159: {  	[tilespmem:s10], [sflag:$0x1] =	stream.indirect_vreg.gather [hbm4b:s3+s4], $0x80, v9, vm0, $0xb8;
	[tilespmem:$0x18100] =	vst v63  }
0x15a: {  	s11 =	simm.s32 $0x900;
	v5 =	vperm.xlane v5, v4  }
0x15b: {  	[tilespmem:s11], [sflag:$0x1] =	stream.indirect_vreg.gather [hbm4b:s6+s4], $0x80, v9, vm0, $0xb8;
	[tilespmem:$0x18100] =	vst v63  }
0x15c: {  	s12 =	simm.s32 $0x1100;
	v5 =	vadd.s32 v3, v5  }
0x15d: {  	[tilespmem:s12], [sflag:$0x1] =	stream.indirect_vreg.gather [hbm4b:s7+s4], $0x80, v9, vm0, $0xb8;
	[tilespmem:$0x18100] =	vst v63  }
0x15e: {  	s13 =	simm.s32 $0x1900  }
0x15f: {  	[tilespmem:s13], [sflag:$0x1] =	stream.indirect_vreg.gather [hbm4b:s8+s4], $0x80, v9, vm0, $0xb8;
	[tilespmem:$0x18100] =	vst v63  }
0x160: {  	s10 =	simm.s32 $0x2100  }
0x161: {  	[tilespmem:s10], [sflag:$0x1] =	stream.indirect_vreg.gather [hbm4b:s3+s4], $0x80, v5, vm0, $0xb8;
	[tilespmem:$0x18100] =	vst v63  }
0x162: {  	s11 =	simm.s32 $0x2900  }
0x163: {  	[tilespmem:s11], [sflag:$0x1] =	stream.indirect_vreg.gather [hbm4b:s6+s4], $0x80, v5, vm0, $0xb8;
	[tilespmem:$0x18100] =	vst v63  }
0x164: {  	s12 =	simm.s32 $0x3100  }
0x165: {  	[tilespmem:s12], [sflag:$0x1] =	stream.indirect_vreg.gather [hbm4b:s7+s4], $0x80, v5, vm0, $0xb8;
	[tilespmem:$0x18100] =	vst v63  }
0x166: {  	s13 =	simm.s32 $0x3900  }
0x167: {  	[tilespmem:s13], [sflag:$0x1] =	stream.indirect_vreg.gather [hbm4b:s8+s4], $0x80, v5, vm0, $0xb8;
	[tilespmem:$0x18100] =	vst v63  }
0x168: {  	v5 =	vld [tilespmem:$0x10];
	_ =	sdelay $0x4  }
0x169: {  	v6 =	vshll.u32 v5, $0x3  }
0x16a: {  	v5 =	vand.u32 $0x7, v5;
	v6 =	vand.u32 $0xFFFFFFC0, v6  }
0x16b: {  	v5 =	vor.u32 v5, v6  }
0x16c: {  	v6 =	vperm.xlane v5, v2;
	_ =	sdelay $0x1  }
0x16d: {  	v6 =	vadd.s32 v3, v6;
	_ =	sdelay $0x3  }
0x16e: {  	s10 =	simm.s32 $0x4100  }
0x16f: {  	[tilespmem:s10], [sflag:$0x1] =	stream.indirect_vreg.gather [hbm4b:s3+s4], $0x80, v6, vm0, $0xb8;
	[tilespmem:$0x18100] =	vst v63  }
0x170: {  	s11 =	simm.s32 $0x4900;
	v5 =	vperm.xlane v5, v4  }
0x171: {  	[tilespmem:s11], [sflag:$0x1] =	stream.indirect_vreg.gather [hbm4b:s6+s4], $0x80, v6, vm0, $0xb8;
	[tilespmem:$0x18100] =	vst v63  }
0x172: {  	s12 =	simm.s32 $0x5100;
	v5 =	vadd.s32 v3, v5  }
0x173: {  	[tilespmem:s12], [sflag:$0x1] =	stream.indirect_vreg.gather [hbm4b:s7+s4], $0x80, v6, vm0, $0xb8;
	[tilespmem:$0x18100] =	vst v63  }
0x174: {  	s13 =	simm.s32 $0x5900  }
0x175: {  	[tilespmem:s13], [sflag:$0x1] =	stream.indirect_vreg.gather [hbm4b:s8+s4], $0x80, v6, vm0, $0xb8;
	[tilespmem:$0x18100] =	vst v63  }
0x176: {  	s10 =	simm.s32 $0x6100  }
0x177: {  	[tilespmem:s10], [sflag:$0x1] =	stream.indirect_vreg.gather [hbm4b:s3+s4], $0x80, v5, vm0, $0xb8;
	[tilespmem:$0x18100] =	vst v63  }
0x178: {  	s11 =	simm.s32 $0x6900  }
0x179: {  	[tilespmem:s11], [sflag:$0x1] =	stream.indirect_vreg.gather [hbm4b:s6+s4], $0x80, v5, vm0, $0xb8;
	[tilespmem:$0x18100] =	vst v63  }
0x17a: {  	s12 =	simm.s32 $0x7100  }
0x17b: {  	[tilespmem:s12], [sflag:$0x1] =	stream.indirect_vreg.gather [hbm4b:s7+s4], $0x80, v5, vm0, $0xb8;
	[tilespmem:$0x18100] =	vst v63  }
0x17c: {  	s13 =	simm.s32 $0x7900  }
0x17d: {  	[tilespmem:s13], [sflag:$0x1] =	stream.indirect_vreg.gather [hbm4b:s8+s4], $0x80, v5, vm0, $0xb8;
	[tilespmem:$0x18100] =	vst v63  }
0x17e: {  	v5 =	vld [tilespmem:$0x80];
	_ =	sdelay $0x4  }
0x17f: {  	v6 =	vshll.u32 v5, $0x3  }
0x180: {  	v5 =	vand.u32 $0x7, v5;
	v6 =	vand.u32 $0xFFFFFFC0, v6  }
0x181: {  	v5 =	vor.u32 v5, v6  }
0x182: {  	v6 =	vperm.xlane v5, v2;
	_ =	sdelay $0x1  }
0x183: {  	v6 =	vadd.s32 v3, v6;
	_ =	sdelay $0x3  }
0x184: {  	s10 =	simm.s32 $0x8100  }
0x185: {  	[tilespmem:s10], [sflag:$0x2] =	stream.indirect_vreg.gather [hbm4b:s3+s4], $0x80, v6, vm0, $0xb8;
	[tilespmem:$0x18100] =	vst v63  }
0x186: {  	v5 =	vperm.xlane v5, v4  }
0x187: {  	[tilespmem:s14], [sflag:$0x2] =	stream.indirect_vreg.gather [hbm4b:s6+s4], $0x80, v6, vm0, $0xb8;
	[tilespmem:$0x18100] =	vst v63  }
0x188: {  	v5 =	vadd.s32 v3, v5  }
0x189: {  	[tilespmem:s15], [sflag:$0x2] =	stream.indirect_vreg.gather [hbm4b:s7+s4], $0x80, v6, vm0, $0xb8;
	[tilespmem:$0x18100] =	vst v63  }
0x18a: {  	_ = 	snop  }
0x18b: {  	[tilespmem:s16], [sflag:$0x2] =	stream.indirect_vreg.gather [hbm4b:s8+s4], $0x80, v6, vm0, $0xb8;
	[tilespmem:$0x18100] =	vst v63  }
0x18c: {  	_ = 	snop  }
0x18d: {  	[tilespmem:s17], [sflag:$0x2] =	stream.indirect_vreg.gather [hbm4b:s3+s4], $0x80, v5, vm0, $0xb8;
	[tilespmem:$0x18100] =	vst v63  }
0x18e: {  	_ = 	snop  }
0x18f: {  	[tilespmem:s18], [sflag:$0x2] =	stream.indirect_vreg.gather [hbm4b:s6+s4], $0x80, v5, vm0, $0xb8;
	[tilespmem:$0x18100] =	vst v63  }
0x190: {  	_ = 	snop  }
0x191: {  	[tilespmem:s19], [sflag:$0x2] =	stream.indirect_vreg.gather [hbm4b:s7+s4], $0x80, v5, vm0, $0xb8;
	[tilespmem:$0x18100] =	vst v63  }
0x192: {  	_ = 	snop  }
0x193: {  	[tilespmem:s9], [sflag:$0x2] =	stream.indirect_vreg.gather [hbm4b:s8+s4], $0x80, v5, vm0, $0xb8;
	[tilespmem:$0x18100] =	vst v63  }
0x194: {  	v5 =	vld [tilespmem:$0x90];
	_ =	sdelay $0x4  }
0x195: {  	v6 =	vshll.u32 v5, $0x3  }
0x196: {  	v5 =	vand.u32 $0x7, v5;
	v6 =	vand.u32 $0xFFFFFFC0, v6  }
0x197: {  	v5 =	vor.u32 v5, v6  }
0x198: {  	v6 =	vperm.xlane v5, v2;
	_ =	sdelay $0x1  }
0x199: {  	v6 =	vadd.s32 v3, v6;
	_ =	sdelay $0x4  }
0x19a: {  	[tilespmem:s21], [sflag:$0x2] =	stream.indirect_vreg.gather [hbm4b:s3+s4], $0x80, v6, vm0, $0xb8;
	[tilespmem:$0x18100] =	vst v63  }
0x19b: {  	v5 =	vperm.xlane v5, v4  }
0x19c: {  	[tilespmem:s22], [sflag:$0x2] =	stream.indirect_vreg.gather [hbm4b:s6+s4], $0x80, v6, vm0, $0xb8;
	[tilespmem:$0x18100] =	vst v63  }
0x19d: {  	v5 =	vadd.s32 v3, v5  }
0x19e: {  	[tilespmem:s23], [sflag:$0x2] =	stream.indirect_vreg.gather [hbm4b:s7+s4], $0x80, v6, vm0, $0xb8;
	[tilespmem:$0x18100] =	vst v63  }
0x19f: {  	_ = 	snop  }
0x1a0: {  	[tilespmem:s24], [sflag:$0x2] =	stream.indirect_vreg.gather [hbm4b:s8+s4], $0x80, v6, vm0, $0xb8;
	[tilespmem:$0x18100] =	vst v63  }
0x1a1: {  	_ = 	snop  }
0x1a2: {  	[tilespmem:s25], [sflag:$0x2] =	stream.indirect_vreg.gather [hbm4b:s3+s4], $0x80, v5, vm0, $0xb8;
	[tilespmem:$0x18100] =	vst v63  }
0x1a3: {  	_ = 	snop  }
0x1a4: {  	[tilespmem:s26], [sflag:$0x2] =	stream.indirect_vreg.gather [hbm4b:s6+s4], $0x80, v5, vm0, $0xb8;
	[tilespmem:$0x18100] =	vst v63  }
0x1a5: {  	_ = 	snop  }
0x1a6: {  	[tilespmem:s28], [sflag:$0x2] =	stream.indirect_vreg.gather [hbm4b:s7+s4], $0x80, v5, vm0, $0xb8;
	[tilespmem:$0x18100] =	vst v63  }
0x1a7: {  	_ = 	snop  }
0x1a8: {  	[tilespmem:s29], [sflag:$0x2] =	stream.indirect_vreg.gather [hbm4b:s8+s4], $0x80, v5, vm0, $0xb8;
	[tilespmem:$0x18100] =	vst v63  }
0x1a9: {  	_ =	swait.ge [sflag:s30], $0x8000  }
0x1aa: {  	s11 =	simm.s32 $0x0;
	[sflag:s30] =	ssyncset.done $0x0  }
0x1ab: {  	s5 =	sand.u32 $0x6000, s11;
	[sflag:s30] =	ssyncadd.s32 $0xFFFF8000  }
0x1ac: {  	s11 =	simm.s32 $0x0;
	s12 =	sand.u32 $0x1C00, s4;
	_ =	swait.ge [sflag:s31], $0x8000  }
0x1ad: {  	s5 =	sor.u32 s12, s5;
	s13 =	sand.u32 $0x380, s11;
	[sflag:s31] =	ssyncset.done $0x0  }
0x1ae: {  	s5 =	sor.u32 s13, s5;
	[sflag:s31] =	ssyncadd.s32 $0xFFFF8000  }
0x1af: {  	v5 =	vld [tilespmem:s5+$0x170]  }
0x1b0: {  	v6 =	vld [tilespmem:s5+$0x8170]  }
0x1b1: {  	v7 =	vld [tilespmem:s5+$0x100]  }
0x1b2: {  	v10 =	vld [tilespmem:s5+$0x8100]  }
0x1b3: {  	v11 =	vld [tilespmem:s5+$0x110]  }
0x1b4: {  	v63 =	vld [tilespmem:s5+$0x8110]  }
0x1b5: {  	v8 =	vld [tilespmem:s5+$0x120]  }
0x1b6: {  	v9 =	vld [tilespmem:s5+$0x8120];
	v6 =	vadd.f32 v6, v5  }
0x1b7: {  	v5 =	vld [tilespmem:s5+$0x130];
	v10 =	vadd.f32 v10, v7  }
0x1b8: {  	v7 =	vld [tilespmem:s5+$0x8130];
	[tilespmem:s5+$0x10170] =	vst v6  }
0x1b9: {  	s10 =	simm.s32 $0x0;
	[tilespmem:s5+$0x10100] =	vst v10;
	v10 =	vadd.f32 v63, v11;
	v6 =	vld [tilespmem:s5+$0x140]  }
.LBB2_6:
0x1ba: {  	s10 =	sadd.s32 $0x8, s10;
	v11 =	vld [tilespmem:s5+$0x8140]  }
0x1bb: {  	s4 =	sadd.s32 $0x400, s4;
	s11 =	sshll.u32 s10, $0x4;
	p0 =	slt.u32 s10, $0x7F8;
	[tilespmem:s5+$0x10110] =	vst v10;
	v8 =	vadd.f32 v9, v8;
	v9 =	vld [tilespmem:s5+$0x150]  }
0x1bc: {  	s12 =	sand.u32 $0x1C00, s4;
	s13 =	sshll.u32 s10, $0x1;
	s11 =	sand.u32 $0x6000, s11;
	v10 =	vld [tilespmem:s5+$0x8150]  }
0x1bd: {  	s11 =	sor.u32 s12, s11;
	s12 =	sand.u32 $0x380, s13;
	[tilespmem:s5+$0x10120] =	vst v8;
	v5 =	vadd.f32 v7, v5;
	v7 =	vld [tilespmem:s5+$0x160]  }
0x1be: {  	s11 =	sor.u32 s12, s11;
	v8 =	vld [tilespmem:s5+$0x8160]  }
0x1bf: {  	v12 =	vld [tilespmem:s11+$0x170];
	[tilespmem:s5+$0x10130] =	vst v5;
	v5 =	vadd.f32 v11, v6  }
0x1c0: {  	v6 =	vld [tilespmem:s11+$0x8170]  }
0x1c1: {  	v11 =	vld [tilespmem:s11+$0x100];
	[tilespmem:s5+$0x10140] =	vst v5;
	v5 =	vadd.f32 v10, v9  }
0x1c2: {  	v10 =	vld [tilespmem:s11+$0x8100]  }
0x1c3: {  	v13 =	vld [tilespmem:s11+$0x110];
	[tilespmem:s5+$0x10150] =	vst v5;
	v5 =	vadd.f32 v8, v7  }
0x1c4: {  	v14 =	vld [tilespmem:s11+$0x8110]  }
.Ltmp2:
0x1c5: {  	v8 =	vld [tilespmem:s11+$0x120];
	v6 =	vadd.f32 v6, v12;
	[tilespmem:s5+$0x10160] =	vst v5;
	s5 =	smov.u32 s11;
	(pc) =	sbr.rel @p0 .LBB2_6-.Ltmp2, $4  }
0x1c6: {  	v9 =	vld [tilespmem:s5+$0x8120]  }
0x1c7: {  	v10 =	vadd.f32 v10, v11;
	v5 =	vld [tilespmem:s5+$0x130];
	[tilespmem:s5+$0x10170] =	vst v6  }
0x1c8: {  	v7 =	vld [tilespmem:s5+$0x8130]  }
0x1c9: {  	[tilespmem:s5+$0x10100] =	vst v10;
	v10 =	vadd.f32 v14, v13;
	v6 =	vld [tilespmem:s5+$0x140]  }
0x1ca: {  	v11 =	vld [tilespmem:s5+$0x8140]  }
0x1cb: {  	v12 =	vld [tilespmem:s5+$0x8160]  }
0x1cc: {  	v8 =	vadd.f32 v9, v8;
	v9 =	vld [tilespmem:s5+$0x150]  }
0x1cd: {  	[tilespmem:s5+$0x10110] =	vst v10;
	v10 =	vld [tilespmem:s5+$0x8150]  }
0x1ce: {  	[tilespmem:s5+$0x10120] =	vst v8;
	v8 =	vld [tilespmem:s5+$0x160];
	_ =	sdelay $0x1  }
0x1cf: {  	v5 =	vadd.f32 v7, v5  }
0x1d0: {  	v6 =	vadd.f32 v11, v6  }
0x1d1: {  	[tilespmem:s5+$0x10130] =	vst v5;
	v5 =	vadd.f32 v10, v9  }
0x1d2: {  	[tilespmem:s5+$0x10140] =	vst v6;
	v6 =	vadd.f32 v12, v8  }
0x1d3: {  	[tilespmem:s5+$0x10150] =	vst v5  }
0x1d4: {  	s4 =	simm.s32 $0x0;
	s11 =	rddreg [dreg:$0xb];
	[tilespmem:s5+$0x10160] =	vst v6  }
0x1d5: {  	[hbm4b:s11+s4] =	stream.linear.scatter [tilespmem:s0], [sflag:$0x3], $0x8000, $0x38;
	[tilespmem:$0x18100] =	vst v63  }
0x1d6: {  	_ =	swait.ge [sflag:s20], $0x8000  }
0x1d7: {  	[sflag:s20] =	ssyncset.done $0x0  }
0x1d8: {  	s12 =	rddreg [dreg:$0xc];
	[sflag:s20] =	ssyncadd.s32 $0xFFFF8000  }
0x1d9: {  	[tilespmem:s4], [sflag:$0x3] =	stream.linear.gather [hbm4b:s12+s4], $0x20, $0x38;
	[tilespmem:$0x18100] =	vst v63  }
0x1da: {  	_ =	swait.ge [sflag:s20], $0x20  }
0x1db: {  	[sflag:s20] =	ssyncset.done $0x0  }
0x1dc: {  	s10 =	simm.s32 $0x80;
	s13 =	rddreg [dreg:$0xd];
	[sflag:s20] =	ssyncadd.s32 $0xFFFFFFE0  }
0x1dd: {  	[tilespmem:s10], [sflag:$0x3] =	stream.linear.gather [hbm4b:s13+s4], $0x20, $0x38;
	[tilespmem:$0x18100] =	vst v63  }
0x1de: {  	_ =	swait.ge [sflag:s20], $0x20  }
0x1df: {  	[sflag:s20] =	ssyncset.done $0x0  }
0x1e0: {  	[sflag:s20] =	ssyncadd.s32 $0xFFFFFFE0  }
0x1e1: {  	v5 =	vld [tilespmem:$0x0];
	_ =	sdelay $0x4  }
0x1e2: {  	v5 =	vadd.s32 v0, v5  }
0x1e3: {  	[tilespmem:$0x0] =	vst v5  }
0x1e4: {  	v5 =	vld [tilespmem:$0x0];
	_ =	sdelay $0x4  }
0x1e5: {  	v6 =	vshll.u32 v5, $0x3  }
0x1e6: {  	v7 =	vld [tilespmem:$0x80];
	v5 =	vand.u32 $0x7, v5;
	v6 =	vand.u32 $0xFFFFFFC0, v6  }
0x1e7: {  	v8 =	vld [tilespmem:$0x10];
	v5 =	vor.u32 v5, v6  }
0x1e8: {  	v6 =	vld [tilespmem:$0x90];
	v9 =	vperm.xlane v5, v2;
	_ =	sdelay $0x1  }
0x1e9: {  	v9 =	vadd.s32 v3, v9  }
0x1ea: {  	v7 =	vadd.s32 v1, v7  }
0x1eb: {  	[tilespmem:$0x80] =	vst v7;
	v7 =	vadd.s32 v0, v8  }
0x1ec: {  	[tilespmem:$0x10] =	vst v7;
	v6 =	vadd.s32 v1, v6  }
0x1ed: {  	s10 =	simm.s32 $0x100;
	[tilespmem:$0x90] =	vst v6  }
0x1ee: {  	[tilespmem:s10], [sflag:$0x1] =	stream.indirect_vreg.gather [hbm4b:s3+s4], $0x80, v9, vm0, $0xb8;
	[tilespmem:$0x18100] =	vst v63  }
0x1ef: {  	s11 =	simm.s32 $0x900;
	v5 =	vperm.xlane v5, v4  }
0x1f0: {  	[tilespmem:s11], [sflag:$0x1] =	stream.indirect_vreg.gather [hbm4b:s6+s4], $0x80, v9, vm0, $0xb8;
	[tilespmem:$0x18100] =	vst v63  }
0x1f1: {  	s12 =	simm.s32 $0x1100;
	v5 =	vadd.s32 v3, v5  }
0x1f2: {  	[tilespmem:s12], [sflag:$0x1] =	stream.indirect_vreg.gather [hbm4b:s7+s4], $0x80, v9, vm0, $0xb8;
	[tilespmem:$0x18100] =	vst v63  }
0x1f3: {  	s13 =	simm.s32 $0x1900  }
0x1f4: {  	[tilespmem:s13], [sflag:$0x1] =	stream.indirect_vreg.gather [hbm4b:s8+s4], $0x80, v9, vm0, $0xb8;
	[tilespmem:$0x18100] =	vst v63  }
0x1f5: {  	s10 =	simm.s32 $0x2100  }
0x1f6: {  	[tilespmem:s10], [sflag:$0x1] =	stream.indirect_vreg.gather [hbm4b:s3+s4], $0x80, v5, vm0, $0xb8;
	[tilespmem:$0x18100] =	vst v63  }
0x1f7: {  	s11 =	simm.s32 $0x2900  }
0x1f8: {  	[tilespmem:s11], [sflag:$0x1] =	stream.indirect_vreg.gather [hbm4b:s6+s4], $0x80, v5, vm0, $0xb8;
	[tilespmem:$0x18100] =	vst v63  }
0x1f9: {  	s12 =	simm.s32 $0x3100  }
0x1fa: {  	[tilespmem:s12], [sflag:$0x1] =	stream.indirect_vreg.gather [hbm4b:s7+s4], $0x80, v5, vm0, $0xb8;
	[tilespmem:$0x18100] =	vst v63  }
0x1fb: {  	s13 =	simm.s32 $0x3900  }
0x1fc: {  	[tilespmem:s13], [sflag:$0x1] =	stream.indirect_vreg.gather [hbm4b:s8+s4], $0x80, v5, vm0, $0xb8;
	[tilespmem:$0x18100] =	vst v63  }
0x1fd: {  	v5 =	vld [tilespmem:$0x10];
	_ =	sdelay $0x4  }
0x1fe: {  	v6 =	vshll.u32 v5, $0x3  }
0x1ff: {  	v5 =	vand.u32 $0x7, v5;
	v6 =	vand.u32 $0xFFFFFFC0, v6  }
0x200: {  	v5 =	vor.u32 v5, v6  }
0x201: {  	v6 =	vperm.xlane v5, v2;
	_ =	sdelay $0x1  }
0x202: {  	v6 =	vadd.s32 v3, v6;
	_ =	sdelay $0x3  }
0x203: {  	s10 =	simm.s32 $0x4100  }
0x204: {  	[tilespmem:s10], [sflag:$0x1] =	stream.indirect_vreg.gather [hbm4b:s3+s4], $0x80, v6, vm0, $0xb8;
	[tilespmem:$0x18100] =	vst v63  }
0x205: {  	s11 =	simm.s32 $0x4900;
	v5 =	vperm.xlane v5, v4  }
0x206: {  	[tilespmem:s11], [sflag:$0x1] =	stream.indirect_vreg.gather [hbm4b:s6+s4], $0x80, v6, vm0, $0xb8;
	[tilespmem:$0x18100] =	vst v63  }
0x207: {  	s12 =	simm.s32 $0x5100;
	v5 =	vadd.s32 v3, v5  }
0x208: {  	[tilespmem:s12], [sflag:$0x1] =	stream.indirect_vreg.gather [hbm4b:s7+s4], $0x80, v6, vm0, $0xb8;
	[tilespmem:$0x18100] =	vst v63  }
0x209: {  	s13 =	simm.s32 $0x5900  }
0x20a: {  	[tilespmem:s13], [sflag:$0x1] =	stream.indirect_vreg.gather [hbm4b:s8+s4], $0x80, v6, vm0, $0xb8;
	[tilespmem:$0x18100] =	vst v63  }
0x20b: {  	s10 =	simm.s32 $0x6100  }
0x20c: {  	[tilespmem:s10], [sflag:$0x1] =	stream.indirect_vreg.gather [hbm4b:s3+s4], $0x80, v5, vm0, $0xb8;
	[tilespmem:$0x18100] =	vst v63  }
0x20d: {  	s11 =	simm.s32 $0x6900  }
0x20e: {  	[tilespmem:s11], [sflag:$0x1] =	stream.indirect_vreg.gather [hbm4b:s6+s4], $0x80, v5, vm0, $0xb8;
	[tilespmem:$0x18100] =	vst v63  }
0x20f: {  	s12 =	simm.s32 $0x7100  }
0x210: {  	[tilespmem:s12], [sflag:$0x1] =	stream.indirect_vreg.gather [hbm4b:s7+s4], $0x80, v5, vm0, $0xb8;
	[tilespmem:$0x18100] =	vst v63  }
0x211: {  	s13 =	simm.s32 $0x7900  }
0x212: {  	[tilespmem:s13], [sflag:$0x1] =	stream.indirect_vreg.gather [hbm4b:s8+s4], $0x80, v5, vm0, $0xb8;
	[tilespmem:$0x18100] =	vst v63  }
0x213: {  	v5 =	vld [tilespmem:$0x80];
	_ =	sdelay $0x4  }
0x214: {  	v6 =	vshll.u32 v5, $0x3  }
0x215: {  	v5 =	vand.u32 $0x7, v5;
	v6 =	vand.u32 $0xFFFFFFC0, v6  }
0x216: {  	v5 =	vor.u32 v5, v6  }
0x217: {  	v6 =	vperm.xlane v5, v2;
	_ =	sdelay $0x1  }
0x218: {  	v6 =	vadd.s32 v3, v6;
	_ =	sdelay $0x3  }
0x219: {  	s10 =	simm.s32 $0x8100  }
0x21a: {  	[tilespmem:s10], [sflag:$0x2] =	stream.indirect_vreg.gather [hbm4b:s3+s4], $0x80, v6, vm0, $0xb8;
	[tilespmem:$0x18100] =	vst v63  }
0x21b: {  	v5 =	vperm.xlane v5, v4  }
0x21c: {  	[tilespmem:s14], [sflag:$0x2] =	stream.indirect_vreg.gather [hbm4b:s6+s4], $0x80, v6, vm0, $0xb8;
	[tilespmem:$0x18100] =	vst v63  }
0x21d: {  	v5 =	vadd.s32 v3, v5  }
0x21e: {  	[tilespmem:s15], [sflag:$0x2] =	stream.indirect_vreg.gather [hbm4b:s7+s4], $0x80, v6, vm0, $0xb8;
	[tilespmem:$0x18100] =	vst v63  }
0x21f: {  	_ = 	snop  }
0x220: {  	[tilespmem:s16], [sflag:$0x2] =	stream.indirect_vreg.gather [hbm4b:s8+s4], $0x80, v6, vm0, $0xb8;
	[tilespmem:$0x18100] =	vst v63  }
0x221: {  	_ = 	snop  }
0x222: {  	[tilespmem:s17], [sflag:$0x2] =	stream.indirect_vreg.gather [hbm4b:s3+s4], $0x80, v5, vm0, $0xb8;
	[tilespmem:$0x18100] =	vst v63  }
0x223: {  	_ = 	snop  }
0x224: {  	[tilespmem:s18], [sflag:$0x2] =	stream.indirect_vreg.gather [hbm4b:s6+s4], $0x80, v5, vm0, $0xb8;
	[tilespmem:$0x18100] =	vst v63  }
0x225: {  	_ = 	snop  }
0x226: {  	[tilespmem:s19], [sflag:$0x2] =	stream.indirect_vreg.gather [hbm4b:s7+s4], $0x80, v5, vm0, $0xb8;
	[tilespmem:$0x18100] =	vst v63  }
0x227: {  	_ = 	snop  }
0x228: {  	[tilespmem:s9], [sflag:$0x2] =	stream.indirect_vreg.gather [hbm4b:s8+s4], $0x80, v5, vm0, $0xb8;
	[tilespmem:$0x18100] =	vst v63  }
0x229: {  	v5 =	vld [tilespmem:$0x90];
	_ =	sdelay $0x4  }
0x22a: {  	v6 =	vshll.u32 v5, $0x3  }
0x22b: {  	v5 =	vand.u32 $0x7, v5;
	v6 =	vand.u32 $0xFFFFFFC0, v6  }
0x22c: {  	v5 =	vor.u32 v5, v6  }
0x22d: {  	v6 =	vperm.xlane v5, v2;
	_ =	sdelay $0x1  }
0x22e: {  	v6 =	vadd.s32 v3, v6;
	_ =	sdelay $0x4  }
0x22f: {  	[tilespmem:s21], [sflag:$0x2] =	stream.indirect_vreg.gather [hbm4b:s3+s4], $0x80, v6, vm0, $0xb8;
	[tilespmem:$0x18100] =	vst v63  }
0x230: {  	v5 =	vperm.xlane v5, v4  }
0x231: {  	[tilespmem:s22], [sflag:$0x2] =	stream.indirect_vreg.gather [hbm4b:s6+s4], $0x80, v6, vm0, $0xb8;
	[tilespmem:$0x18100] =	vst v63  }
0x232: {  	v5 =	vadd.s32 v3, v5  }
0x233: {  	[tilespmem:s23], [sflag:$0x2] =	stream.indirect_vreg.gather [hbm4b:s7+s4], $0x80, v6, vm0, $0xb8;
	[tilespmem:$0x18100] =	vst v63  }
0x234: {  	_ = 	snop  }
0x235: {  	[tilespmem:s24], [sflag:$0x2] =	stream.indirect_vreg.gather [hbm4b:s8+s4], $0x80, v6, vm0, $0xb8;
	[tilespmem:$0x18100] =	vst v63  }
0x236: {  	_ = 	snop  }
0x237: {  	[tilespmem:s25], [sflag:$0x2] =	stream.indirect_vreg.gather [hbm4b:s3+s4], $0x80, v5, vm0, $0xb8;
	[tilespmem:$0x18100] =	vst v63  }
0x238: {  	_ = 	snop  }
0x239: {  	[tilespmem:s26], [sflag:$0x2] =	stream.indirect_vreg.gather [hbm4b:s6+s4], $0x80, v5, vm0, $0xb8;
	[tilespmem:$0x18100] =	vst v63  }
0x23a: {  	_ = 	snop  }
0x23b: {  	[tilespmem:s28], [sflag:$0x2] =	stream.indirect_vreg.gather [hbm4b:s7+s4], $0x80, v5, vm0, $0xb8;
	[tilespmem:$0x18100] =	vst v63  }
0x23c: {  	_ = 	snop  }
0x23d: {  	[tilespmem:s29], [sflag:$0x2] =	stream.indirect_vreg.gather [hbm4b:s8+s4], $0x80, v5, vm0, $0xb8;
	[tilespmem:$0x18100] =	vst v63  }
0x23e: {  	_ =	swait.ge [sflag:s30], $0x8000  }
0x23f: {  	s11 =	simm.s32 $0x0;
	[sflag:s30] =	ssyncset.done $0x0  }
0x240: {  	s5 =	sand.u32 $0x6000, s11;
	[sflag:s30] =	ssyncadd.s32 $0xFFFF8000  }
0x241: {  	s11 =	simm.s32 $0x0;
	s12 =	sand.u32 $0x1C00, s4;
	_ =	swait.ge [sflag:s31], $0x8000  }
0x242: {  	s5 =	sor.u32 s12, s5;
	s13 =	sand.u32 $0x380, s11;
	[sflag:s31] =	ssyncset.done $0x0  }
0x243: {  	s5 =	sor.u32 s13, s5;
	[sflag:s31] =	ssyncadd.s32 $0xFFFF8000  }
0x244: {  	v5 =	vld [tilespmem:s5+$0x170]  }
0x245: {  	v6 =	vld [tilespmem:s5+$0x8170]  }
0x246: {  	v7 =	vld [tilespmem:s5+$0x100]  }
0x247: {  	v10 =	vld [tilespmem:s5+$0x8100]  }
0x248: {  	v11 =	vld [tilespmem:s5+$0x110]  }
0x249: {  	v63 =	vld [tilespmem:s5+$0x8110]  }
0x24a: {  	v8 =	vld [tilespmem:s5+$0x120]  }
0x24b: {  	v9 =	vld [tilespmem:s5+$0x8120];
	v6 =	vadd.f32 v6, v5  }
0x24c: {  	v5 =	vld [tilespmem:s5+$0x130];
	v10 =	vadd.f32 v10, v7  }
0x24d: {  	v7 =	vld [tilespmem:s5+$0x8130];
	[tilespmem:s5+$0x10170] =	vst v6  }
0x24e: {  	s10 =	simm.s32 $0x0;
	[tilespmem:s5+$0x10100] =	vst v10;
	v10 =	vadd.f32 v63, v11;
	v6 =	vld [tilespmem:s5+$0x140]  }
.LBB2_8:
0x24f: {  	s10 =	sadd.s32 $0x8, s10;
	v11 =	vld [tilespmem:s5+$0x8140]  }
0x250: {  	s4 =	sadd.s32 $0x400, s4;
	s11 =	sshll.u32 s10, $0x4;
	p0 =	slt.u32 s10, $0x7F8;
	[tilespmem:s5+$0x10110] =	vst v10;
	v8 =	vadd.f32 v9, v8;
	v9 =	vld [tilespmem:s5+$0x150]  }
0x251: {  	s12 =	sand.u32 $0x1C00, s4;
	s13 =	sshll.u32 s10, $0x1;
	s11 =	sand.u32 $0x6000, s11;
	v10 =	vld [tilespmem:s5+$0x8150]  }
0x252: {  	s11 =	sor.u32 s12, s11;
	s12 =	sand.u32 $0x380, s13;
	[tilespmem:s5+$0x10120] =	vst v8;
	v5 =	vadd.f32 v7, v5;
	v7 =	vld [tilespmem:s5+$0x160]  }
0x253: {  	s11 =	sor.u32 s12, s11;
	v8 =	vld [tilespmem:s5+$0x8160]  }
0x254: {  	v12 =	vld [tilespmem:s11+$0x170];
	[tilespmem:s5+$0x10130] =	vst v5;
	v5 =	vadd.f32 v11, v6  }
0x255: {  	v6 =	vld [tilespmem:s11+$0x8170]  }
0x256: {  	v11 =	vld [tilespmem:s11+$0x100];
	[tilespmem:s5+$0x10140] =	vst v5;
	v5 =	vadd.f32 v10, v9  }
0x257: {  	v10 =	vld [tilespmem:s11+$0x8100]  }
0x258: {  	v13 =	vld [tilespmem:s11+$0x110];
	[tilespmem:s5+$0x10150] =	vst v5;
	v5 =	vadd.f32 v8, v7  }
0x259: {  	v14 =	vld [tilespmem:s11+$0x8110]  }
.Ltmp3:
0x25a: {  	v8 =	vld [tilespmem:s11+$0x120];
	v6 =	vadd.f32 v6, v12;
	[tilespmem:s5+$0x10160] =	vst v5;
	s5 =	smov.u32 s11;
	(pc) =	sbr.rel @p0 .LBB2_8-.Ltmp3, $4  }
0x25b: {  	v9 =	vld [tilespmem:s5+$0x8120]  }
0x25c: {  	v10 =	vadd.f32 v10, v11;
	v5 =	vld [tilespmem:s5+$0x130];
	[tilespmem:s5+$0x10170] =	vst v6  }
0x25d: {  	v7 =	vld [tilespmem:s5+$0x8130]  }
0x25e: {  	[tilespmem:s5+$0x10100] =	vst v10;
	v10 =	vadd.f32 v14, v13;
	v6 =	vld [tilespmem:s5+$0x140]  }
0x25f: {  	v11 =	vld [tilespmem:s5+$0x8140]  }
0x260: {  	v61 =	vld [tilespmem:s5+$0x150]  }
0x261: {  	v62 =	vld [tilespmem:s5+$0x8150]  }
0x262: {  	v63 =	vld [tilespmem:s5+$0x160]  }
0x263: {  	v12 =	vld [tilespmem:s5+$0x8160]  }
0x264: {  	v8 =	vadd.f32 v9, v8  }
0x265: {  	[tilespmem:s5+$0x10110] =	vst v10;
	v5 =	vadd.f32 v7, v5  }
0x266: {  	[tilespmem:s5+$0x10120] =	vst v8;
	v6 =	vadd.f32 v11, v6  }
0x267: {  	[tilespmem:s5+$0x10130] =	vst v5;
	v5 =	vadd.f32 v62, v61  }
0x268: {  	[tilespmem:s5+$0x10140] =	vst v6;
	v6 =	vadd.f32 v12, v63  }
0x269: {  	[tilespmem:s5+$0x10150] =	vst v5  }
0x26a: {  	s4 =	rddreg [dreg:$0xe];
	[tilespmem:s5+$0x10160] =	vst v6  }
0x26b: {  	[hbm4b:s4+s2] =	stream.linear.scatter [tilespmem:s0], [sflag:$0x3], $0x8000, $0x38;
	[tilespmem:$0x18100] =	vst v63  }
0x26c: {  	_ =	swait.ge [sflag:s20], $0x8000  }
0x26d: {  	s1 =	sadd.s32 $0x1, s1;
	s13 =	rddreg [dreg:$0xf]  }
0x26e: {  	p0 =	sne.s32 s1, s13  }
.Ltmp4:
0x26f: {  	_ = 	snop;
	(pc) =	sbr.rel @p0 .LBB2_1-.Ltmp4, $3  }
0x270: {  	_ =	sdelay $0x1  }
0x271: {  	[sflag:s20] =	ssyncset.done $0x0  }
0x272: {  	[sflag:s20] =	ssyncadd.s32 $0xFFFF8000  }
0x273: {  	_ =	sfence.sel $0x180000  }
0x274: {  	[bflag:$0x0] =	sbarrier.arrive $0xFFFF  }
0x275: {  	_ =	strace $0x90000047  }
0x276: {  	s0 =	stileid.u32;
	[bflag:$0x2] =	sbarrier.arrive $0xFFFF  }
0x277: {  	p0 =	sne.s32 s0, $0x0;
	s0 =	rddreg [dreg:$0x2]  }
0x278: {  	s0 =	sadd.s32 @!p0 $0x100000, s0  }
0x279: {  	[sflag:s0] =	ssyncadd.tile.s32 @!p0 $0x1;
	_ =	shalt  }
.Lfunc_end2:
_tile_overlayer_lowered:
.L_overlay_start_2:
0x27a: {  	(tag) =	ssettag $0x2  }
0x27b: {  	s0 =	rddreg [dreg:$0x0];
	s2 =	stileid.u32  }
0x27c: {  	s1 =	rddreg [dreg:$0x1];
	p0 =	sne.s32 s2, $0x0  }
0x27d: {  	s3 =	rddreg [dreg:$0x2];
	[bflag:$0x3] =	sbarrier.arrive $0xFFFF;
	s2 =	simm.s32 @!p0 $0x1C03  }
0x27e: {  	[timem:s3], [sflag:s2] =	dma.local @!p0 [hbm:s0], s1  }
0x27f: {  	s0 =	simm.s32 @!p0 $0x3  }
0x280: {  	_ =	swait.ge @!p0 [sflag:s0], s1  }
0x281: {  	s1 =	ssub.s32 @!p0 $0x0, s1;
	[sflag:s0] =	ssyncset.done @!p0 $0x0  }
0x282: {  	[sflag:s0] =	ssyncadd.s32 @!p0 s1  }
0x283: {  	[bflag:$0x3] =	sbarrier.arrive $0xFFFF  }
0x284: {  	_ =	shalt  }

</sc_bundles>
